<compile_context>
chip_gen: v7x
topology: tpu7x:2x2x1
jax: 0.10.2.dev20260603
libtpu: 0.0.44.dev20260713+nightly
codegen_flags: <defaults>
</compile_context>

<pallas_src>
import functools

import jax
import jax.numpy as jnp
from jax import lax
from jax.experimental import pallas as pl
from jax.experimental.pallas import tpu as pltpu
from jax.experimental.pallas import tpu_sc as plsc

_N = 10000
_E = 320000
_D = 128

_NC = 2
_NS = 16
_NW = _NC * _NS
_EPW = _E // _NW
_CH = 100
_CHA = 48
_CHB = _CH - _CHA
_NCH = _EPW // _CH
_NP = 10240
_RPT = _NP // _NS
_CW = 16

_BLK = 1000


def _norm_body(h_ref, o_ref):
    h = h_ref[...]
    n = jnp.sqrt(jnp.sum(h * h, axis=1, keepdims=True)) + 1e-8
    o_ref[...] = h / n


def _normalize(H):
    return pl.pallas_call(
        _norm_body,
        grid=(_N // _BLK,),
        in_specs=[pl.BlockSpec((_BLK, _D), lambda i: (i, 0))],
        out_specs=pl.BlockSpec((_BLK, _D), lambda i: (i, 0)),
        out_shape=jax.ShapeDtypeStruct((_N, _D), jnp.float32),
    )(H)


@functools.cache
def _build_segsum():
    mesh = plsc.VectorSubcoreMesh(core_axis_name="c", subcore_axis_name="s",
                                  num_cores=_NC, num_subcores=_NS)

    @functools.partial(
        pl.kernel,
        out_type=(
            jax.ShapeDtypeStruct((_NC, _NP, _D), jnp.float32),
            jax.ShapeDtypeStruct((_NC, _NP, _CW), jnp.float32),
        ),
        mesh=mesh,
        compiler_params=pltpu.CompilerParams(use_tc_tiling_on_sc=False),
        scratch_types=[
            pltpu.VMEM((_NCH, _CH), jnp.int32),
            pltpu.VMEM((_CH,), jnp.int32),
            pltpu.VMEM((_CH,), jnp.int32),
            pltpu.VMEM((_CH, _D), jnp.float32),
            pltpu.VMEM((_CH, _D), jnp.float32),
            pltpu.VMEM((_CH, _CW), jnp.float32),
            pltpu.VMEM_SHARED((_NP, _D), jnp.float32),
            pltpu.VMEM_SHARED((_NP, _CW), jnp.float32),
            pltpu.SemaphoreType.DMA,
            pltpu.SemaphoreType.DMA,
            pltpu.SemaphoreType.DMA,
            pltpu.SemaphoreType.DMA,
            pltpu.SemaphoreType.DMA,
        ],
    )
    def _segsum(hn, src_r, dst_r, sum_out, cnt_out,
                src_v, dst0_v, dst1_v, rows0_v, rows1_v, ones_v,
                acc_sh, cnt_sh, s0a, s0b, s1a, s1b, osem):
        cid = lax.axis_index("c")
        sid = lax.axis_index("s")
        wid = cid * _NS + sid

        def gather(dst_b, rows_b, sa, sb):
            pltpu.async_copy(hn.at[dst_b.at[pl.ds(0, _CHA)]],
                             rows_b.at[pl.ds(0, _CHA)], sa)
            pltpu.async_copy(hn.at[dst_b.at[pl.ds(_CHA, _CHB)]],
                             rows_b.at[pl.ds(_CHA, _CHB)], sb)

        def gwait(dst_b, rows_b, sa, sb):
            pltpu.make_async_copy(hn.at[dst_b.at[pl.ds(0, _CHA)]],
                                  rows_b.at[pl.ds(0, _CHA)], sa).wait()
            pltpu.make_async_copy(hn.at[dst_b.at[pl.ds(_CHA, _CHB)]],
                                  rows_b.at[pl.ds(_CHA, _CHB)], sb).wait()

        def zrow(r, carry):
            for c in range(_D // 16):
                rows0_v[r, pl.ds(c * 16, 16)] = jnp.zeros((16,), jnp.float32)
            ones_v[r, pl.ds(0, _CW)] = jnp.zeros((_CW,), jnp.float32)
            return carry

        lax.fori_loop(0, _CH, zrow, 0)
        z0 = pl.multiple_of(sid * _RPT, 8)
        for b in range(_RPT // 80):
            zb = pl.multiple_of(z0 + b * 80, 8)
            pltpu.sync_copy(rows0_v.at[pl.ds(0, 80)], acc_sh.at[pl.ds(zb, 80)])
            pltpu.sync_copy(ones_v.at[pl.ds(0, 80)], cnt_sh.at[pl.ds(zb, 80)])

        def orow(r, carry):
            ones_v[r, pl.ds(0, _CW)] = jnp.ones((_CW,), jnp.float32)
            return carry

        lax.fori_loop(0, _CH, orow, 0)

        pltpu.sync_copy(src_r.at[wid], src_v)
        pltpu.sync_copy(dst_r.at[wid, 0], dst0_v)
        plsc.subcore_barrier()

        gather(dst0_v, rows0_v, s0a, s0b)

        def step(j2, carry):
            j = 2 * j2
            pltpu.sync_copy(dst_r.at[wid, j + 1], dst1_v)
            gather(dst1_v, rows1_v, s1a, s1b)
            gwait(dst0_v, rows0_v, s0a, s0b)
            pltpu.async_copy(ones_v, cnt_sh.at[src_v.at[j]], osem, add=True)
            pltpu.sync_copy(rows0_v, acc_sh.at[src_v.at[j]], add=True)

            @pl.when(j2 < _NCH // 2 - 1)
            def _():
                pltpu.sync_copy(dst_r.at[wid, j + 2], dst0_v)
                gather(dst0_v, rows0_v, s0a, s0b)

            gwait(dst1_v, rows1_v, s1a, s1b)
            pltpu.async_copy(ones_v, cnt_sh.at[src_v.at[j + 1]], osem,
                             add=True)
            pltpu.sync_copy(rows1_v, acc_sh.at[src_v.at[j + 1]], add=True)
            return carry

        lax.fori_loop(0, _NCH // 2, step, 0)

        def drain(j, carry):
            pltpu.make_async_copy(ones_v, cnt_sh.at[src_v.at[0]],
                                  osem).wait()
            return carry

        lax.fori_loop(0, _NCH, drain, 0)
        plsc.subcore_barrier()

        for b in range(_RPT // 80):
            r0 = pl.multiple_of(sid * _RPT + b * 80, 8)
            pltpu.sync_copy(acc_sh.at[pl.ds(r0, 80)], rows0_v.at[pl.ds(0, 80)])
            pltpu.sync_copy(rows0_v.at[pl.ds(0, 80)],
                            sum_out.at[cid, pl.ds(r0, 80)])
            pltpu.sync_copy(cnt_sh.at[pl.ds(r0, 80)], ones_v.at[pl.ds(0, 80)])
            pltpu.sync_copy(ones_v.at[pl.ds(0, 80)],
                            cnt_out.at[cid, pl.ds(r0, 80)])

    return _segsum


def _fin_body(a_ref, hn_ref, s_ref, c_ref, o_ref):
    hn = hn_ref[...]
    s = s_ref[0] + s_ref[1]
    cnt = c_ref[0, :, 0:1] + c_ref[1, :, 0:1]
    curv = jnp.clip(a_ref[0], 1e-8, 1.0)
    cos = jnp.sum(hn * s, axis=1, keepdims=True)
    v = (s - cos * hn) * (curv / jnp.maximum(cnt, 1.0))
    n2 = jnp.sqrt(jnp.sum(v * v, axis=1, keepdims=True)) + 1e-8
    o_ref[...] = v / n2


def _finalize(a, hn, sums, cnts):
    return pl.pallas_call(
        _fin_body,
        grid=(_N // _BLK,),
        in_specs=[
            pl.BlockSpec(memory_space=pltpu.SMEM),
            pl.BlockSpec((_BLK, _D), lambda i: (i, 0)),
            pl.BlockSpec((_NC, _BLK, _D), lambda i: (0, i, 0)),
            pl.BlockSpec((_NC, _BLK, _CW), lambda i: (0, i, 0)),
        ],
        out_specs=pl.BlockSpec((_BLK, _D), lambda i: (i, 0)),
        out_shape=jax.ShapeDtypeStruct((_N, _D), jnp.float32),
    )(a, hn, sums, cnts)


@jax.jit
def kernel(t, H, edge_index, a):
    src = edge_index[0].astype(jnp.int32).reshape(_NW, _NCH, _CH)
    dst = edge_index[1].astype(jnp.int32).reshape(_NW, _NCH, _CH)
    hn = _normalize(H)
    sums, cnts = _build_segsum()(hn, src, dst)
    return _finalize(jnp.reshape(a, (1,)), hn, sums, cnts)

# --- scband reference (transcript-rebuilt; emitter-appended) ---
"""Pipeline reference for scband-gnrf-76647986365056 (READ-ONLY COPY).

The authoritative reference and input builder live on the scoring server;
editing this copy changes nothing except your own understanding.
"""

import jax, jax.numpy as jnp
import numpy as np

N_NODES = 10000
N_EDGES = 320000
D = 128

def setup_inputs(seed: int = 0) -> dict:
    key = jax.random.key(seed)
    k1, k2 = jax.random.split(key)
    H = jax.random.normal(k1, (N_NODES, D), dtype=jnp.float32)
    edge_index = jax.random.randint(k2, (2, N_EDGES), 0, N_NODES, dtype=jnp.int64 if jax.config.jax_enable_x64 else jnp.int32)
    a = jnp.array(0.5, dtype=jnp.float32)  # learned scalar parameter (edgenet=False branch)
    t = 0  # ODE time, unused by forward
    return {"t": t, "H": H, "edge_index": edge_index, "a": a}

def reference(t, H, edge_index, a):
    # damping=True: normalize node states
    norm = jnp.linalg.norm(H, ord=2, axis=1, keepdims=True) + 1e-08
    H = H / norm
    # gather endpoints (memory-bound)
    src = edge_index[0]
    dst = edge_index[1]
    H_i = jnp.take(H, src, axis=0)
    H_j = jnp.take(H, dst, axis=0)
    # edgenet=False: scalar curvature parameter, clamped
    curv = jnp.clip(a, 1e-08, 1.0)
    # damping=True branch: tangential component
    cos = jnp.sum(H_i * H_j, axis=1, keepdims=True)
    H_edge = curv * (H_j - cos * H_i)
    # scatter-mean over destination index edge_index[0]
    sums = jax.ops.segment_sum(H_edge, src, num_segments=N_NODES)
    counts = jax.ops.segment_sum(jnp.ones((H_edge.shape[0], 1), dtype=H_edge.dtype), src, num_segments=N_NODES)
    H_out = sums / jnp.maximum(counts, 1.0)
    # damping=True: renormalize output
    norm2 = jnp.linalg.norm(H_out, ord=2, axis=1, keepdims=True) + 1e-08
    H_out = H_out / norm2
    return H_out

if __name__ == "__main__":
    import jax
    _d = setup_inputs()
    print(jax.jit(kernel)(*tuple(_d.values())))

</pallas_src>

<mosaic_0001>
#map = affine_map<(d0, d1) -> (0, 0)>
#map1 = affine_map<(d0, d1) -> (0, 0, 0)>
module attributes {stable_mosaic.version = 14 : i64} {
  func.func @_segsum(%arg0: i32, %arg1: i32, %arg2: memref<10000x128xf32, #tpu.memory_space<hbm>>, %arg3: memref<32x100x100xi32, #tpu.memory_space<hbm>>, %arg4: memref<32x100x100xi32, #tpu.memory_space<hbm>>, %arg5: memref<2x10240x128xf32, #tpu.memory_space<hbm>>, %arg6: memref<2x10240x16xf32, #tpu.memory_space<hbm>>, %arg7: memref<100x100xi32, #tpu.memory_space<vmem>>, %arg8: memref<100xi32, #tpu.memory_space<vmem>>, %arg9: memref<100xi32, #tpu.memory_space<vmem>>, %arg10: memref<100x128xf32, #tpu.memory_space<vmem>>, %arg11: memref<100x128xf32, #tpu.memory_space<vmem>>, %arg12: memref<100x16xf32, #tpu.memory_space<vmem>>, %arg13: memref<10240x128xf32, #tpu.memory_space<vmem_shared>>, %arg14: memref<10240x16xf32, #tpu.memory_space<vmem_shared>>, %arg15: memref<!tpu.dma_semaphore, #tpu.memory_space<semaphore_mem>>, %arg16: memref<!tpu.dma_semaphore, #tpu.memory_space<semaphore_mem>>, %arg17: memref<!tpu.dma_semaphore, #tpu.memory_space<semaphore_mem>>, %arg18: memref<!tpu.dma_semaphore, #tpu.memory_space<semaphore_mem>>, %arg19: memref<!tpu.dma_semaphore, #tpu.memory_space<semaphore_mem>>) attributes {dimension_semantics = [#tpu.dimension_semantics<core_parallel>, #tpu.dimension_semantics<subcore_parallel>], iteration_bounds = array<i64: 2, 16>, scalar_prefetch = 0 : i64, scratch_operands = 13 : i64, tpu.core_type = #tpu.core_type<sc_vector_subcore>, window_params = [{transform_indices = #map}, {transform_indices = #map1}, {transform_indices = #map1}, {transform_indices = #map1}, {transform_indices = #map1}]} {
    %mul3A = arith.constant 16 : i32
    %mul3A_0 = arith.muli %arg0, %mul3A : i32
    %add3A = arith.addi %mul3A_0, %arg1 : i32
    %scan3A = arith.constant 0 : i32
    %scan3A_1 = arith.constant 0 : i32
    %scan3A_2 = arith.constant 100 : i32
    %scan3A_3 = arith.addi %scan3A_1, %scan3A_2 : i32
    %scan3A_4 = arith.constant 1 : i32
    scf.for %scan3A_106 = %scan3A_1 to %scan3A_3 step %scan3A_4  : i32 {
      %broadcast_in_dim3A = arith.constant 0.000000e+00 : f32
      %broadcast_in_dim3A_107 = vector.broadcast %broadcast_in_dim3A : f32 to vector<16xf32>
      %swap3A = arith.index_cast %scan3A_106 : i32 to index
      %swap3A_108 = arith.constant 0 : index
      %swap3A_109 = tpu.vector_load %arg10[%swap3A, %swap3A_108] {strides = array<i32>} : memref<100x128xf32, #tpu.memory_space<vmem>>, vector<1x16xf32>,
      %swap3A_110 = vector.shape_cast %swap3A_109 : vector<1x16xf32> to vector<16xf32>
      %swap3A_111 = vector.shape_cast %broadcast_in_dim3A_107 : vector<16xf32> to vector<1x16xf32>
      tpu.vector_store %arg10[%swap3A, %swap3A_108], %swap3A_111 {strides = array<i32>} : memref<100x128xf32, #tpu.memory_space<vmem>>, vector<1x16xf32>,
      %broadcast_in_dim3A_112 = arith.constant 0.000000e+00 : f32
      %broadcast_in_dim3A_113 = vector.broadcast %broadcast_in_dim3A_112 : f32 to vector<16xf32>
      %swap3A_114 = arith.index_cast %scan3A_106 : i32 to index
      %swap3A_115 = arith.constant 16 : index
      %swap3A_116 = tpu.vector_load %arg10[%swap3A_114, %swap3A_115] {strides = array<i32>} : memref<100x128xf32, #tpu.memory_space<vmem>>, vector<1x16xf32>,
      %swap3A_117 = vector.shape_cast %swap3A_116 : vector<1x16xf32> to vector<16xf32>
      %swap3A_118 = vector.shape_cast %broadcast_in_dim3A_113 : vector<16xf32> to vector<1x16xf32>
      tpu.vector_store %arg10[%swap3A_114, %swap3A_115], %swap3A_118 {strides = array<i32>} : memref<100x128xf32, #tpu.memory_space<vmem>>, vector<1x16xf32>,
      %broadcast_in_dim3A_119 = arith.constant 0.000000e+00 : f32
      %broadcast_in_dim3A_120 = vector.broadcast %broadcast_in_dim3A_119 : f32 to vector<16xf32>
      %swap3A_121 = arith.index_cast %scan3A_106 : i32 to index
      %swap3A_122 = arith.constant 32 : index
      %swap3A_123 = tpu.vector_load %arg10[%swap3A_121, %swap3A_122] {strides = array<i32>} : memref<100x128xf32, #tpu.memory_space<vmem>>, vector<1x16xf32>,
      %swap3A_124 = vector.shape_cast %swap3A_123 : vector<1x16xf32> to vector<16xf32>
      %swap3A_125 = vector.shape_cast %broadcast_in_dim3A_120 : vector<16xf32> to vector<1x16xf32>
      tpu.vector_store %arg10[%swap3A_121, %swap3A_122], %swap3A_125 {strides = array<i32>} : memref<100x128xf32, #tpu.memory_space<vmem>>, vector<1x16xf32>,
      %broadcast_in_dim3A_126 = arith.constant 0.000000e+00 : f32
      %broadcast_in_dim3A_127 = vector.broadcast %broadcast_in_dim3A_126 : f32 to vector<16xf32>
      %swap3A_128 = arith.index_cast %scan3A_106 : i32 to index
      %swap3A_129 = arith.constant 48 : index
      %swap3A_130 = tpu.vector_load %arg10[%swap3A_128, %swap3A_129] {strides = array<i32>} : memref<100x128xf32, #tpu.memory_space<vmem>>, vector<1x16xf32>,
      %swap3A_131 = vector.shape_cast %swap3A_130 : vector<1x16xf32> to vector<16xf32>
      %swap3A_132 = vector.shape_cast %broadcast_in_dim3A_127 : vector<16xf32> to vector<1x16xf32>
      tpu.vector_store %arg10[%swap3A_128, %swap3A_129], %swap3A_132 {strides = array<i32>} : memref<100x128xf32, #tpu.memory_space<vmem>>, vector<1x16xf32>,
      %broadcast_in_dim3A_133 = arith.constant 0.000000e+00 : f32
      %broadcast_in_dim3A_134 = vector.broadcast %broadcast_in_dim3A_133 : f32 to vector<16xf32>
      %swap3A_135 = arith.index_cast %scan3A_106 : i32 to index
      %swap3A_136 = arith.constant 64 : index
      %swap3A_137 = tpu.vector_load %arg10[%swap3A_135, %swap3A_136] {strides = array<i32>} : memref<100x128xf32, #tpu.memory_space<vmem>>, vector<1x16xf32>,
      %swap3A_138 = vector.shape_cast %swap3A_137 : vector<1x16xf32> to vector<16xf32>
      %swap3A_139 = vector.shape_cast %broadcast_in_dim3A_134 : vector<16xf32> to vector<1x16xf32>
      tpu.vector_store %arg10[%swap3A_135, %swap3A_136], %swap3A_139 {strides = array<i32>} : memref<100x128xf32, #tpu.memory_space<vmem>>, vector<1x16xf32>,
      %broadcast_in_dim3A_140 = arith.constant 0.000000e+00 : f32
      %broadcast_in_dim3A_141 = vector.broadcast %broadcast_in_dim3A_140 : f32 to vector<16xf32>
      %swap3A_142 = arith.index_cast %scan3A_106 : i32 to index
      %swap3A_143 = arith.constant 80 : index
      %swap3A_144 = tpu.vector_load %arg10[%swap3A_142, %swap3A_143] {strides = array<i32>} : memref<100x128xf32, #tpu.memory_space<vmem>>, vector<1x16xf32>,
      %swap3A_145 = vector.shape_cast %swap3A_144 : vector<1x16xf32> to vector<16xf32>
      %swap3A_146 = vector.shape_cast %broadcast_in_dim3A_141 : vector<16xf32> to vector<1x16xf32>
      tpu.vector_store %arg10[%swap3A_142, %swap3A_143], %swap3A_146 {strides = array<i32>} : memref<100x128xf32, #tpu.memory_space<vmem>>, vector<1x16xf32>,
      %broadcast_in_dim3A_147 = arith.constant 0.000000e+00 : f32
      %broadcast_in_dim3A_148 = vector.broadcast %broadcast_in_dim3A_147 : f32 to vector<16xf32>
      %swap3A_149 = arith.index_cast %scan3A_106 : i32 to index
      %swap3A_150 = arith.constant 96 : index
      %swap3A_151 = tpu.vector_load %arg10[%swap3A_149, %swap3A_150] {strides = array<i32>} : memref<100x128xf32, #tpu.memory_space<vmem>>, vector<1x16xf32>,
      %swap3A_152 = vector.shape_cast %swap3A_151 : vector<1x16xf32> to vector<16xf32>
      %swap3A_153 = vector.shape_cast %broadcast_in_dim3A_148 : vector<16xf32> to vector<1x16xf32>
      tpu.vector_store %arg10[%swap3A_149, %swap3A_150], %swap3A_153 {strides = array<i32>} : memref<100x128xf32, #tpu.memory_space<vmem>>, vector<1x16xf32>,
      %broadcast_in_dim3A_154 = arith.constant 0.000000e+00 : f32
      %broadcast_in_dim3A_155 = vector.broadcast %broadcast_in_dim3A_154 : f32 to vector<16xf32>
      %swap3A_156 = arith.index_cast %scan3A_106 : i32 to index
      %swap3A_157 = arith.constant 112 : index
      %swap3A_158 = tpu.vector_load %arg10[%swap3A_156, %swap3A_157] {strides = array<i32>} : memref<100x128xf32, #tpu.memory_space<vmem>>, vector<1x16xf32>,
      %swap3A_159 = vector.shape_cast %swap3A_158 : vector<1x16xf32> to vector<16xf32>
      %swap3A_160 = vector.shape_cast %broadcast_in_dim3A_155 : vector<16xf32> to vector<1x16xf32>
      tpu.vector_store %arg10[%swap3A_156, %swap3A_157], %swap3A_160 {strides = array<i32>} : memref<100x128xf32, #tpu.memory_space<vmem>>, vector<1x16xf32>,
      %broadcast_in_dim3A_161 = arith.constant 0.000000e+00 : f32
      %broadcast_in_dim3A_162 = vector.broadcast %broadcast_in_dim3A_161 : f32 to vector<16xf32>
      %swap3A_163 = arith.index_cast %scan3A_106 : i32 to index
      %swap3A_164 = arith.constant 0 : index
      %swap3A_165 = tpu.vector_load %arg12[%swap3A_163, %swap3A_164] {strides = array<i32>} : memref<100x16xf32, #tpu.memory_space<vmem>>, vector<1x16xf32>,
      %swap3A_166 = vector.shape_cast %swap3A_165 : vector<1x16xf32> to vector<16xf32>
      %swap3A_167 = vector.shape_cast %broadcast_in_dim3A_162 : vector<16xf32> to vector<1x16xf32>
      tpu.vector_store %arg12[%swap3A_163, %swap3A_164], %swap3A_167 {strides = array<i32>} : memref<100x16xf32, #tpu.memory_space<vmem>>, vector<1x16xf32>,
    }
    %scan3A_5 = arith.constant 100 : i32
    %mul3A_6 = arith.constant 640 : i32
    %mul3A_7 = arith.muli %arg1, %mul3A_6 : i32
    %multiple_of3A = tpu.assume_multiple %mul3A_7, 8 : i32
    %add3A_8 = arith.constant 0 : i32
    %add3A_9 = arith.addi %multiple_of3A, %add3A_8 : i32
    %multiple_of3A_10 = tpu.assume_multiple %add3A_9, 8 : i32
    "tpu.region"() ({
      %run_scoped3A_106 = tpu.sem_alloc : memref<!tpu.dma_semaphore, #tpu.memory_space<semaphore_mem>>
      %dma_start3A_107 = arith.constant 0 : i32
      %dma_start3A_108 = arith.constant 0 : i32
      %dma_start3A_109 = tpu.memref_slice %arg10[%dma_start3A_107, %dma_start3A_108] : memref<100x128xf32, #tpu.memory_space<vmem>> -> memref<80x128xf32, #tpu.memory_space<vmem>>
      %dma_start3A_110 = arith.constant 0 : i32
      %dma_start3A_111 = tpu.memref_slice %arg13[%multiple_of3A_10, %dma_start3A_110] : memref<10240x128xf32, #tpu.memory_space<vmem_shared>> -> memref<80x128xf32, #tpu.memory_space<vmem_shared>>
      %dma_start3A_112 = arith.constant 0 : i32
      %dma_start3A_113 = tpu.memref_slice %arg13[%multiple_of3A_10, %dma_start3A_112] : memref<10240x128xf32, #tpu.memory_space<vmem_shared>> -> memref<80x128xf32, #tpu.memory_space<vmem_shared>>
      %dma_start3A_114 = arith.constant 0 : i32
      %dma_start3A_115 = arith.constant 0 : i32
      %dma_start3A_116 = tpu.memref_slice %arg10[%dma_start3A_114, %dma_start3A_115] : memref<100x128xf32, #tpu.memory_space<vmem>> -> memref<80x128xf32, #tpu.memory_space<vmem>>
      tpu.enqueue_dma source(%dma_start3A_116 : memref<80x128xf32, #tpu.memory_space<vmem>>) target(%dma_start3A_113 : memref<80x128xf32, #tpu.memory_space<vmem_shared>>) target_semaphore(%run_scoped3A_106 : memref<!tpu.dma_semaphore, #tpu.memory_space<semaphore_mem>>)
      %dma_wait3A = arith.constant 0 : i32
      %dma_wait3A_117 = arith.constant 0 : i32
      %dma_wait3A_118 = tpu.memref_slice %arg10[%dma_wait3A, %dma_wait3A_117] : memref<100x128xf32, #tpu.memory_space<vmem>> -> memref<80x128xf32, #tpu.memory_space<vmem>>
      %dma_wait3A_119 = arith.constant 0 : i32
      %dma_wait3A_120 = tpu.memref_slice %arg13[%multiple_of3A_10, %dma_wait3A_119] : memref<10240x128xf32, #tpu.memory_space<vmem_shared>> -> memref<80x128xf32, #tpu.memory_space<vmem_shared>>
      %dma_wait3A_121 = arith.constant 0 : i32
      %dma_wait3A_122 = tpu.memref_slice %arg13[%multiple_of3A_10, %dma_wait3A_121] : memref<10240x128xf32, #tpu.memory_space<vmem_shared>> -> memref<80x128xf32, #tpu.memory_space<vmem_shared>>
      %dma_wait3A_123 = arith.constant 0 : i32
      %dma_wait3A_124 = arith.constant 0 : i32
      %dma_wait3A_125 = tpu.memref_slice %arg10[%dma_wait3A_123, %dma_wait3A_124] : memref<100x128xf32, #tpu.memory_space<vmem>> -> memref<80x128xf32, #tpu.memory_space<vmem>>
      tpu.wait_dma2 semaphore(%run_scoped3A_106 : memref<!tpu.dma_semaphore, #tpu.memory_space<semaphore_mem>>) src(%dma_wait3A_125 : memref<80x128xf32, #tpu.memory_space<vmem>>) dst(%dma_wait3A_122 : memref<80x128xf32, #tpu.memory_space<vmem_shared>>)
      tpu.yield
    }) : () -> ()
    "tpu.region"() ({
      %run_scoped3A_106 = tpu.sem_alloc : memref<!tpu.dma_semaphore, #tpu.memory_space<semaphore_mem>>
      %dma_start3A_107 = arith.constant 0 : i32
      %dma_start3A_108 = arith.constant 0 : i32
      %dma_start3A_109 = tpu.memref_slice %arg12[%dma_start3A_107, %dma_start3A_108] : memref<100x16xf32, #tpu.memory_space<vmem>> -> memref<80x16xf32, #tpu.memory_space<vmem>>
      %dma_start3A_110 = arith.constant 0 : i32
      %dma_start3A_111 = tpu.memref_slice %arg14[%multiple_of3A_10, %dma_start3A_110] : memref<10240x16xf32, #tpu.memory_space<vmem_shared>> -> memref<80x16xf32, #tpu.memory_space<vmem_shared>>
      %dma_start3A_112 = arith.constant 0 : i32
      %dma_start3A_113 = tpu.memref_slice %arg14[%multiple_of3A_10, %dma_start3A_112] : memref<10240x16xf32, #tpu.memory_space<vmem_shared>> -> memref<80x16xf32, #tpu.memory_space<vmem_shared>>
      %dma_start3A_114 = arith.constant 0 : i32
      %dma_start3A_115 = arith.constant 0 : i32
      %dma_start3A_116 = tpu.memref_slice %arg12[%dma_start3A_114, %dma_start3A_115] : memref<100x16xf32, #tpu.memory_space<vmem>> -> memref<80x16xf32, #tpu.memory_space<vmem>>
      tpu.enqueue_dma source(%dma_start3A_116 : memref<80x16xf32, #tpu.memory_space<vmem>>) target(%dma_start3A_113 : memref<80x16xf32, #tpu.memory_space<vmem_shared>>) target_semaphore(%run_scoped3A_106 : memref<!tpu.dma_semaphore, #tpu.memory_space<semaphore_mem>>)
      %dma_wait3A = arith.constant 0 : i32
      %dma_wait3A_117 = arith.constant 0 : i32
      %dma_wait3A_118 = tpu.memref_slice %arg12[%dma_wait3A, %dma_wait3A_117] : memref<100x16xf32, #tpu.memory_space<vmem>> -> memref<80x16xf32, #tpu.memory_space<vmem>>
      %dma_wait3A_119 = arith.constant 0 : i32
      %dma_wait3A_120 = tpu.memref_slice %arg14[%multiple_of3A_10, %dma_wait3A_119] : memref<10240x16xf32, #tpu.memory_space<vmem_shared>> -> memref<80x16xf32, #tpu.memory_space<vmem_shared>>
      %dma_wait3A_121 = arith.constant 0 : i32
      %dma_wait3A_122 = tpu.memref_slice %arg14[%multiple_of3A_10, %dma_wait3A_121] : memref<10240x16xf32, #tpu.memory_space<vmem_shared>> -> memref<80x16xf32, #tpu.memory_space<vmem_shared>>
      %dma_wait3A_123 = arith.constant 0 : i32
      %dma_wait3A_124 = arith.constant 0 : i32
      %dma_wait3A_125 = tpu.memref_slice %arg12[%dma_wait3A_123, %dma_wait3A_124] : memref<100x16xf32, #tpu.memory_space<vmem>> -> memref<80x16xf32, #tpu.memory_space<vmem>>
      tpu.wait_dma2 semaphore(%run_scoped3A_106 : memref<!tpu.dma_semaphore, #tpu.memory_space<semaphore_mem>>) src(%dma_wait3A_125 : memref<80x16xf32, #tpu.memory_space<vmem>>) dst(%dma_wait3A_122 : memref<80x16xf32, #tpu.memory_space<vmem_shared>>)
      tpu.yield
    }) : () -> ()
    %add3A_11 = arith.constant 80 : i32
    %add3A_12 = arith.addi %multiple_of3A, %add3A_11 : i32
    %multiple_of3A_13 = tpu.assume_multiple %add3A_12, 8 : i32
    "tpu.region"() ({
      %run_scoped3A_106 = tpu.sem_alloc : memref<!tpu.dma_semaphore, #tpu.memory_space<semaphore_mem>>
      %dma_start3A_107 = arith.constant 0 : i32
      %dma_start3A_108 = arith.constant 0 : i32
      %dma_start3A_109 = tpu.memref_slice %arg10[%dma_start3A_107, %dma_start3A_108] : memref<100x128xf32, #tpu.memory_space<vmem>> -> memref<80x128xf32, #tpu.memory_space<vmem>>
      %dma_start3A_110 = arith.constant 0 : i32
      %dma_start3A_111 = tpu.memref_slice %arg13[%multiple_of3A_13, %dma_start3A_110] : memref<10240x128xf32, #tpu.memory_space<vmem_shared>> -> memref<80x128xf32, #tpu.memory_space<vmem_shared>>
      %dma_start3A_112 = arith.constant 0 : i32
      %dma_start3A_113 = tpu.memref_slice %arg13[%multiple_of3A_13, %dma_start3A_112] : memref<10240x128xf32, #tpu.memory_space<vmem_shared>> -> memref<80x128xf32, #tpu.memory_space<vmem_shared>>
      %dma_start3A_114 = arith.constant 0 : i32
      %dma_start3A_115 = arith.constant 0 : i32
      %dma_start3A_116 = tpu.memref_slice %arg10[%dma_start3A_114, %dma_start3A_115] : memref<100x128xf32, #tpu.memory_space<vmem>> -> memref<80x128xf32, #tpu.memory_space<vmem>>
      tpu.enqueue_dma source(%dma_start3A_116 : memref<80x128xf32, #tpu.memory_space<vmem>>) target(%dma_start3A_113 : memref<80x128xf32, #tpu.memory_space<vmem_shared>>) target_semaphore(%run_scoped3A_106 : memref<!tpu.dma_semaphore, #tpu.memory_space<semaphore_mem>>)
      %dma_wait3A = arith.constant 0 : i32
      %dma_wait3A_117 = arith.constant 0 : i32
      %dma_wait3A_118 = tpu.memref_slice %arg10[%dma_wait3A, %dma_wait3A_117] : memref<100x128xf32, #tpu.memory_space<vmem>> -> memref<80x128xf32, #tpu.memory_space<vmem>>
      %dma_wait3A_119 = arith.constant 0 : i32
      %dma_wait3A_120 = tpu.memref_slice %arg13[%multiple_of3A_13, %dma_wait3A_119] : memref<10240x128xf32, #tpu.memory_space<vmem_shared>> -> memref<80x128xf32, #tpu.memory_space<vmem_shared>>
      %dma_wait3A_121 = arith.constant 0 : i32
      %dma_wait3A_122 = tpu.memref_slice %arg13[%multiple_of3A_13, %dma_wait3A_121] : memref<10240x128xf32, #tpu.memory_space<vmem_shared>> -> memref<80x128xf32, #tpu.memory_space<vmem_shared>>
      %dma_wait3A_123 = arith.constant 0 : i32
      %dma_wait3A_124 = arith.constant 0 : i32
      %dma_wait3A_125 = tpu.memref_slice %arg10[%dma_wait3A_123, %dma_wait3A_124] : memref<100x128xf32, #tpu.memory_space<vmem>> -> memref<80x128xf32, #tpu.memory_space<vmem>>
      tpu.wait_dma2 semaphore(%run_scoped3A_106 : memref<!tpu.dma_semaphore, #tpu.memory_space<semaphore_mem>>) src(%dma_wait3A_125 : memref<80x128xf32, #tpu.memory_space<vmem>>) dst(%dma_wait3A_122 : memref<80x128xf32, #tpu.memory_space<vmem_shared>>)
      tpu.yield
    }) : () -> ()
    "tpu.region"() ({
      %run_scoped3A_106 = tpu.sem_alloc : memref<!tpu.dma_semaphore, #tpu.memory_space<semaphore_mem>>
      %dma_start3A_107 = arith.constant 0 : i32
      %dma_start3A_108 = arith.constant 0 : i32
      %dma_start3A_109 = tpu.memref_slice %arg12[%dma_start3A_107, %dma_start3A_108] : memref<100x16xf32, #tpu.memory_space<vmem>> -> memref<80x16xf32, #tpu.memory_space<vmem>>
      %dma_start3A_110 = arith.constant 0 : i32
      %dma_start3A_111 = tpu.memref_slice %arg14[%multiple_of3A_13, %dma_start3A_110] : memref<10240x16xf32, #tpu.memory_space<vmem_shared>> -> memref<80x16xf32, #tpu.memory_space<vmem_shared>>
      %dma_start3A_112 = arith.constant 0 : i32
      %dma_start3A_113 = tpu.memref_slice %arg14[%multiple_of3A_13, %dma_start3A_112] : memref<10240x16xf32, #tpu.memory_space<vmem_shared>> -> memref<80x16xf32, #tpu.memory_space<vmem_shared>>
      %dma_start3A_114 = arith.constant 0 : i32
      %dma_start3A_115 = arith.constant 0 : i32
      %dma_start3A_116 = tpu.memref_slice %arg12[%dma_start3A_114, %dma_start3A_115] : memref<100x16xf32, #tpu.memory_space<vmem>> -> memref<80x16xf32, #tpu.memory_space<vmem>>
      tpu.enqueue_dma source(%dma_start3A_116 : memref<80x16xf32, #tpu.memory_space<vmem>>) target(%dma_start3A_113 : memref<80x16xf32, #tpu.memory_space<vmem_shared>>) target_semaphore(%run_scoped3A_106 : memref<!tpu.dma_semaphore, #tpu.memory_space<semaphore_mem>>)
      %dma_wait3A = arith.constant 0 : i32
      %dma_wait3A_117 = arith.constant 0 : i32
      %dma_wait3A_118 = tpu.memref_slice %arg12[%dma_wait3A, %dma_wait3A_117] : memref<100x16xf32, #tpu.memory_space<vmem>> -> memref<80x16xf32, #tpu.memory_space<vmem>>
      %dma_wait3A_119 = arith.constant 0 : i32
      %dma_wait3A_120 = tpu.memref_slice %arg14[%multiple_of3A_13, %dma_wait3A_119] : memref<10240x16xf32, #tpu.memory_space<vmem_shared>> -> memref<80x16xf32, #tpu.memory_space<vmem_shared>>
      %dma_wait3A_121 = arith.constant 0 : i32
      %dma_wait3A_122 = tpu.memref_slice %arg14[%multiple_of3A_13, %dma_wait3A_121] : memref<10240x16xf32, #tpu.memory_space<vmem_shared>> -> memref<80x16xf32, #tpu.memory_space<vmem_shared>>
      %dma_wait3A_123 = arith.constant 0 : i32
      %dma_wait3A_124 = arith.constant 0 : i32
      %dma_wait3A_125 = tpu.memref_slice %arg12[%dma_wait3A_123, %dma_wait3A_124] : memref<100x16xf32, #tpu.memory_space<vmem>> -> memref<80x16xf32, #tpu.memory_space<vmem>>
      tpu.wait_dma2 semaphore(%run_scoped3A_106 : memref<!tpu.dma_semaphore, #tpu.memory_space<semaphore_mem>>) src(%dma_wait3A_125 : memref<80x16xf32, #tpu.memory_space<vmem>>) dst(%dma_wait3A_122 : memref<80x16xf32, #tpu.memory_space<vmem_shared>>)
      tpu.yield
    }) : () -> ()
    %add3A_14 = arith.constant 160 : i32
    %add3A_15 = arith.addi %multiple_of3A, %add3A_14 : i32
    %multiple_of3A_16 = tpu.assume_multiple %add3A_15, 8 : i32
    "tpu.region"() ({
      %run_scoped3A_106 = tpu.sem_alloc : memref<!tpu.dma_semaphore, #tpu.memory_space<semaphore_mem>>
      %dma_start3A_107 = arith.constant 0 : i32
      %dma_start3A_108 = arith.constant 0 : i32
      %dma_start3A_109 = tpu.memref_slice %arg10[%dma_start3A_107, %dma_start3A_108] : memref<100x128xf32, #tpu.memory_space<vmem>> -> memref<80x128xf32, #tpu.memory_space<vmem>>
      %dma_start3A_110 = arith.constant 0 : i32
      %dma_start3A_111 = tpu.memref_slice %arg13[%multiple_of3A_16, %dma_start3A_110] : memref<10240x128xf32, #tpu.memory_space<vmem_shared>> -> memref<80x128xf32, #tpu.memory_space<vmem_shared>>
      %dma_start3A_112 = arith.constant 0 : i32
      %dma_start3A_113 = tpu.memref_slice %arg13[%multiple_of3A_16, %dma_start3A_112] : memref<10240x128xf32, #tpu.memory_space<vmem_shared>> -> memref<80x128xf32, #tpu.memory_space<vmem_shared>>
      %dma_start3A_114 = arith.constant 0 : i32
      %dma_start3A_115 = arith.constant 0 : i32
      %dma_start3A_116 = tpu.memref_slice %arg10[%dma_start3A_114, %dma_start3A_115] : memref<100x128xf32, #tpu.memory_space<vmem>> -> memref<80x128xf32, #tpu.memory_space<vmem>>
      tpu.enqueue_dma source(%dma_start3A_116 : memref<80x128xf32, #tpu.memory_space<vmem>>) target(%dma_start3A_113 : memref<80x128xf32, #tpu.memory_space<vmem_shared>>) target_semaphore(%run_scoped3A_106 : memref<!tpu.dma_semaphore, #tpu.memory_space<semaphore_mem>>)
      %dma_wait3A = arith.constant 0 : i32
      %dma_wait3A_117 = arith.constant 0 : i32
      %dma_wait3A_118 = tpu.memref_slice %arg10[%dma_wait3A, %dma_wait3A_117] : memref<100x128xf32, #tpu.memory_space<vmem>> -> memref<80x128xf32, #tpu.memory_space<vmem>>
      %dma_wait3A_119 = arith.constant 0 : i32
      %dma_wait3A_120 = tpu.memref_slice %arg13[%multiple_of3A_16, %dma_wait3A_119] : memref<10240x128xf32, #tpu.memory_space<vmem_shared>> -> memref<80x128xf32, #tpu.memory_space<vmem_shared>>
      %dma_wait3A_121 = arith.constant 0 : i32
      %dma_wait3A_122 = tpu.memref_slice %arg13[%multiple_of3A_16, %dma_wait3A_121] : memref<10240x128xf32, #tpu.memory_space<vmem_shared>> -> memref<80x128xf32, #tpu.memory_space<vmem_shared>>
      %dma_wait3A_123 = arith.constant 0 : i32
      %dma_wait3A_124 = arith.constant 0 : i32
      %dma_wait3A_125 = tpu.memref_slice %arg10[%dma_wait3A_123, %dma_wait3A_124] : memref<100x128xf32, #tpu.memory_space<vmem>> -> memref<80x128xf32, #tpu.memory_space<vmem>>
      tpu.wait_dma2 semaphore(%run_scoped3A_106 : memref<!tpu.dma_semaphore, #tpu.memory_space<semaphore_mem>>) src(%dma_wait3A_125 : memref<80x128xf32, #tpu.memory_space<vmem>>) dst(%dma_wait3A_122 : memref<80x128xf32, #tpu.memory_space<vmem_shared>>)
      tpu.yield
    }) : () -> ()
    "tpu.region"() ({
      %run_scoped3A_106 = tpu.sem_alloc : memref<!tpu.dma_semaphore, #tpu.memory_space<semaphore_mem>>
      %dma_start3A_107 = arith.constant 0 : i32
      %dma_start3A_108 = arith.constant 0 : i32
      %dma_start3A_109 = tpu.memref_slice %arg12[%dma_start3A_107, %dma_start3A_108] : memref<100x16xf32, #tpu.memory_space<vmem>> -> memref<80x16xf32, #tpu.memory_space<vmem>>
      %dma_start3A_110 = arith.constant 0 : i32
      %dma_start3A_111 = tpu.memref_slice %arg14[%multiple_of3A_16, %dma_start3A_110] : memref<10240x16xf32, #tpu.memory_space<vmem_shared>> -> memref<80x16xf32, #tpu.memory_space<vmem_shared>>
      %dma_start3A_112 = arith.constant 0 : i32
      %dma_start3A_113 = tpu.memref_slice %arg14[%multiple_of3A_16, %dma_start3A_112] : memref<10240x16xf32, #tpu.memory_space<vmem_shared>> -> memref<80x16xf32, #tpu.memory_space<vmem_shared>>
      %dma_start3A_114 = arith.constant 0 : i32
      %dma_start3A_115 = arith.constant 0 : i32
      %dma_start3A_116 = tpu.memref_slice %arg12[%dma_start3A_114, %dma_start3A_115] : memref<100x16xf32, #tpu.memory_space<vmem>> -> memref<80x16xf32, #tpu.memory_space<vmem>>
      tpu.enqueue_dma source(%dma_start3A_116 : memref<80x16xf32, #tpu.memory_space<vmem>>) target(%dma_start3A_113 : memref<80x16xf32, #tpu.memory_space<vmem_shared>>) target_semaphore(%run_scoped3A_106 : memref<!tpu.dma_semaphore, #tpu.memory_space<semaphore_mem>>)
      %dma_wait3A = arith.constant 0 : i32
      %dma_wait3A_117 = arith.constant 0 : i32
      %dma_wait3A_118 = tpu.memref_slice %arg12[%dma_wait3A, %dma_wait3A_117] : memref<100x16xf32, #tpu.memory_space<vmem>> -> memref<80x16xf32, #tpu.memory_space<vmem>>
      %dma_wait3A_119 = arith.constant 0 : i32
      %dma_wait3A_120 = tpu.memref_slice %arg14[%multiple_of3A_16, %dma_wait3A_119] : memref<10240x16xf32, #tpu.memory_space<vmem_shared>> -> memref<80x16xf32, #tpu.memory_space<vmem_shared>>
      %dma_wait3A_121 = arith.constant 0 : i32
      %dma_wait3A_122 = tpu.memref_slice %arg14[%multiple_of3A_16, %dma_wait3A_121] : memref<10240x16xf32, #tpu.memory_space<vmem_shared>> -> memref<80x16xf32, #tpu.memory_space<vmem_shared>>
      %dma_wait3A_123 = arith.constant 0 : i32
      %dma_wait3A_124 = arith.constant 0 : i32
      %dma_wait3A_125 = tpu.memref_slice %arg12[%dma_wait3A_123, %dma_wait3A_124] : memref<100x16xf32, #tpu.memory_space<vmem>> -> memref<80x16xf32, #tpu.memory_space<vmem>>
      tpu.wait_dma2 semaphore(%run_scoped3A_106 : memref<!tpu.dma_semaphore, #tpu.memory_space<semaphore_mem>>) src(%dma_wait3A_125 : memref<80x16xf32, #tpu.memory_space<vmem>>) dst(%dma_wait3A_122 : memref<80x16xf32, #tpu.memory_space<vmem_shared>>)
      tpu.yield
    }) : () -> ()
    %add3A_17 = arith.constant 240 : i32
    %add3A_18 = arith.addi %multiple_of3A, %add3A_17 : i32
    %multiple_of3A_19 = tpu.assume_multiple %add3A_18, 8 : i32
    "tpu.region"() ({
      %run_scoped3A_106 = tpu.sem_alloc : memref<!tpu.dma_semaphore, #tpu.memory_space<semaphore_mem>>
      %dma_start3A_107 = arith.constant 0 : i32
      %dma_start3A_108 = arith.constant 0 : i32
      %dma_start3A_109 = tpu.memref_slice %arg10[%dma_start3A_107, %dma_start3A_108] : memref<100x128xf32, #tpu.memory_space<vmem>> -> memref<80x128xf32, #tpu.memory_space<vmem>>
      %dma_start3A_110 = arith.constant 0 : i32
      %dma_start3A_111 = tpu.memref_slice %arg13[%multiple_of3A_19, %dma_start3A_110] : memref<10240x128xf32, #tpu.memory_space<vmem_shared>> -> memref<80x128xf32, #tpu.memory_space<vmem_shared>>
      %dma_start3A_112 = arith.constant 0 : i32
      %dma_start3A_113 = tpu.memref_slice %arg13[%multiple_of3A_19, %dma_start3A_112] : memref<10240x128xf32, #tpu.memory_space<vmem_shared>> -> memref<80x128xf32, #tpu.memory_space<vmem_shared>>
      %dma_start3A_114 = arith.constant 0 : i32
      %dma_start3A_115 = arith.constant 0 : i32
      %dma_start3A_116 = tpu.memref_slice %arg10[%dma_start3A_114, %dma_start3A_115] : memref<100x128xf32, #tpu.memory_space<vmem>> -> memref<80x128xf32, #tpu.memory_space<vmem>>
      tpu.enqueue_dma source(%dma_start3A_116 : memref<80x128xf32, #tpu.memory_space<vmem>>) target(%dma_start3A_113 : memref<80x128xf32, #tpu.memory_space<vmem_shared>>) target_semaphore(%run_scoped3A_106 : memref<!tpu.dma_semaphore, #tpu.memory_space<semaphore_mem>>)
      %dma_wait3A = arith.constant 0 : i32
      %dma_wait3A_117 = arith.constant 0 : i32
      %dma_wait3A_118 = tpu.memref_slice %arg10[%dma_wait3A, %dma_wait3A_117] : memref<100x128xf32, #tpu.memory_space<vmem>> -> memref<80x128xf32, #tpu.memory_space<vmem>>
      %dma_wait3A_119 = arith.constant 0 : i32
      %dma_wait3A_120 = tpu.memref_slice %arg13[%multiple_of3A_19, %dma_wait3A_119] : memref<10240x128xf32, #tpu.memory_space<vmem_shared>> -> memref<80x128xf32, #tpu.memory_space<vmem_shared>>
      %dma_wait3A_121 = arith.constant 0 : i32
      %dma_wait3A_122 = tpu.memref_slice %arg13[%multiple_of3A_19, %dma_wait3A_121] : memref<10240x128xf32, #tpu.memory_space<vmem_shared>> -> memref<80x128xf32, #tpu.memory_space<vmem_shared>>
      %dma_wait3A_123 = arith.constant 0 : i32
      %dma_wait3A_124 = arith.constant 0 : i32
      %dma_wait3A_125 = tpu.memref_slice %arg10[%dma_wait3A_123, %dma_wait3A_124] : memref<100x128xf32, #tpu.memory_space<vmem>> -> memref<80x128xf32, #tpu.memory_space<vmem>>
      tpu.wait_dma2 semaphore(%run_scoped3A_106 : memref<!tpu.dma_semaphore, #tpu.memory_space<semaphore_mem>>) src(%dma_wait3A_125 : memref<80x128xf32, #tpu.memory_space<vmem>>) dst(%dma_wait3A_122 : memref<80x128xf32, #tpu.memory_space<vmem_shared>>)
      tpu.yield
    }) : () -> ()
    "tpu.region"() ({
      %run_scoped3A_106 = tpu.sem_alloc : memref<!tpu.dma_semaphore, #tpu.memory_space<semaphore_mem>>
      %dma_start3A_107 = arith.constant 0 : i32
      %dma_start3A_108 = arith.constant 0 : i32
      %dma_start3A_109 = tpu.memref_slice %arg12[%dma_start3A_107, %dma_start3A_108] : memref<100x16xf32, #tpu.memory_space<vmem>> -> memref<80x16xf32, #tpu.memory_space<vmem>>
      %dma_start3A_110 = arith.constant 0 : i32
      %dma_start3A_111 = tpu.memref_slice %arg14[%multiple_of3A_19, %dma_start3A_110] : memref<10240x16xf32, #tpu.memory_space<vmem_shared>> -> memref<80x16xf32, #tpu.memory_space<vmem_shared>>
      %dma_start3A_112 = arith.constant 0 : i32
      %dma_start3A_113 = tpu.memref_slice %arg14[%multiple_of3A_19, %dma_start3A_112] : memref<10240x16xf32, #tpu.memory_space<vmem_shared>> -> memref<80x16xf32, #tpu.memory_space<vmem_shared>>
      %dma_start3A_114 = arith.constant 0 : i32
      %dma_start3A_115 = arith.constant 0 : i32
      %dma_start3A_116 = tpu.memref_slice %arg12[%dma_start3A_114, %dma_start3A_115] : memref<100x16xf32, #tpu.memory_space<vmem>> -> memref<80x16xf32, #tpu.memory_space<vmem>>
      tpu.enqueue_dma source(%dma_start3A_116 : memref<80x16xf32, #tpu.memory_space<vmem>>) target(%dma_start3A_113 : memref<80x16xf32, #tpu.memory_space<vmem_shared>>) target_semaphore(%run_scoped3A_106 : memref<!tpu.dma_semaphore, #tpu.memory_space<semaphore_mem>>)
      %dma_wait3A = arith.constant 0 : i32
      %dma_wait3A_117 = arith.constant 0 : i32
      %dma_wait3A_118 = tpu.memref_slice %arg12[%dma_wait3A, %dma_wait3A_117] : memref<100x16xf32, #tpu.memory_space<vmem>> -> memref<80x16xf32, #tpu.memory_space<vmem>>
      %dma_wait3A_119 = arith.constant 0 : i32
      %dma_wait3A_120 = tpu.memref_slice %arg14[%multiple_of3A_19, %dma_wait3A_119] : memref<10240x16xf32, #tpu.memory_space<vmem_shared>> -> memref<80x16xf32, #tpu.memory_space<vmem_shared>>
      %dma_wait3A_121 = arith.constant 0 : i32
      %dma_wait3A_122 = tpu.memref_slice %arg14[%multiple_of3A_19, %dma_wait3A_121] : memref<10240x16xf32, #tpu.memory_space<vmem_shared>> -> memref<80x16xf32, #tpu.memory_space<vmem_shared>>
      %dma_wait3A_123 = arith.constant 0 : i32
      %dma_wait3A_124 = arith.constant 0 : i32
      %dma_wait3A_125 = tpu.memref_slice %arg12[%dma_wait3A_123, %dma_wait3A_124] : memref<100x16xf32, #tpu.memory_space<vmem>> -> memref<80x16xf32, #tpu.memory_space<vmem>>
      tpu.wait_dma2 semaphore(%run_scoped3A_106 : memref<!tpu.dma_semaphore, #tpu.memory_space<semaphore_mem>>) src(%dma_wait3A_125 : memref<80x16xf32, #tpu.memory_space<vmem>>) dst(%dma_wait3A_122 : memref<80x16xf32, #tpu.memory_space<vmem_shared>>)
      tpu.yield
    }) : () -> ()
    %add3A_20 = arith.constant 320 : i32
    %add3A_21 = arith.addi %multiple_of3A, %add3A_20 : i32
    %multiple_of3A_22 = tpu.assume_multiple %add3A_21, 8 : i32
    "tpu.region"() ({
      %run_scoped3A_106 = tpu.sem_alloc : memref<!tpu.dma_semaphore, #tpu.memory_space<semaphore_mem>>
      %dma_start3A_107 = arith.constant 0 : i32
      %dma_start3A_108 = arith.constant 0 : i32
      %dma_start3A_109 = tpu.memref_slice %arg10[%dma_start3A_107, %dma_start3A_108] : memref<100x128xf32, #tpu.memory_space<vmem>> -> memref<80x128xf32, #tpu.memory_space<vmem>>
      %dma_start3A_110 = arith.constant 0 : i32
      %dma_start3A_111 = tpu.memref_slice %arg13[%multiple_of3A_22, %dma_start3A_110] : memref<10240x128xf32, #tpu.memory_space<vmem_shared>> -> memref<80x128xf32, #tpu.memory_space<vmem_shared>>
      %dma_start3A_112 = arith.constant 0 : i32
      %dma_start3A_113 = tpu.memref_slice %arg13[%multiple_of3A_22, %dma_start3A_112] : memref<10240x128xf32, #tpu.memory_space<vmem_shared>> -> memref<80x128xf32, #tpu.memory_space<vmem_shared>>
      %dma_start3A_114 = arith.constant 0 : i32
      %dma_start3A_115 = arith.constant 0 : i32
      %dma_start3A_116 = tpu.memref_slice %arg10[%dma_start3A_114, %dma_start3A_115] : memref<100x128xf32, #tpu.memory_space<vmem>> -> memref<80x128xf32, #tpu.memory_space<vmem>>
      tpu.enqueue_dma source(%dma_start3A_116 : memref<80x128xf32, #tpu.memory_space<vmem>>) target(%dma_start3A_113 : memref<80x128xf32, #tpu.memory_space<vmem_shared>>) target_semaphore(%run_scoped3A_106 : memref<!tpu.dma_semaphore, #tpu.memory_space<semaphore_mem>>)
      %dma_wait3A = arith.constant 0 : i32
      %dma_wait3A_117 = arith.constant 0 : i32
      %dma_wait3A_118 = tpu.memref_slice %arg10[%dma_wait3A, %dma_wait3A_117] : memref<100x128xf32, #tpu.memory_space<vmem>> -> memref<80x128xf32, #tpu.memory_space<vmem>>
      %dma_wait3A_119 = arith.constant 0 : i32
      %dma_wait3A_120 = tpu.memref_slice %arg13[%multiple_of3A_22, %dma_wait3A_119] : memref<10240x128xf32, #tpu.memory_space<vmem_shared>> -> memref<80x128xf32, #tpu.memory_space<vmem_shared>>
      %dma_wait3A_121 = arith.constant 0 : i32
      %dma_wait3A_122 = tpu.memref_slice %arg13[%multiple_of3A_22, %dma_wait3A_121] : memref<10240x128xf32, #tpu.memory_space<vmem_shared>> -> memref<80x128xf32, #tpu.memory_space<vmem_shared>>
      %dma_wait3A_123 = arith.constant 0 : i32
      %dma_wait3A_124 = arith.constant 0 : i32
      %dma_wait3A_125 = tpu.memref_slice %arg10[%dma_wait3A_123, %dma_wait3A_124] : memref<100x128xf32, #tpu.memory_space<vmem>> -> memref<80x128xf32, #tpu.memory_space<vmem>>
      tpu.wait_dma2 semaphore(%run_scoped3A_106 : memref<!tpu.dma_semaphore, #tpu.memory_space<semaphore_mem>>) src(%dma_wait3A_125 : memref<80x128xf32, #tpu.memory_space<vmem>>) dst(%dma_wait3A_122 : memref<80x128xf32, #tpu.memory_space<vmem_shared>>)
      tpu.yield
    }) : () -> ()
    "tpu.region"() ({
      %run_scoped3A_106 = tpu.sem_alloc : memref<!tpu.dma_semaphore, #tpu.memory_space<semaphore_mem>>
      %dma_start3A_107 = arith.constant 0 : i32
      %dma_start3A_108 = arith.constant 0 : i32
      %dma_start3A_109 = tpu.memref_slice %arg12[%dma_start3A_107, %dma_start3A_108] : memref<100x16xf32, #tpu.memory_space<vmem>> -> memref<80x16xf32, #tpu.memory_space<vmem>>
      %dma_start3A_110 = arith.constant 0 : i32
      %dma_start3A_111 = tpu.memref_slice %arg14[%multiple_of3A_22, %dma_start3A_110] : memref<10240x16xf32, #tpu.memory_space<vmem_shared>> -> memref<80x16xf32, #tpu.memory_space<vmem_shared>>
      %dma_start3A_112 = arith.constant 0 : i32
      %dma_start3A_113 = tpu.memref_slice %arg14[%multiple_of3A_22, %dma_start3A_112] : memref<10240x16xf32, #tpu.memory_space<vmem_shared>> -> memref<80x16xf32, #tpu.memory_space<vmem_shared>>
      %dma_start3A_114 = arith.constant 0 : i32
      %dma_start3A_115 = arith.constant 0 : i32
      %dma_start3A_116 = tpu.memref_slice %arg12[%dma_start3A_114, %dma_start3A_115] : memref<100x16xf32, #tpu.memory_space<vmem>> -> memref<80x16xf32, #tpu.memory_space<vmem>>
      tpu.enqueue_dma source(%dma_start3A_116 : memref<80x16xf32, #tpu.memory_space<vmem>>) target(%dma_start3A_113 : memref<80x16xf32, #tpu.memory_space<vmem_shared>>) target_semaphore(%run_scoped3A_106 : memref<!tpu.dma_semaphore, #tpu.memory_space<semaphore_mem>>)
      %dma_wait3A = arith.constant 0 : i32
      %dma_wait3A_117 = arith.constant 0 : i32
      %dma_wait3A_118 = tpu.memref_slice %arg12[%dma_wait3A, %dma_wait3A_117] : memref<100x16xf32, #tpu.memory_space<vmem>> -> memref<80x16xf32, #tpu.memory_space<vmem>>
      %dma_wait3A_119 = arith.constant 0 : i32
      %dma_wait3A_120 = tpu.memref_slice %arg14[%multiple_of3A_22, %dma_wait3A_119] : memref<10240x16xf32, #tpu.memory_space<vmem_shared>> -> memref<80x16xf32, #tpu.memory_space<vmem_shared>>
      %dma_wait3A_121 = arith.constant 0 : i32
      %dma_wait3A_122 = tpu.memref_slice %arg14[%multiple_of3A_22, %dma_wait3A_121] : memref<10240x16xf32, #tpu.memory_space<vmem_shared>> -> memref<80x16xf32, #tpu.memory_space<vmem_shared>>
      %dma_wait3A_123 = arith.constant 0 : i32
      %dma_wait3A_124 = arith.constant 0 : i32
      %dma_wait3A_125 = tpu.memref_slice %arg12[%dma_wait3A_123, %dma_wait3A_124] : memref<100x16xf32, #tpu.memory_space<vmem>> -> memref<80x16xf32, #tpu.memory_space<vmem>>
      tpu.wait_dma2 semaphore(%run_scoped3A_106 : memref<!tpu.dma_semaphore, #tpu.memory_space<semaphore_mem>>) src(%dma_wait3A_125 : memref<80x16xf32, #tpu.memory_space<vmem>>) dst(%dma_wait3A_122 : memref<80x16xf32, #tpu.memory_space<vmem_shared>>)
      tpu.yield
    }) : () -> ()
    %add3A_23 = arith.constant 400 : i32
    %add3A_24 = arith.addi %multiple_of3A, %add3A_23 : i32
    %multiple_of3A_25 = tpu.assume_multiple %add3A_24, 8 : i32
    "tpu.region"() ({
      %run_scoped3A_106 = tpu.sem_alloc : memref<!tpu.dma_semaphore, #tpu.memory_space<semaphore_mem>>
      %dma_start3A_107 = arith.constant 0 : i32
      %dma_start3A_108 = arith.constant 0 : i32
      %dma_start3A_109 = tpu.memref_slice %arg10[%dma_start3A_107, %dma_start3A_108] : memref<100x128xf32, #tpu.memory_space<vmem>> -> memref<80x128xf32, #tpu.memory_space<vmem>>
      %dma_start3A_110 = arith.constant 0 : i32
      %dma_start3A_111 = tpu.memref_slice %arg13[%multiple_of3A_25, %dma_start3A_110] : memref<10240x128xf32, #tpu.memory_space<vmem_shared>> -> memref<80x128xf32, #tpu.memory_space<vmem_shared>>
      %dma_start3A_112 = arith.constant 0 : i32
      %dma_start3A_113 = tpu.memref_slice %arg13[%multiple_of3A_25, %dma_start3A_112] : memref<10240x128xf32, #tpu.memory_space<vmem_shared>> -> memref<80x128xf32, #tpu.memory_space<vmem_shared>>
      %dma_start3A_114 = arith.constant 0 : i32
      %dma_start3A_115 = arith.constant 0 : i32
      %dma_start3A_116 = tpu.memref_slice %arg10[%dma_start3A_114, %dma_start3A_115] : memref<100x128xf32, #tpu.memory_space<vmem>> -> memref<80x128xf32, #tpu.memory_space<vmem>>
      tpu.enqueue_dma source(%dma_start3A_116 : memref<80x128xf32, #tpu.memory_space<vmem>>) target(%dma_start3A_113 : memref<80x128xf32, #tpu.memory_space<vmem_shared>>) target_semaphore(%run_scoped3A_106 : memref<!tpu.dma_semaphore, #tpu.memory_space<semaphore_mem>>)
      %dma_wait3A = arith.constant 0 : i32
      %dma_wait3A_117 = arith.constant 0 : i32
      %dma_wait3A_118 = tpu.memref_slice %arg10[%dma_wait3A, %dma_wait3A_117] : memref<100x128xf32, #tpu.memory_space<vmem>> -> memref<80x128xf32, #tpu.memory_space<vmem>>
      %dma_wait3A_119 = arith.constant 0 : i32
      %dma_wait3A_120 = tpu.memref_slice %arg13[%multiple_of3A_25, %dma_wait3A_119] : memref<10240x128xf32, #tpu.memory_space<vmem_shared>> -> memref<80x128xf32, #tpu.memory_space<vmem_shared>>
      %dma_wait3A_121 = arith.constant 0 : i32
      %dma_wait3A_122 = tpu.memref_slice %arg13[%multiple_of3A_25, %dma_wait3A_121] : memref<10240x128xf32, #tpu.memory_space<vmem_shared>> -> memref<80x128xf32, #tpu.memory_space<vmem_shared>>
      %dma_wait3A_123 = arith.constant 0 : i32
      %dma_wait3A_124 = arith.constant 0 : i32
      %dma_wait3A_125 = tpu.memref_slice %arg10[%dma_wait3A_123, %dma_wait3A_124] : memref<100x128xf32, #tpu.memory_space<vmem>> -> memref<80x128xf32, #tpu.memory_space<vmem>>
      tpu.wait_dma2 semaphore(%run_scoped3A_106 : memref<!tpu.dma_semaphore, #tpu.memory_space<semaphore_mem>>) src(%dma_wait3A_125 : memref<80x128xf32, #tpu.memory_space<vmem>>) dst(%dma_wait3A_122 : memref<80x128xf32, #tpu.memory_space<vmem_shared>>)
      tpu.yield
    }) : () -> ()
    "tpu.region"() ({
      %run_scoped3A_106 = tpu.sem_alloc : memref<!tpu.dma_semaphore, #tpu.memory_space<semaphore_mem>>
      %dma_start3A_107 = arith.constant 0 : i32
      %dma_start3A_108 = arith.constant 0 : i32
      %dma_start3A_109 = tpu.memref_slice %arg12[%dma_start3A_107, %dma_start3A_108] : memref<100x16xf32, #tpu.memory_space<vmem>> -> memref<80x16xf32, #tpu.memory_space<vmem>>
      %dma_start3A_110 = arith.constant 0 : i32
      %dma_start3A_111 = tpu.memref_slice %arg14[%multiple_of3A_25, %dma_start3A_110] : memref<10240x16xf32, #tpu.memory_space<vmem_shared>> -> memref<80x16xf32, #tpu.memory_space<vmem_shared>>
      %dma_start3A_112 = arith.constant 0 : i32
      %dma_start3A_113 = tpu.memref_slice %arg14[%multiple_of3A_25, %dma_start3A_112] : memref<10240x16xf32, #tpu.memory_space<vmem_shared>> -> memref<80x16xf32, #tpu.memory_space<vmem_shared>>
      %dma_start3A_114 = arith.constant 0 : i32
      %dma_start3A_115 = arith.constant 0 : i32
      %dma_start3A_116 = tpu.memref_slice %arg12[%dma_start3A_114, %dma_start3A_115] : memref<100x16xf32, #tpu.memory_space<vmem>> -> memref<80x16xf32, #tpu.memory_space<vmem>>
      tpu.enqueue_dma source(%dma_start3A_116 : memref<80x16xf32, #tpu.memory_space<vmem>>) target(%dma_start3A_113 : memref<80x16xf32, #tpu.memory_space<vmem_shared>>) target_semaphore(%run_scoped3A_106 : memref<!tpu.dma_semaphore, #tpu.memory_space<semaphore_mem>>)
      %dma_wait3A = arith.constant 0 : i32
      %dma_wait3A_117 = arith.constant 0 : i32
      %dma_wait3A_118 = tpu.memref_slice %arg12[%dma_wait3A, %dma_wait3A_117] : memref<100x16xf32, #tpu.memory_space<vmem>> -> memref<80x16xf32, #tpu.memory_space<vmem>>
      %dma_wait3A_119 = arith.constant 0 : i32
      %dma_wait3A_120 = tpu.memref_slice %arg14[%multiple_of3A_25, %dma_wait3A_119] : memref<10240x16xf32, #tpu.memory_space<vmem_shared>> -> memref<80x16xf32, #tpu.memory_space<vmem_shared>>
      %dma_wait3A_121 = arith.constant 0 : i32
      %dma_wait3A_122 = tpu.memref_slice %arg14[%multiple_of3A_25, %dma_wait3A_121] : memref<10240x16xf32, #tpu.memory_space<vmem_shared>> -> memref<80x16xf32, #tpu.memory_space<vmem_shared>>
      %dma_wait3A_123 = arith.constant 0 : i32
      %dma_wait3A_124 = arith.constant 0 : i32
      %dma_wait3A_125 = tpu.memref_slice %arg12[%dma_wait3A_123, %dma_wait3A_124] : memref<100x16xf32, #tpu.memory_space<vmem>> -> memref<80x16xf32, #tpu.memory_space<vmem>>
      tpu.wait_dma2 semaphore(%run_scoped3A_106 : memref<!tpu.dma_semaphore, #tpu.memory_space<semaphore_mem>>) src(%dma_wait3A_125 : memref<80x16xf32, #tpu.memory_space<vmem>>) dst(%dma_wait3A_122 : memref<80x16xf32, #tpu.memory_space<vmem_shared>>)
      tpu.yield
    }) : () -> ()
    %add3A_26 = arith.constant 480 : i32
    %add3A_27 = arith.addi %multiple_of3A, %add3A_26 : i32
    %multiple_of3A_28 = tpu.assume_multiple %add3A_27, 8 : i32
    "tpu.region"() ({
      %run_scoped3A_106 = tpu.sem_alloc : memref<!tpu.dma_semaphore, #tpu.memory_space<semaphore_mem>>
      %dma_start3A_107 = arith.constant 0 : i32
      %dma_start3A_108 = arith.constant 0 : i32
      %dma_start3A_109 = tpu.memref_slice %arg10[%dma_start3A_107, %dma_start3A_108] : memref<100x128xf32, #tpu.memory_space<vmem>> -> memref<80x128xf32, #tpu.memory_space<vmem>>
      %dma_start3A_110 = arith.constant 0 : i32
      %dma_start3A_111 = tpu.memref_slice %arg13[%multiple_of3A_28, %dma_start3A_110] : memref<10240x128xf32, #tpu.memory_space<vmem_shared>> -> memref<80x128xf32, #tpu.memory_space<vmem_shared>>
      %dma_start3A_112 = arith.constant 0 : i32
      %dma_start3A_113 = tpu.memref_slice %arg13[%multiple_of3A_28, %dma_start3A_112] : memref<10240x128xf32, #tpu.memory_space<vmem_shared>> -> memref<80x128xf32, #tpu.memory_space<vmem_shared>>
      %dma_start3A_114 = arith.constant 0 : i32
      %dma_start3A_115 = arith.constant 0 : i32
      %dma_start3A_116 = tpu.memref_slice %arg10[%dma_start3A_114, %dma_start3A_115] : memref<100x128xf32, #tpu.memory_space<vmem>> -> memref<80x128xf32, #tpu.memory_space<vmem>>
      tpu.enqueue_dma source(%dma_start3A_116 : memref<80x128xf32, #tpu.memory_space<vmem>>) target(%dma_start3A_113 : memref<80x128xf32, #tpu.memory_space<vmem_shared>>) target_semaphore(%run_scoped3A_106 : memref<!tpu.dma_semaphore, #tpu.memory_space<semaphore_mem>>)
      %dma_wait3A = arith.constant 0 : i32
      %dma_wait3A_117 = arith.constant 0 : i32
      %dma_wait3A_118 = tpu.memref_slice %arg10[%dma_wait3A, %dma_wait3A_117] : memref<100x128xf32, #tpu.memory_space<vmem>> -> memref<80x128xf32, #tpu.memory_space<vmem>>
      %dma_wait3A_119 = arith.constant 0 : i32
      %dma_wait3A_120 = tpu.memref_slice %arg13[%multiple_of3A_28, %dma_wait3A_119] : memref<10240x128xf32, #tpu.memory_space<vmem_shared>> -> memref<80x128xf32, #tpu.memory_space<vmem_shared>>
      %dma_wait3A_121 = arith.constant 0 : i32
      %dma_wait3A_122 = tpu.memref_slice %arg13[%multiple_of3A_28, %dma_wait3A_121] : memref<10240x128xf32, #tpu.memory_space<vmem_shared>> -> memref<80x128xf32, #tpu.memory_space<vmem_shared>>
      %dma_wait3A_123 = arith.constant 0 : i32
      %dma_wait3A_124 = arith.constant 0 : i32
      %dma_wait3A_125 = tpu.memref_slice %arg10[%dma_wait3A_123, %dma_wait3A_124] : memref<100x128xf32, #tpu.memory_space<vmem>> -> memref<80x128xf32, #tpu.memory_space<vmem>>
      tpu.wait_dma2 semaphore(%run_scoped3A_106 : memref<!tpu.dma_semaphore, #tpu.memory_space<semaphore_mem>>) src(%dma_wait3A_125 : memref<80x128xf32, #tpu.memory_space<vmem>>) dst(%dma_wait3A_122 : memref<80x128xf32, #tpu.memory_space<vmem_shared>>)
      tpu.yield
    }) : () -> ()
    "tpu.region"() ({
      %run_scoped3A_106 = tpu.sem_alloc : memref<!tpu.dma_semaphore, #tpu.memory_space<semaphore_mem>>
      %dma_start3A_107 = arith.constant 0 : i32
      %dma_start3A_108 = arith.constant 0 : i32
      %dma_start3A_109 = tpu.memref_slice %arg12[%dma_start3A_107, %dma_start3A_108] : memref<100x16xf32, #tpu.memory_space<vmem>> -> memref<80x16xf32, #tpu.memory_space<vmem>>
      %dma_start3A_110 = arith.constant 0 : i32
      %dma_start3A_111 = tpu.memref_slice %arg14[%multiple_of3A_28, %dma_start3A_110] : memref<10240x16xf32, #tpu.memory_space<vmem_shared>> -> memref<80x16xf32, #tpu.memory_space<vmem_shared>>
      %dma_start3A_112 = arith.constant 0 : i32
      %dma_start3A_113 = tpu.memref_slice %arg14[%multiple_of3A_28, %dma_start3A_112] : memref<10240x16xf32, #tpu.memory_space<vmem_shared>> -> memref<80x16xf32, #tpu.memory_space<vmem_shared>>
      %dma_start3A_114 = arith.constant 0 : i32
      %dma_start3A_115 = arith.constant 0 : i32
      %dma_start3A_116 = tpu.memref_slice %arg12[%dma_start3A_114, %dma_start3A_115] : memref<100x16xf32, #tpu.memory_space<vmem>> -> memref<80x16xf32, #tpu.memory_space<vmem>>
      tpu.enqueue_dma source(%dma_start3A_116 : memref<80x16xf32, #tpu.memory_space<vmem>>) target(%dma_start3A_113 : memref<80x16xf32, #tpu.memory_space<vmem_shared>>) target_semaphore(%run_scoped3A_106 : memref<!tpu.dma_semaphore, #tpu.memory_space<semaphore_mem>>)
      %dma_wait3A = arith.constant 0 : i32
      %dma_wait3A_117 = arith.constant 0 : i32
      %dma_wait3A_118 = tpu.memref_slice %arg12[%dma_wait3A, %dma_wait3A_117] : memref<100x16xf32, #tpu.memory_space<vmem>> -> memref<80x16xf32, #tpu.memory_space<vmem>>
      %dma_wait3A_119 = arith.constant 0 : i32
      %dma_wait3A_120 = tpu.memref_slice %arg14[%multiple_of3A_28, %dma_wait3A_119] : memref<10240x16xf32, #tpu.memory_space<vmem_shared>> -> memref<80x16xf32, #tpu.memory_space<vmem_shared>>
      %dma_wait3A_121 = arith.constant 0 : i32
      %dma_wait3A_122 = tpu.memref_slice %arg14[%multiple_of3A_28, %dma_wait3A_121] : memref<10240x16xf32, #tpu.memory_space<vmem_shared>> -> memref<80x16xf32, #tpu.memory_space<vmem_shared>>
      %dma_wait3A_123 = arith.constant 0 : i32
      %dma_wait3A_124 = arith.constant 0 : i32
      %dma_wait3A_125 = tpu.memref_slice %arg12[%dma_wait3A_123, %dma_wait3A_124] : memref<100x16xf32, #tpu.memory_space<vmem>> -> memref<80x16xf32, #tpu.memory_space<vmem>>
      tpu.wait_dma2 semaphore(%run_scoped3A_106 : memref<!tpu.dma_semaphore, #tpu.memory_space<semaphore_mem>>) src(%dma_wait3A_125 : memref<80x16xf32, #tpu.memory_space<vmem>>) dst(%dma_wait3A_122 : memref<80x16xf32, #tpu.memory_space<vmem_shared>>)
      tpu.yield
    }) : () -> ()
    %add3A_29 = arith.constant 560 : i32
    %add3A_30 = arith.addi %multiple_of3A, %add3A_29 : i32
    %multiple_of3A_31 = tpu.assume_multiple %add3A_30, 8 : i32
    "tpu.region"() ({
      %run_scoped3A_106 = tpu.sem_alloc : memref<!tpu.dma_semaphore, #tpu.memory_space<semaphore_mem>>
      %dma_start3A_107 = arith.constant 0 : i32
      %dma_start3A_108 = arith.constant 0 : i32
      %dma_start3A_109 = tpu.memref_slice %arg10[%dma_start3A_107, %dma_start3A_108] : memref<100x128xf32, #tpu.memory_space<vmem>> -> memref<80x128xf32, #tpu.memory_space<vmem>>
      %dma_start3A_110 = arith.constant 0 : i32
      %dma_start3A_111 = tpu.memref_slice %arg13[%multiple_of3A_31, %dma_start3A_110] : memref<10240x128xf32, #tpu.memory_space<vmem_shared>> -> memref<80x128xf32, #tpu.memory_space<vmem_shared>>
      %dma_start3A_112 = arith.constant 0 : i32
      %dma_start3A_113 = tpu.memref_slice %arg13[%multiple_of3A_31, %dma_start3A_112] : memref<10240x128xf32, #tpu.memory_space<vmem_shared>> -> memref<80x128xf32, #tpu.memory_space<vmem_shared>>
      %dma_start3A_114 = arith.constant 0 : i32
      %dma_start3A_115 = arith.constant 0 : i32
      %dma_start3A_116 = tpu.memref_slice %arg10[%dma_start3A_114, %dma_start3A_115] : memref<100x128xf32, #tpu.memory_space<vmem>> -> memref<80x128xf32, #tpu.memory_space<vmem>>
      tpu.enqueue_dma source(%dma_start3A_116 : memref<80x128xf32, #tpu.memory_space<vmem>>) target(%dma_start3A_113 : memref<80x128xf32, #tpu.memory_space<vmem_shared>>) target_semaphore(%run_scoped3A_106 : memref<!tpu.dma_semaphore, #tpu.memory_space<semaphore_mem>>)
      %dma_wait3A = arith.constant 0 : i32
      %dma_wait3A_117 = arith.constant 0 : i32
      %dma_wait3A_118 = tpu.memref_slice %arg10[%dma_wait3A, %dma_wait3A_117] : memref<100x128xf32, #tpu.memory_space<vmem>> -> memref<80x128xf32, #tpu.memory_space<vmem>>
      %dma_wait3A_119 = arith.constant 0 : i32
      %dma_wait3A_120 = tpu.memref_slice %arg13[%multiple_of3A_31, %dma_wait3A_119] : memref<10240x128xf32, #tpu.memory_space<vmem_shared>> -> memref<80x128xf32, #tpu.memory_space<vmem_shared>>
      %dma_wait3A_121 = arith.constant 0 : i32
      %dma_wait3A_122 = tpu.memref_slice %arg13[%multiple_of3A_31, %dma_wait3A_121] : memref<10240x128xf32, #tpu.memory_space<vmem_shared>> -> memref<80x128xf32, #tpu.memory_space<vmem_shared>>
      %dma_wait3A_123 = arith.constant 0 : i32
      %dma_wait3A_124 = arith.constant 0 : i32
      %dma_wait3A_125 = tpu.memref_slice %arg10[%dma_wait3A_123, %dma_wait3A_124] : memref<100x128xf32, #tpu.memory_space<vmem>> -> memref<80x128xf32, #tpu.memory_space<vmem>>
      tpu.wait_dma2 semaphore(%run_scoped3A_106 : memref<!tpu.dma_semaphore, #tpu.memory_space<semaphore_mem>>) src(%dma_wait3A_125 : memref<80x128xf32, #tpu.memory_space<vmem>>) dst(%dma_wait3A_122 : memref<80x128xf32, #tpu.memory_space<vmem_shared>>)
      tpu.yield
    }) : () -> ()
    "tpu.region"() ({
      %run_scoped3A_106 = tpu.sem_alloc : memref<!tpu.dma_semaphore, #tpu.memory_space<semaphore_mem>>
      %dma_start3A_107 = arith.constant 0 : i32
      %dma_start3A_108 = arith.constant 0 : i32
      %dma_start3A_109 = tpu.memref_slice %arg12[%dma_start3A_107, %dma_start3A_108] : memref<100x16xf32, #tpu.memory_space<vmem>> -> memref<80x16xf32, #tpu.memory_space<vmem>>
      %dma_start3A_110 = arith.constant 0 : i32
      %dma_start3A_111 = tpu.memref_slice %arg14[%multiple_of3A_31, %dma_start3A_110] : memref<10240x16xf32, #tpu.memory_space<vmem_shared>> -> memref<80x16xf32, #tpu.memory_space<vmem_shared>>
      %dma_start3A_112 = arith.constant 0 : i32
      %dma_start3A_113 = tpu.memref_slice %arg14[%multiple_of3A_31, %dma_start3A_112] : memref<10240x16xf32, #tpu.memory_space<vmem_shared>> -> memref<80x16xf32, #tpu.memory_space<vmem_shared>>
      %dma_start3A_114 = arith.constant 0 : i32
      %dma_start3A_115 = arith.constant 0 : i32
      %dma_start3A_116 = tpu.memref_slice %arg12[%dma_start3A_114, %dma_start3A_115] : memref<100x16xf32, #tpu.memory_space<vmem>> -> memref<80x16xf32, #tpu.memory_space<vmem>>
      tpu.enqueue_dma source(%dma_start3A_116 : memref<80x16xf32, #tpu.memory_space<vmem>>) target(%dma_start3A_113 : memref<80x16xf32, #tpu.memory_space<vmem_shared>>) target_semaphore(%run_scoped3A_106 : memref<!tpu.dma_semaphore, #tpu.memory_space<semaphore_mem>>)
      %dma_wait3A = arith.constant 0 : i32
      %dma_wait3A_117 = arith.constant 0 : i32
      %dma_wait3A_118 = tpu.memref_slice %arg12[%dma_wait3A, %dma_wait3A_117] : memref<100x16xf32, #tpu.memory_space<vmem>> -> memref<80x16xf32, #tpu.memory_space<vmem>>
      %dma_wait3A_119 = arith.constant 0 : i32
      %dma_wait3A_120 = tpu.memref_slice %arg14[%multiple_of3A_31, %dma_wait3A_119] : memref<10240x16xf32, #tpu.memory_space<vmem_shared>> -> memref<80x16xf32, #tpu.memory_space<vmem_shared>>
      %dma_wait3A_121 = arith.constant 0 : i32
      %dma_wait3A_122 = tpu.memref_slice %arg14[%multiple_of3A_31, %dma_wait3A_121] : memref<10240x16xf32, #tpu.memory_space<vmem_shared>> -> memref<80x16xf32, #tpu.memory_space<vmem_shared>>
      %dma_wait3A_123 = arith.constant 0 : i32
      %dma_wait3A_124 = arith.constant 0 : i32
      %dma_wait3A_125 = tpu.memref_slice %arg12[%dma_wait3A_123, %dma_wait3A_124] : memref<100x16xf32, #tpu.memory_space<vmem>> -> memref<80x16xf32, #tpu.memory_space<vmem>>
      tpu.wait_dma2 semaphore(%run_scoped3A_106 : memref<!tpu.dma_semaphore, #tpu.memory_space<semaphore_mem>>) src(%dma_wait3A_125 : memref<80x16xf32, #tpu.memory_space<vmem>>) dst(%dma_wait3A_122 : memref<80x16xf32, #tpu.memory_space<vmem_shared>>)
      tpu.yield
    }) : () -> ()
    %scan3A_32 = arith.constant 0 : i32
    %scan3A_33 = arith.constant 0 : i32
    %scan3A_34 = arith.constant 100 : i32
    %scan3A_35 = arith.addi %scan3A_33, %scan3A_34 : i32
    %scan3A_36 = arith.constant 1 : i32
    scf.for %scan3A_106 = %scan3A_33 to %scan3A_35 step %scan3A_36  : i32 {
      %broadcast_in_dim3A = arith.constant 1.000000e+00 : f32
      %broadcast_in_dim3A_107 = vector.broadcast %broadcast_in_dim3A : f32 to vector<16xf32>
      %swap3A = arith.index_cast %scan3A_106 : i32 to index
      %swap3A_108 = arith.constant 0 : index
      %swap3A_109 = tpu.vector_load %arg12[%swap3A, %swap3A_108] {strides = array<i32>} : memref<100x16xf32, #tpu.memory_space<vmem>>, vector<1x16xf32>,
      %swap3A_110 = vector.shape_cast %swap3A_109 : vector<1x16xf32> to vector<16xf32>
      %swap3A_111 = vector.shape_cast %broadcast_in_dim3A_107 : vector<16xf32> to vector<1x16xf32>
      tpu.vector_store %arg12[%swap3A, %swap3A_108], %swap3A_111 {strides = array<i32>} : memref<100x16xf32, #tpu.memory_space<vmem>>, vector<1x16xf32>,
    }
    %scan3A_37 = arith.constant 100 : i32
    "tpu.region"() ({
      %run_scoped3A_106 = tpu.sem_alloc : memref<!tpu.dma_semaphore, #tpu.memory_space<semaphore_mem>>
      %dma_start3A_107 = arith.constant 0 : i32
      %dma_start3A_108 = arith.constant 0 : i32
      %dma_start3A_109 = tpu.memref_slice %arg3[%add3A, %dma_start3A_107, %dma_start3A_108] : memref<32x100x100xi32, #tpu.memory_space<hbm>> -> memref<1x100x100xi32, #tpu.memory_space<hbm>>
      %dma_start3A_110 = tpu.memref_squeeze %dma_start3A_109 : memref<1x100x100xi32, #tpu.memory_space<hbm>> -> memref<100x100xi32, #tpu.memory_space<hbm>>
      %dma_start3A_111 = arith.constant 0 : i32
      %dma_start3A_112 = arith.constant 0 : i32
      %dma_start3A_113 = tpu.memref_slice %arg3[%add3A, %dma_start3A_111, %dma_start3A_112] : memref<32x100x100xi32, #tpu.memory_space<hbm>> -> memref<1x100x100xi32, #tpu.memory_space<hbm>>
      %dma_start3A_114 = tpu.memref_squeeze %dma_start3A_113 : memref<1x100x100xi32, #tpu.memory_space<hbm>> -> memref<100x100xi32, #tpu.memory_space<hbm>>
      tpu.enqueue_dma source(%dma_start3A_114 : memref<100x100xi32, #tpu.memory_space<hbm>>) target(%arg7 : memref<100x100xi32, #tpu.memory_space<vmem>>) target_semaphore(%run_scoped3A_106 : memref<!tpu.dma_semaphore, #tpu.memory_space<semaphore_mem>>)
      %dma_wait3A = arith.constant 0 : i32
      %dma_wait3A_115 = arith.constant 0 : i32
      %dma_wait3A_116 = tpu.memref_slice %arg3[%add3A, %dma_wait3A, %dma_wait3A_115] : memref<32x100x100xi32, #tpu.memory_space<hbm>> -> memref<1x100x100xi32, #tpu.memory_space<hbm>>
      %dma_wait3A_117 = tpu.memref_squeeze %dma_wait3A_116 : memref<1x100x100xi32, #tpu.memory_space<hbm>> -> memref<100x100xi32, #tpu.memory_space<hbm>>
      %dma_wait3A_118 = arith.constant 0 : i32
      %dma_wait3A_119 = arith.constant 0 : i32
      %dma_wait3A_120 = tpu.memref_slice %arg3[%add3A, %dma_wait3A_118, %dma_wait3A_119] : memref<32x100x100xi32, #tpu.memory_space<hbm>> -> memref<1x100x100xi32, #tpu.memory_space<hbm>>
      %dma_wait3A_121 = tpu.memref_squeeze %dma_wait3A_120 : memref<1x100x100xi32, #tpu.memory_space<hbm>> -> memref<100x100xi32, #tpu.memory_space<hbm>>
      tpu.wait_dma2 semaphore(%run_scoped3A_106 : memref<!tpu.dma_semaphore, #tpu.memory_space<semaphore_mem>>) src(%dma_wait3A_121 : memref<100x100xi32, #tpu.memory_space<hbm>>) dst(%arg7 : memref<100x100xi32, #tpu.memory_space<vmem>>)
      tpu.yield
    }) : () -> ()
    %run_scoped3A = arith.constant 0 : i32
    "tpu.region"() ({
      %run_scoped3A_106 = tpu.sem_alloc : memref<!tpu.dma_semaphore, #tpu.memory_space<semaphore_mem>>
      %dma_start3A_107 = arith.constant 0 : i32
      %dma_start3A_108 = tpu.memref_slice %arg4[%add3A, %run_scoped3A, %dma_start3A_107] : memref<32x100x100xi32, #tpu.memory_space<hbm>> -> memref<1x1x100xi32, #tpu.memory_space<hbm>>
      %dma_start3A_109 = tpu.memref_squeeze %dma_start3A_108 : memref<1x1x100xi32, #tpu.memory_space<hbm>> -> memref<100xi32, #tpu.memory_space<hbm>>
      %dma_start3A_110 = arith.constant 0 : i32
      %dma_start3A_111 = tpu.memref_slice %arg4[%add3A, %run_scoped3A, %dma_start3A_110] : memref<32x100x100xi32, #tpu.memory_space<hbm>> -> memref<1x1x100xi32, #tpu.memory_space<hbm>>
      %dma_start3A_112 = tpu.memref_squeeze %dma_start3A_111 : memref<1x1x100xi32, #tpu.memory_space<hbm>> -> memref<100xi32, #tpu.memory_space<hbm>>
      tpu.enqueue_dma source(%dma_start3A_112 : memref<100xi32, #tpu.memory_space<hbm>>) target(%arg8 : memref<100xi32, #tpu.memory_space<vmem>>) target_semaphore(%run_scoped3A_106 : memref<!tpu.dma_semaphore, #tpu.memory_space<semaphore_mem>>)
      %dma_wait3A = arith.constant 0 : i32
      %dma_wait3A_113 = tpu.memref_slice %arg4[%add3A, %run_scoped3A, %dma_wait3A] : memref<32x100x100xi32, #tpu.memory_space<hbm>> -> memref<1x1x100xi32, #tpu.memory_space<hbm>>
      %dma_wait3A_114 = tpu.memref_squeeze %dma_wait3A_113 : memref<1x1x100xi32, #tpu.memory_space<hbm>> -> memref<100xi32, #tpu.memory_space<hbm>>
      %dma_wait3A_115 = arith.constant 0 : i32
      %dma_wait3A_116 = tpu.memref_slice %arg4[%add3A, %run_scoped3A, %dma_wait3A_115] : memref<32x100x100xi32, #tpu.memory_space<hbm>> -> memref<1x1x100xi32, #tpu.memory_space<hbm>>
      %dma_wait3A_117 = tpu.memref_squeeze %dma_wait3A_116 : memref<1x1x100xi32, #tpu.memory_space<hbm>> -> memref<100xi32, #tpu.memory_space<hbm>>
      tpu.wait_dma2 semaphore(%run_scoped3A_106 : memref<!tpu.dma_semaphore, #tpu.memory_space<semaphore_mem>>) src(%dma_wait3A_117 : memref<100xi32, #tpu.memory_space<hbm>>) dst(%arg8 : memref<100xi32, #tpu.memory_space<vmem>>)
      tpu.yield
    }) : () -> ()
    %barrier3A = arith.constant 0 : index
    tpu.barrier barrier_id(%barrier3A)
    %dma_start3A = arith.constant 0 : i32
    %dma_start3A_38 = arith.constant 0 : i32
    %dma_start3A_39 = tpu.memref_slice %arg10[%dma_start3A, %dma_start3A_38] : memref<100x128xf32, #tpu.memory_space<vmem>> -> memref<48x128xf32, #tpu.memory_space<vmem>>
    %dma_start3A_40 = arith.constant 0 : i32
    %dma_start3A_41 = tpu.memref_slice %arg8[%dma_start3A_40] : memref<100xi32, #tpu.memory_space<vmem>> -> memref<48xi32, #tpu.memory_space<vmem>>
    %dma_start3A_42 = arith.constant 0 : i32
    %dma_start3A_43 = arith.constant 0 : i32
    %dma_start3A_44 = tpu.memref_slice %arg2[%dma_start3A_42, %dma_start3A_43] : memref<10000x128xf32, #tpu.memory_space<hbm>> -> memref<10000x128xf32, #tpu.memory_space<hbm>>
    tpu.enqueue_indirect_dma source(%dma_start3A_44 : memref<10000x128xf32, #tpu.memory_space<hbm>>) target(%dma_start3A_39 : memref<48x128xf32, #tpu.memory_space<vmem>>) offsets(%dma_start3A_41 : memref<48xi32, #tpu.memory_space<vmem>>) semaphore(%arg15 : memref<!tpu.dma_semaphore, #tpu.memory_space<semaphore_mem>>)
    %dma_start3A_45 = arith.constant 48 : i32
    %dma_start3A_46 = arith.constant 0 : i32
    %dma_start3A_47 = tpu.memref_slice %arg10[%dma_start3A_45, %dma_start3A_46] : memref<100x128xf32, #tpu.memory_space<vmem>> -> memref<52x128xf32, #tpu.memory_space<vmem>>
    %dma_start3A_48 = arith.constant 48 : i32
    %dma_start3A_49 = tpu.memref_slice %arg8[%dma_start3A_48] : memref<100xi32, #tpu.memory_space<vmem>> -> memref<52xi32, #tpu.memory_space<vmem>>
    %dma_start3A_50 = arith.constant 0 : i32
    %dma_start3A_51 = arith.constant 0 : i32
    %dma_start3A_52 = tpu.memref_slice %arg2[%dma_start3A_50, %dma_start3A_51] : memref<10000x128xf32, #tpu.memory_space<hbm>> -> memref<10000x128xf32, #tpu.memory_space<hbm>>
    tpu.enqueue_indirect_dma source(%dma_start3A_52 : memref<10000x128xf32, #tpu.memory_space<hbm>>) target(%dma_start3A_47 : memref<52x128xf32, #tpu.memory_space<vmem>>) offsets(%dma_start3A_49 : memref<52xi32, #tpu.memory_space<vmem>>) semaphore(%arg16 : memref<!tpu.dma_semaphore, #tpu.memory_space<semaphore_mem>>)
    %scan3A_53 = arith.constant 0 : i32
    %scan3A_54 = arith.constant 0 : i32
    %scan3A_55 = arith.constant 50 : i32
    %scan3A_56 = arith.addi %scan3A_54, %scan3A_55 : i32
    %scan3A_57 = arith.constant 1 : i32
    scf.for %scan3A_106 = %scan3A_54 to %scan3A_56 step %scan3A_57  : i32 {
      %mul3A_107 = arith.constant 2 : i32
      %mul3A_108 = arith.muli %mul3A_107, %scan3A_106 : i32
      %add3A_109 = arith.constant 1 : i32
      %add3A_110 = arith.addi %mul3A_108, %add3A_109 : i32
      "tpu.region"() ({
        %run_scoped3A_176 = tpu.sem_alloc : memref<!tpu.dma_semaphore, #tpu.memory_space<semaphore_mem>>
        %dma_start3A_177 = arith.constant 0 : i32
        %dma_start3A_178 = tpu.memref_slice %arg4[%add3A, %add3A_110, %dma_start3A_177] : memref<32x100x100xi32, #tpu.memory_space<hbm>> -> memref<1x1x100xi32, #tpu.memory_space<hbm>>
        %dma_start3A_179 = tpu.memref_squeeze %dma_start3A_178 : memref<1x1x100xi32, #tpu.memory_space<hbm>> -> memref<100xi32, #tpu.memory_space<hbm>>
        %dma_start3A_180 = arith.constant 0 : i32
        %dma_start3A_181 = tpu.memref_slice %arg4[%add3A, %add3A_110, %dma_start3A_180] : memref<32x100x100xi32, #tpu.memory_space<hbm>> -> memref<1x1x100xi32, #tpu.memory_space<hbm>>
        %dma_start3A_182 = tpu.memref_squeeze %dma_start3A_181 : memref<1x1x100xi32, #tpu.memory_space<hbm>> -> memref<100xi32, #tpu.memory_space<hbm>>
        tpu.enqueue_dma source(%dma_start3A_182 : memref<100xi32, #tpu.memory_space<hbm>>) target(%arg9 : memref<100xi32, #tpu.memory_space<vmem>>) target_semaphore(%run_scoped3A_176 : memref<!tpu.dma_semaphore, #tpu.memory_space<semaphore_mem>>)
        %dma_wait3A_183 = arith.constant 0 : i32
        %dma_wait3A_184 = tpu.memref_slice %arg4[%add3A, %add3A_110, %dma_wait3A_183] : memref<32x100x100xi32, #tpu.memory_space<hbm>> -> memref<1x1x100xi32, #tpu.memory_space<hbm>>
        %dma_wait3A_185 = tpu.memref_squeeze %dma_wait3A_184 : memref<1x1x100xi32, #tpu.memory_space<hbm>> -> memref<100xi32, #tpu.memory_space<hbm>>
        %dma_wait3A_186 = arith.constant 0 : i32
        %dma_wait3A_187 = tpu.memref_slice %arg4[%add3A, %add3A_110, %dma_wait3A_186] : memref<32x100x100xi32, #tpu.memory_space<hbm>> -> memref<1x1x100xi32, #tpu.memory_space<hbm>>
        %dma_wait3A_188 = tpu.memref_squeeze %dma_wait3A_187 : memref<1x1x100xi32, #tpu.memory_space<hbm>> -> memref<100xi32, #tpu.memory_space<hbm>>
        tpu.wait_dma2 semaphore(%run_scoped3A_176 : memref<!tpu.dma_semaphore, #tpu.memory_space<semaphore_mem>>) src(%dma_wait3A_188 : memref<100xi32, #tpu.memory_space<hbm>>) dst(%arg9 : memref<100xi32, #tpu.memory_space<vmem>>)
        tpu.yield
      }) : () -> ()
      %dma_start3A_111 = arith.constant 0 : i32
      %dma_start3A_112 = arith.constant 0 : i32
      %dma_start3A_113 = tpu.memref_slice %arg11[%dma_start3A_111, %dma_start3A_112] : memref<100x128xf32, #tpu.memory_space<vmem>> -> memref<48x128xf32, #tpu.memory_space<vmem>>
      %dma_start3A_114 = arith.constant 0 : i32
      %dma_start3A_115 = tpu.memref_slice %arg9[%dma_start3A_114] : memref<100xi32, #tpu.memory_space<vmem>> -> memref<48xi32, #tpu.memory_space<vmem>>
      %dma_start3A_116 = arith.constant 0 : i32
      %dma_start3A_117 = arith.constant 0 : i32
      %dma_start3A_118 = tpu.memref_slice %arg2[%dma_start3A_116, %dma_start3A_117] : memref<10000x128xf32, #tpu.memory_space<hbm>> -> memref<10000x128xf32, #tpu.memory_space<hbm>>
      tpu.enqueue_indirect_dma source(%dma_start3A_118 : memref<10000x128xf32, #tpu.memory_space<hbm>>) target(%dma_start3A_113 : memref<48x128xf32, #tpu.memory_space<vmem>>) offsets(%dma_start3A_115 : memref<48xi32, #tpu.memory_space<vmem>>) semaphore(%arg17 : memref<!tpu.dma_semaphore, #tpu.memory_space<semaphore_mem>>)
      %dma_start3A_119 = arith.constant 48 : i32
      %dma_start3A_120 = arith.constant 0 : i32
      %dma_start3A_121 = tpu.memref_slice %arg11[%dma_start3A_119, %dma_start3A_120] : memref<100x128xf32, #tpu.memory_space<vmem>> -> memref<52x128xf32, #tpu.memory_space<vmem>>
      %dma_start3A_122 = arith.constant 48 : i32
      %dma_start3A_123 = tpu.memref_slice %arg9[%dma_start3A_122] : memref<100xi32, #tpu.memory_space<vmem>> -> memref<52xi32, #tpu.memory_space<vmem>>
      %dma_start3A_124 = arith.constant 0 : i32
      %dma_start3A_125 = arith.constant 0 : i32
      %dma_start3A_126 = tpu.memref_slice %arg2[%dma_start3A_124, %dma_start3A_125] : memref<10000x128xf32, #tpu.memory_space<hbm>> -> memref<10000x128xf32, #tpu.memory_space<hbm>>
      tpu.enqueue_indirect_dma source(%dma_start3A_126 : memref<10000x128xf32, #tpu.memory_space<hbm>>) target(%dma_start3A_121 : memref<52x128xf32, #tpu.memory_space<vmem>>) offsets(%dma_start3A_123 : memref<52xi32, #tpu.memory_space<vmem>>) semaphore(%arg18 : memref<!tpu.dma_semaphore, #tpu.memory_space<semaphore_mem>>)
      %dma_wait3A = arith.constant 0 : i32
      %dma_wait3A_127 = arith.constant 0 : i32
      %dma_wait3A_128 = tpu.memref_slice %arg10[%dma_wait3A, %dma_wait3A_127] : memref<100x128xf32, #tpu.memory_space<vmem>> -> memref<48x128xf32, #tpu.memory_space<vmem>>
      %dma_wait3A_129 = arith.constant 0 : i32
      %dma_wait3A_130 = tpu.memref_slice %arg8[%dma_wait3A_129] : memref<100xi32, #tpu.memory_space<vmem>> -> memref<48xi32, #tpu.memory_space<vmem>>
      %dma_wait3A_131 = arith.constant 0 : i32
      %dma_wait3A_132 = arith.constant 0 : i32
      %dma_wait3A_133 = tpu.memref_slice %arg2[%dma_wait3A_131, %dma_wait3A_132] : memref<10000x128xf32, #tpu.memory_space<hbm>> -> memref<10000x128xf32, #tpu.memory_space<hbm>>
      tpu.wait_indirect_dma semaphore(%arg15 : memref<!tpu.dma_semaphore, #tpu.memory_space<semaphore_mem>>) src(%dma_wait3A_133 : memref<10000x128xf32, #tpu.memory_space<hbm>>) dst(%dma_wait3A_128 : memref<48x128xf32, #tpu.memory_space<vmem>>)
      %dma_wait3A_134 = arith.constant 48 : i32
      %dma_wait3A_135 = arith.constant 0 : i32
      %dma_wait3A_136 = tpu.memref_slice %arg10[%dma_wait3A_134, %dma_wait3A_135] : memref<100x128xf32, #tpu.memory_space<vmem>> -> memref<52x128xf32, #tpu.memory_space<vmem>>
      %dma_wait3A_137 = arith.constant 48 : i32
      %dma_wait3A_138 = tpu.memref_slice %arg8[%dma_wait3A_137] : memref<100xi32, #tpu.memory_space<vmem>> -> memref<52xi32, #tpu.memory_space<vmem>>
      %dma_wait3A_139 = arith.constant 0 : i32
      %dma_wait3A_140 = arith.constant 0 : i32
      %dma_wait3A_141 = tpu.memref_slice %arg2[%dma_wait3A_139, %dma_wait3A_140] : memref<10000x128xf32, #tpu.memory_space<hbm>> -> memref<10000x128xf32, #tpu.memory_space<hbm>>
      tpu.wait_indirect_dma semaphore(%arg16 : memref<!tpu.dma_semaphore, #tpu.memory_space<semaphore_mem>>) src(%dma_wait3A_141 : memref<10000x128xf32, #tpu.memory_space<hbm>>) dst(%dma_wait3A_136 : memref<52x128xf32, #tpu.memory_space<vmem>>)
      %dma_start3A_142 = arith.constant 0 : i32
      %dma_start3A_143 = tpu.memref_slice %arg7[%mul3A_108, %dma_start3A_142] : memref<100x100xi32, #tpu.memory_space<vmem>> -> memref<1x100xi32, #tpu.memory_space<vmem>>
      %dma_start3A_144 = tpu.memref_squeeze %dma_start3A_143 : memref<1x100xi32, #tpu.memory_space<vmem>> -> memref<100xi32, #tpu.memory_space<vmem>>
      %dma_start3A_145 = arith.constant 0 : i32
      %dma_start3A_146 = arith.constant 0 : i32
      %dma_start3A_147 = tpu.memref_slice %arg14[%dma_start3A_145, %dma_start3A_146] : memref<10240x16xf32, #tpu.memory_space<vmem_shared>> -> memref<10240x16xf32, #tpu.memory_space<vmem_shared>>
      tpu.enqueue_indirect_dma source(%arg12 : memref<100x16xf32, #tpu.memory_space<vmem>>) target(%dma_start3A_147 : memref<10240x16xf32, #tpu.memory_space<vmem_shared>>) offsets(%dma_start3A_144 : memref<100xi32, #tpu.memory_space<vmem>>) semaphore(%arg19 : memref<!tpu.dma_semaphore, #tpu.memory_space<semaphore_mem>>) {add = true}
      "tpu.region"() ({
        %run_scoped3A_176 = tpu.sem_alloc : memref<!tpu.dma_semaphore, #tpu.memory_space<semaphore_mem>>
        %dma_start3A_177 = arith.constant 0 : i32
        %dma_start3A_178 = tpu.memref_slice %arg7[%mul3A_108, %dma_start3A_177] : memref<100x100xi32, #tpu.memory_space<vmem>> -> memref<1x100xi32, #tpu.memory_space<vmem>>
        %dma_start3A_179 = tpu.memref_squeeze %dma_start3A_178 : memref<1x100xi32, #tpu.memory_space<vmem>> -> memref<100xi32, #tpu.memory_space<vmem>>
        %dma_start3A_180 = arith.constant 0 : i32
        %dma_start3A_181 = arith.constant 0 : i32
        %dma_start3A_182 = tpu.memref_slice %arg13[%dma_start3A_180, %dma_start3A_181] : memref<10240x128xf32, #tpu.memory_space<vmem_shared>> -> memref<10240x128xf32, #tpu.memory_space<vmem_shared>>
        tpu.enqueue_indirect_dma source(%arg10 : memref<100x128xf32, #tpu.memory_space<vmem>>) target(%dma_start3A_182 : memref<10240x128xf32, #tpu.memory_space<vmem_shared>>) offsets(%dma_start3A_179 : memref<100xi32, #tpu.memory_space<vmem>>) semaphore(%run_scoped3A_176 : memref<!tpu.dma_semaphore, #tpu.memory_space<semaphore_mem>>) {add = true}
        %dma_wait3A_183 = arith.constant 0 : i32
        %dma_wait3A_184 = tpu.memref_slice %arg7[%mul3A_108, %dma_wait3A_183] : memref<100x100xi32, #tpu.memory_space<vmem>> -> memref<1x100xi32, #tpu.memory_space<vmem>>
        %dma_wait3A_185 = tpu.memref_squeeze %dma_wait3A_184 : memref<1x100xi32, #tpu.memory_space<vmem>> -> memref<100xi32, #tpu.memory_space<vmem>>
        %dma_wait3A_186 = arith.constant 0 : i32
        %dma_wait3A_187 = arith.constant 0 : i32
        %dma_wait3A_188 = tpu.memref_slice %arg13[%dma_wait3A_186, %dma_wait3A_187] : memref<10240x128xf32, #tpu.memory_space<vmem_shared>> -> memref<10240x128xf32, #tpu.memory_space<vmem_shared>>
        tpu.wait_indirect_dma semaphore(%run_scoped3A_176 : memref<!tpu.dma_semaphore, #tpu.memory_space<semaphore_mem>>) src(%arg10 : memref<100x128xf32, #tpu.memory_space<vmem>>) dst(%dma_wait3A_188 : memref<10240x128xf32, #tpu.memory_space<vmem_shared>>)
        tpu.yield
      }) : () -> ()
      %lt3A = arith.constant 49 : i32
      %lt3A_148 = arith.cmpi slt, %scan3A_106, %lt3A : i32
      %convert_element_type3A = arith.extui %lt3A_148 : i1 to i32
      %cond3A = arith.constant 0 : i32
      %cond3A_149 = arith.cmpi ne, %convert_element_type3A, %cond3A : i32
      scf.if %cond3A_149 {
        %add3A_176 = arith.constant 2 : i32
        %add3A_177 = arith.addi %mul3A_108, %add3A_176 : i32
        "tpu.region"() ({
          %run_scoped3A_194 = tpu.sem_alloc : memref<!tpu.dma_semaphore, #tpu.memory_space<semaphore_mem>>
          %dma_start3A_195 = arith.constant 0 : i32
          %dma_start3A_196 = tpu.memref_slice %arg4[%add3A, %add3A_177, %dma_start3A_195] : memref<32x100x100xi32, #tpu.memory_space<hbm>> -> memref<1x1x100xi32, #tpu.memory_space<hbm>>
          %dma_start3A_197 = tpu.memref_squeeze %dma_start3A_196 : memref<1x1x100xi32, #tpu.memory_space<hbm>> -> memref<100xi32, #tpu.memory_space<hbm>>
          %dma_start3A_198 = arith.constant 0 : i32
          %dma_start3A_199 = tpu.memref_slice %arg4[%add3A, %add3A_177, %dma_start3A_198] : memref<32x100x100xi32, #tpu.memory_space<hbm>> -> memref<1x1x100xi32, #tpu.memory_space<hbm>>
          %dma_start3A_200 = tpu.memref_squeeze %dma_start3A_199 : memref<1x1x100xi32, #tpu.memory_space<hbm>> -> memref<100xi32, #tpu.memory_space<hbm>>
          tpu.enqueue_dma source(%dma_start3A_200 : memref<100xi32, #tpu.memory_space<hbm>>) target(%arg8 : memref<100xi32, #tpu.memory_space<vmem>>) target_semaphore(%run_scoped3A_194 : memref<!tpu.dma_semaphore, #tpu.memory_space<semaphore_mem>>)
          %dma_wait3A_201 = arith.constant 0 : i32
          %dma_wait3A_202 = tpu.memref_slice %arg4[%add3A, %add3A_177, %dma_wait3A_201] : memref<32x100x100xi32, #tpu.memory_space<hbm>> -> memref<1x1x100xi32, #tpu.memory_space<hbm>>
          %dma_wait3A_203 = tpu.memref_squeeze %dma_wait3A_202 : memref<1x1x100xi32, #tpu.memory_space<hbm>> -> memref<100xi32, #tpu.memory_space<hbm>>
          %dma_wait3A_204 = arith.constant 0 : i32
          %dma_wait3A_205 = tpu.memref_slice %arg4[%add3A, %add3A_177, %dma_wait3A_204] : memref<32x100x100xi32, #tpu.memory_space<hbm>> -> memref<1x1x100xi32, #tpu.memory_space<hbm>>
          %dma_wait3A_206 = tpu.memref_squeeze %dma_wait3A_205 : memref<1x1x100xi32, #tpu.memory_space<hbm>> -> memref<100xi32, #tpu.memory_space<hbm>>
          tpu.wait_dma2 semaphore(%run_scoped3A_194 : memref<!tpu.dma_semaphore, #tpu.memory_space<semaphore_mem>>) src(%dma_wait3A_206 : memref<100xi32, #tpu.memory_space<hbm>>) dst(%arg8 : memref<100xi32, #tpu.memory_space<vmem>>)
          tpu.yield
        }) : () -> ()
        %dma_start3A_178 = arith.constant 0 : i32
        %dma_start3A_179 = arith.constant 0 : i32
        %dma_start3A_180 = tpu.memref_slice %arg10[%dma_start3A_178, %dma_start3A_179] : memref<100x128xf32, #tpu.memory_space<vmem>> -> memref<48x128xf32, #tpu.memory_space<vmem>>
        %dma_start3A_181 = arith.constant 0 : i32
        %dma_start3A_182 = tpu.memref_slice %arg8[%dma_start3A_181] : memref<100xi32, #tpu.memory_space<vmem>> -> memref<48xi32, #tpu.memory_space<vmem>>
        %dma_start3A_183 = arith.constant 0 : i32
        %dma_start3A_184 = arith.constant 0 : i32
        %dma_start3A_185 = tpu.memref_slice %arg2[%dma_start3A_183, %dma_start3A_184] : memref<10000x128xf32, #tpu.memory_space<hbm>> -> memref<10000x128xf32, #tpu.memory_space<hbm>>
        tpu.enqueue_indirect_dma source(%dma_start3A_185 : memref<10000x128xf32, #tpu.memory_space<hbm>>) target(%dma_start3A_180 : memref<48x128xf32, #tpu.memory_space<vmem>>) offsets(%dma_start3A_182 : memref<48xi32, #tpu.memory_space<vmem>>) semaphore(%arg15 : memref<!tpu.dma_semaphore, #tpu.memory_space<semaphore_mem>>)
        %dma_start3A_186 = arith.constant 48 : i32
        %dma_start3A_187 = arith.constant 0 : i32
        %dma_start3A_188 = tpu.memref_slice %arg10[%dma_start3A_186, %dma_start3A_187] : memref<100x128xf32, #tpu.memory_space<vmem>> -> memref<52x128xf32, #tpu.memory_space<vmem>>
        %dma_start3A_189 = arith.constant 48 : i32
        %dma_start3A_190 = tpu.memref_slice %arg8[%dma_start3A_189] : memref<100xi32, #tpu.memory_space<vmem>> -> memref<52xi32, #tpu.memory_space<vmem>>
        %dma_start3A_191 = arith.constant 0 : i32
        %dma_start3A_192 = arith.constant 0 : i32
        %dma_start3A_193 = tpu.memref_slice %arg2[%dma_start3A_191, %dma_start3A_192] : memref<10000x128xf32, #tpu.memory_space<hbm>> -> memref<10000x128xf32, #tpu.memory_space<hbm>>
        tpu.enqueue_indirect_dma source(%dma_start3A_193 : memref<10000x128xf32, #tpu.memory_space<hbm>>) target(%dma_start3A_188 : memref<52x128xf32, #tpu.memory_space<vmem>>) offsets(%dma_start3A_190 : memref<52xi32, #tpu.memory_space<vmem>>) semaphore(%arg16 : memref<!tpu.dma_semaphore, #tpu.memory_space<semaphore_mem>>)
      } else {
      }
      %dma_wait3A_150 = arith.constant 0 : i32
      %dma_wait3A_151 = arith.constant 0 : i32
      %dma_wait3A_152 = tpu.memref_slice %arg11[%dma_wait3A_150, %dma_wait3A_151] : memref<100x128xf32, #tpu.memory_space<vmem>> -> memref<48x128xf32, #tpu.memory_space<vmem>>
      %dma_wait3A_153 = arith.constant 0 : i32
      %dma_wait3A_154 = tpu.memref_slice %arg9[%dma_wait3A_153] : memref<100xi32, #tpu.memory_space<vmem>> -> memref<48xi32, #tpu.memory_space<vmem>>
      %dma_wait3A_155 = arith.constant 0 : i32
      %dma_wait3A_156 = arith.constant 0 : i32
      %dma_wait3A_157 = tpu.memref_slice %arg2[%dma_wait3A_155, %dma_wait3A_156] : memref<10000x128xf32, #tpu.memory_space<hbm>> -> memref<10000x128xf32, #tpu.memory_space<hbm>>
      tpu.wait_indirect_dma semaphore(%arg17 : memref<!tpu.dma_semaphore, #tpu.memory_space<semaphore_mem>>) src(%dma_wait3A_157 : memref<10000x128xf32, #tpu.memory_space<hbm>>) dst(%dma_wait3A_152 : memref<48x128xf32, #tpu.memory_space<vmem>>)
      %dma_wait3A_158 = arith.constant 48 : i32
      %dma_wait3A_159 = arith.constant 0 : i32
      %dma_wait3A_160 = tpu.memref_slice %arg11[%dma_wait3A_158, %dma_wait3A_159] : memref<100x128xf32, #tpu.memory_space<vmem>> -> memref<52x128xf32, #tpu.memory_space<vmem>>
      %dma_wait3A_161 = arith.constant 48 : i32
      %dma_wait3A_162 = tpu.memref_slice %arg9[%dma_wait3A_161] : memref<100xi32, #tpu.memory_space<vmem>> -> memref<52xi32, #tpu.memory_space<vmem>>
      %dma_wait3A_163 = arith.constant 0 : i32
      %dma_wait3A_164 = arith.constant 0 : i32
      %dma_wait3A_165 = tpu.memref_slice %arg2[%dma_wait3A_163, %dma_wait3A_164] : memref<10000x128xf32, #tpu.memory_space<hbm>> -> memref<10000x128xf32, #tpu.memory_space<hbm>>
      tpu.wait_indirect_dma semaphore(%arg18 : memref<!tpu.dma_semaphore, #tpu.memory_space<semaphore_mem>>) src(%dma_wait3A_165 : memref<10000x128xf32, #tpu.memory_space<hbm>>) dst(%dma_wait3A_160 : memref<52x128xf32, #tpu.memory_space<vmem>>)
      %add3A_166 = arith.constant 1 : i32
      %add3A_167 = arith.addi %mul3A_108, %add3A_166 : i32
      %dma_start3A_168 = arith.constant 0 : i32
      %dma_start3A_169 = tpu.memref_slice %arg7[%add3A_167, %dma_start3A_168] : memref<100x100xi32, #tpu.memory_space<vmem>> -> memref<1x100xi32, #tpu.memory_space<vmem>>
      %dma_start3A_170 = tpu.memref_squeeze %dma_start3A_169 : memref<1x100xi32, #tpu.memory_space<vmem>> -> memref<100xi32, #tpu.memory_space<vmem>>
      %dma_start3A_171 = arith.constant 0 : i32
      %dma_start3A_172 = arith.constant 0 : i32
      %dma_start3A_173 = tpu.memref_slice %arg14[%dma_start3A_171, %dma_start3A_172] : memref<10240x16xf32, #tpu.memory_space<vmem_shared>> -> memref<10240x16xf32, #tpu.memory_space<vmem_shared>>
      tpu.enqueue_indirect_dma source(%arg12 : memref<100x16xf32, #tpu.memory_space<vmem>>) target(%dma_start3A_173 : memref<10240x16xf32, #tpu.memory_space<vmem_shared>>) offsets(%dma_start3A_170 : memref<100xi32, #tpu.memory_space<vmem>>) semaphore(%arg19 : memref<!tpu.dma_semaphore, #tpu.memory_space<semaphore_mem>>) {add = true}
      %add3A_174 = arith.constant 1 : i32
      %add3A_175 = arith.addi %mul3A_108, %add3A_174 : i32
      "tpu.region"() ({
        %run_scoped3A_176 = tpu.sem_alloc : memref<!tpu.dma_semaphore, #tpu.memory_space<semaphore_mem>>
        %dma_start3A_177 = arith.constant 0 : i32
        %dma_start3A_178 = tpu.memref_slice %arg7[%add3A_175, %dma_start3A_177] : memref<100x100xi32, #tpu.memory_space<vmem>> -> memref<1x100xi32, #tpu.memory_space<vmem>>
        %dma_start3A_179 = tpu.memref_squeeze %dma_start3A_178 : memref<1x100xi32, #tpu.memory_space<vmem>> -> memref<100xi32, #tpu.memory_space<vmem>>
        %dma_start3A_180 = arith.constant 0 : i32
        %dma_start3A_181 = arith.constant 0 : i32
        %dma_start3A_182 = tpu.memref_slice %arg13[%dma_start3A_180, %dma_start3A_181] : memref<10240x128xf32, #tpu.memory_space<vmem_shared>> -> memref<10240x128xf32, #tpu.memory_space<vmem_shared>>
        tpu.enqueue_indirect_dma source(%arg11 : memref<100x128xf32, #tpu.memory_space<vmem>>) target(%dma_start3A_182 : memref<10240x128xf32, #tpu.memory_space<vmem_shared>>) offsets(%dma_start3A_179 : memref<100xi32, #tpu.memory_space<vmem>>) semaphore(%run_scoped3A_176 : memref<!tpu.dma_semaphore, #tpu.memory_space<semaphore_mem>>) {add = true}
        %dma_wait3A_183 = arith.constant 0 : i32
        %dma_wait3A_184 = tpu.memref_slice %arg7[%add3A_175, %dma_wait3A_183] : memref<100x100xi32, #tpu.memory_space<vmem>> -> memref<1x100xi32, #tpu.memory_space<vmem>>
        %dma_wait3A_185 = tpu.memref_squeeze %dma_wait3A_184 : memref<1x100xi32, #tpu.memory_space<vmem>> -> memref<100xi32, #tpu.memory_space<vmem>>
        %dma_wait3A_186 = arith.constant 0 : i32
        %dma_wait3A_187 = arith.constant 0 : i32
        %dma_wait3A_188 = tpu.memref_slice %arg13[%dma_wait3A_186, %dma_wait3A_187] : memref<10240x128xf32, #tpu.memory_space<vmem_shared>> -> memref<10240x128xf32, #tpu.memory_space<vmem_shared>>
        tpu.wait_indirect_dma semaphore(%run_scoped3A_176 : memref<!tpu.dma_semaphore, #tpu.memory_space<semaphore_mem>>) src(%arg11 : memref<100x128xf32, #tpu.memory_space<vmem>>) dst(%dma_wait3A_188 : memref<10240x128xf32, #tpu.memory_space<vmem_shared>>)
        tpu.yield
      }) : () -> ()
    }
    %scan3A_58 = arith.constant 50 : i32
    %scan3A_59 = arith.constant 0 : i32
    %scan3A_60 = arith.constant 0 : i32
    %scan3A_61 = arith.constant 100 : i32
    %scan3A_62 = arith.addi %scan3A_60, %scan3A_61 : i32
    %scan3A_63 = arith.constant 1 : i32
    scf.for %scan3A_106 = %scan3A_60 to %scan3A_62 step %scan3A_63  : i32 {
      %dma_wait3A = arith.constant 0 : i32
      %dma_wait3A_107 = arith.constant 0 : i32
      %dma_wait3A_108 = tpu.memref_slice %arg7[%dma_wait3A, %dma_wait3A_107] : memref<100x100xi32, #tpu.memory_space<vmem>> -> memref<1x100xi32, #tpu.memory_space<vmem>>
      %dma_wait3A_109 = tpu.memref_squeeze %dma_wait3A_108 : memref<1x100xi32, #tpu.memory_space<vmem>> -> memref<100xi32, #tpu.memory_space<vmem>>
      %dma_wait3A_110 = arith.constant 0 : i32
      %dma_wait3A_111 = arith.constant 0 : i32
      %dma_wait3A_112 = tpu.memref_slice %arg14[%dma_wait3A_110, %dma_wait3A_111] : memref<10240x16xf32, #tpu.memory_space<vmem_shared>> -> memref<10240x16xf32, #tpu.memory_space<vmem_shared>>
      tpu.wait_indirect_dma semaphore(%arg19 : memref<!tpu.dma_semaphore, #tpu.memory_space<semaphore_mem>>) src(%arg12 : memref<100x16xf32, #tpu.memory_space<vmem>>) dst(%dma_wait3A_112 : memref<10240x16xf32, #tpu.memory_space<vmem_shared>>)
    }
    %scan3A_64 = arith.constant 100 : i32
    %barrier3A_65 = arith.constant 0 : index
    tpu.barrier barrier_id(%barrier3A_65)
    %mul3A_66 = arith.constant 640 : i32
    %mul3A_67 = arith.muli %arg1, %mul3A_66 : i32
    %add3A_68 = arith.constant 0 : i32
    %add3A_69 = arith.addi %mul3A_67, %add3A_68 : i32
    %multiple_of3A_70 = tpu.assume_multiple %add3A_69, 8 : i32
    "tpu.region"() ({
      %run_scoped3A_106 = tpu.sem_alloc : memref<!tpu.dma_semaphore, #tpu.memory_space<semaphore_mem>>
      %dma_start3A_107 = arith.constant 0 : i32
      %dma_start3A_108 = arith.constant 0 : i32
      %dma_start3A_109 = tpu.memref_slice %arg10[%dma_start3A_107, %dma_start3A_108] : memref<100x128xf32, #tpu.memory_space<vmem>> -> memref<80x128xf32, #tpu.memory_space<vmem>>
      %dma_start3A_110 = arith.constant 0 : i32
      %dma_start3A_111 = tpu.memref_slice %arg13[%multiple_of3A_70, %dma_start3A_110] : memref<10240x128xf32, #tpu.memory_space<vmem_shared>> -> memref<80x128xf32, #tpu.memory_space<vmem_shared>>
      %dma_start3A_112 = arith.constant 0 : i32
      %dma_start3A_113 = arith.constant 0 : i32
      %dma_start3A_114 = tpu.memref_slice %arg10[%dma_start3A_112, %dma_start3A_113] : memref<100x128xf32, #tpu.memory_space<vmem>> -> memref<80x128xf32, #tpu.memory_space<vmem>>
      %dma_start3A_115 = arith.constant 0 : i32
      %dma_start3A_116 = tpu.memref_slice %arg13[%multiple_of3A_70, %dma_start3A_115] : memref<10240x128xf32, #tpu.memory_space<vmem_shared>> -> memref<80x128xf32, #tpu.memory_space<vmem_shared>>
      tpu.enqueue_dma source(%dma_start3A_116 : memref<80x128xf32, #tpu.memory_space<vmem_shared>>) target(%dma_start3A_114 : memref<80x128xf32, #tpu.memory_space<vmem>>) target_semaphore(%run_scoped3A_106 : memref<!tpu.dma_semaphore, #tpu.memory_space<semaphore_mem>>)
      %dma_wait3A = arith.constant 0 : i32
      %dma_wait3A_117 = arith.constant 0 : i32
      %dma_wait3A_118 = tpu.memref_slice %arg10[%dma_wait3A, %dma_wait3A_117] : memref<100x128xf32, #tpu.memory_space<vmem>> -> memref<80x128xf32, #tpu.memory_space<vmem>>
      %dma_wait3A_119 = arith.constant 0 : i32
      %dma_wait3A_120 = tpu.memref_slice %arg13[%multiple_of3A_70, %dma_wait3A_119] : memref<10240x128xf32, #tpu.memory_space<vmem_shared>> -> memref<80x128xf32, #tpu.memory_space<vmem_shared>>
      %dma_wait3A_121 = arith.constant 0 : i32
      %dma_wait3A_122 = arith.constant 0 : i32
      %dma_wait3A_123 = tpu.memref_slice %arg10[%dma_wait3A_121, %dma_wait3A_122] : memref<100x128xf32, #tpu.memory_space<vmem>> -> memref<80x128xf32, #tpu.memory_space<vmem>>
      %dma_wait3A_124 = arith.constant 0 : i32
      %dma_wait3A_125 = tpu.memref_slice %arg13[%multiple_of3A_70, %dma_wait3A_124] : memref<10240x128xf32, #tpu.memory_space<vmem_shared>> -> memref<80x128xf32, #tpu.memory_space<vmem_shared>>
      tpu.wait_dma2 semaphore(%run_scoped3A_106 : memref<!tpu.dma_semaphore, #tpu.memory_space<semaphore_mem>>) src(%dma_wait3A_125 : memref<80x128xf32, #tpu.memory_space<vmem_shared>>) dst(%dma_wait3A_123 : memref<80x128xf32, #tpu.memory_space<vmem>>)
      tpu.yield
    }) : () -> ()
    "tpu.region"() ({
      %run_scoped3A_106 = tpu.sem_alloc : memref<!tpu.dma_semaphore, #tpu.memory_space<semaphore_mem>>
      %dma_start3A_107 = arith.constant 0 : i32
      %dma_start3A_108 = arith.constant 0 : i32
      %dma_start3A_109 = tpu.memref_slice %arg10[%dma_start3A_107, %dma_start3A_108] : memref<100x128xf32, #tpu.memory_space<vmem>> -> memref<80x128xf32, #tpu.memory_space<vmem>>
      %dma_start3A_110 = arith.constant 0 : i32
      %dma_start3A_111 = tpu.memref_slice %arg5[%arg0, %multiple_of3A_70, %dma_start3A_110] : memref<2x10240x128xf32, #tpu.memory_space<hbm>> -> memref<1x80x128xf32, #tpu.memory_space<hbm>>
      %dma_start3A_112 = tpu.memref_squeeze %dma_start3A_111 : memref<1x80x128xf32, #tpu.memory_space<hbm>> -> memref<80x128xf32, #tpu.memory_space<hbm>>
      %dma_start3A_113 = arith.constant 0 : i32
      %dma_start3A_114 = tpu.memref_slice %arg5[%arg0, %multiple_of3A_70, %dma_start3A_113] : memref<2x10240x128xf32, #tpu.memory_space<hbm>> -> memref<1x80x128xf32, #tpu.memory_space<hbm>>
      %dma_start3A_115 = tpu.memref_squeeze %dma_start3A_114 : memref<1x80x128xf32, #tpu.memory_space<hbm>> -> memref<80x128xf32, #tpu.memory_space<hbm>>
      %dma_start3A_116 = arith.constant 0 : i32
      %dma_start3A_117 = arith.constant 0 : i32
      %dma_start3A_118 = tpu.memref_slice %arg10[%dma_start3A_116, %dma_start3A_117] : memref<100x128xf32, #tpu.memory_space<vmem>> -> memref<80x128xf32, #tpu.memory_space<vmem>>
      tpu.enqueue_dma source(%dma_start3A_118 : memref<80x128xf32, #tpu.memory_space<vmem>>) target(%dma_start3A_115 : memref<80x128xf32, #tpu.memory_space<hbm>>) target_semaphore(%run_scoped3A_106 : memref<!tpu.dma_semaphore, #tpu.memory_space<semaphore_mem>>)
      %dma_wait3A = arith.constant 0 : i32
      %dma_wait3A_119 = arith.constant 0 : i32
      %dma_wait3A_120 = tpu.memref_slice %arg10[%dma_wait3A, %dma_wait3A_119] : memref<100x128xf32, #tpu.memory_space<vmem>> -> memref<80x128xf32, #tpu.memory_space<vmem>>
      %dma_wait3A_121 = arith.constant 0 : i32
      %dma_wait3A_122 = tpu.memref_slice %arg5[%arg0, %multiple_of3A_70, %dma_wait3A_121] : memref<2x10240x128xf32, #tpu.memory_space<hbm>> -> memref<1x80x128xf32, #tpu.memory_space<hbm>>
      %dma_wait3A_123 = tpu.memref_squeeze %dma_wait3A_122 : memref<1x80x128xf32, #tpu.memory_space<hbm>> -> memref<80x128xf32, #tpu.memory_space<hbm>>
      %dma_wait3A_124 = arith.constant 0 : i32
      %dma_wait3A_125 = tpu.memref_slice %arg5[%arg0, %multiple_of3A_70, %dma_wait3A_124] : memref<2x10240x128xf32, #tpu.memory_space<hbm>> -> memref<1x80x128xf32, #tpu.memory_space<hbm>>
      %dma_wait3A_126 = tpu.memref_squeeze %dma_wait3A_125 : memref<1x80x128xf32, #tpu.memory_space<hbm>> -> memref<80x128xf32, #tpu.memory_space<hbm>>
      %dma_wait3A_127 = arith.constant 0 : i32
      %dma_wait3A_128 = arith.constant 0 : i32
      %dma_wait3A_129 = tpu.memref_slice %arg10[%dma_wait3A_127, %dma_wait3A_128] : memref<100x128xf32, #tpu.memory_space<vmem>> -> memref<80x128xf32, #tpu.memory_space<vmem>>
      tpu.wait_dma2 semaphore(%run_scoped3A_106 : memref<!tpu.dma_semaphore, #tpu.memory_space<semaphore_mem>>) src(%dma_wait3A_129 : memref<80x128xf32, #tpu.memory_space<vmem>>) dst(%dma_wait3A_126 : memref<80x128xf32, #tpu.memory_space<hbm>>)
      tpu.yield
    }) : () -> ()
    "tpu.region"() ({
      %run_scoped3A_106 = tpu.sem_alloc : memref<!tpu.dma_semaphore, #tpu.memory_space<semaphore_mem>>
      %dma_start3A_107 = arith.constant 0 : i32
      %dma_start3A_108 = arith.constant 0 : i32
      %dma_start3A_109 = tpu.memref_slice %arg12[%dma_start3A_107, %dma_start3A_108] : memref<100x16xf32, #tpu.memory_space<vmem>> -> memref<80x16xf32, #tpu.memory_space<vmem>>
      %dma_start3A_110 = arith.constant 0 : i32
      %dma_start3A_111 = tpu.memref_slice %arg14[%multiple_of3A_70, %dma_start3A_110] : memref<10240x16xf32, #tpu.memory_space<vmem_shared>> -> memref<80x16xf32, #tpu.memory_space<vmem_shared>>
      %dma_start3A_112 = arith.constant 0 : i32
      %dma_start3A_113 = arith.constant 0 : i32
      %dma_start3A_114 = tpu.memref_slice %arg12[%dma_start3A_112, %dma_start3A_113] : memref<100x16xf32, #tpu.memory_space<vmem>> -> memref<80x16xf32, #tpu.memory_space<vmem>>
      %dma_start3A_115 = arith.constant 0 : i32
      %dma_start3A_116 = tpu.memref_slice %arg14[%multiple_of3A_70, %dma_start3A_115] : memref<10240x16xf32, #tpu.memory_space<vmem_shared>> -> memref<80x16xf32, #tpu.memory_space<vmem_shared>>
      tpu.enqueue_dma source(%dma_start3A_116 : memref<80x16xf32, #tpu.memory_space<vmem_shared>>) target(%dma_start3A_114 : memref<80x16xf32, #tpu.memory_space<vmem>>) target_semaphore(%run_scoped3A_106 : memref<!tpu.dma_semaphore, #tpu.memory_space<semaphore_mem>>)
      %dma_wait3A = arith.constant 0 : i32
      %dma_wait3A_117 = arith.constant 0 : i32
      %dma_wait3A_118 = tpu.memref_slice %arg12[%dma_wait3A, %dma_wait3A_117] : memref<100x16xf32, #tpu.memory_space<vmem>> -> memref<80x16xf32, #tpu.memory_space<vmem>>
      %dma_wait3A_119 = arith.constant 0 : i32
      %dma_wait3A_120 = tpu.memref_slice %arg14[%multiple_of3A_70, %dma_wait3A_119] : memref<10240x16xf32, #tpu.memory_space<vmem_shared>> -> memref<80x16xf32, #tpu.memory_space<vmem_shared>>
      %dma_wait3A_121 = arith.constant 0 : i32
      %dma_wait3A_122 = arith.constant 0 : i32
      %dma_wait3A_123 = tpu.memref_slice %arg12[%dma_wait3A_121, %dma_wait3A_122] : memref<100x16xf32, #tpu.memory_space<vmem>> -> memref<80x16xf32, #tpu.memory_space<vmem>>
      %dma_wait3A_124 = arith.constant 0 : i32
      %dma_wait3A_125 = tpu.memref_slice %arg14[%multiple_of3A_70, %dma_wait3A_124] : memref<10240x16xf32, #tpu.memory_space<vmem_shared>> -> memref<80x16xf32, #tpu.memory_space<vmem_shared>>
      tpu.wait_dma2 semaphore(%run_scoped3A_106 : memref<!tpu.dma_semaphore, #tpu.memory_space<semaphore_mem>>) src(%dma_wait3A_125 : memref<80x16xf32, #tpu.memory_space<vmem_shared>>) dst(%dma_wait3A_123 : memref<80x16xf32, #tpu.memory_space<vmem>>)
      tpu.yield
    }) : () -> ()
    "tpu.region"() ({
      %run_scoped3A_106 = tpu.sem_alloc : memref<!tpu.dma_semaphore, #tpu.memory_space<semaphore_mem>>
      %dma_start3A_107 = arith.constant 0 : i32
      %dma_start3A_108 = arith.constant 0 : i32
      %dma_start3A_109 = tpu.memref_slice %arg12[%dma_start3A_107, %dma_start3A_108] : memref<100x16xf32, #tpu.memory_space<vmem>> -> memref<80x16xf32, #tpu.memory_space<vmem>>
      %dma_start3A_110 = arith.constant 0 : i32
      %dma_start3A_111 = tpu.memref_slice %arg6[%arg0, %multiple_of3A_70, %dma_start3A_110] : memref<2x10240x16xf32, #tpu.memory_space<hbm>> -> memref<1x80x16xf32, #tpu.memory_space<hbm>>
      %dma_start3A_112 = tpu.memref_squeeze %dma_start3A_111 : memref<1x80x16xf32, #tpu.memory_space<hbm>> -> memref<80x16xf32, #tpu.memory_space<hbm>>
      %dma_start3A_113 = arith.constant 0 : i32
      %dma_start3A_114 = tpu.memref_slice %arg6[%arg0, %multiple_of3A_70, %dma_start3A_113] : memref<2x10240x16xf32, #tpu.memory_space<hbm>> -> memref<1x80x16xf32, #tpu.memory_space<hbm>>
      %dma_start3A_115 = tpu.memref_squeeze %dma_start3A_114 : memref<1x80x16xf32, #tpu.memory_space<hbm>> -> memref<80x16xf32, #tpu.memory_space<hbm>>
      %dma_start3A_116 = arith.constant 0 : i32
      %dma_start3A_117 = arith.constant 0 : i32
      %dma_start3A_118 = tpu.memref_slice %arg12[%dma_start3A_116, %dma_start3A_117] : memref<100x16xf32, #tpu.memory_space<vmem>> -> memref<80x16xf32, #tpu.memory_space<vmem>>
      tpu.enqueue_dma source(%dma_start3A_118 : memref<80x16xf32, #tpu.memory_space<vmem>>) target(%dma_start3A_115 : memref<80x16xf32, #tpu.memory_space<hbm>>) target_semaphore(%run_scoped3A_106 : memref<!tpu.dma_semaphore, #tpu.memory_space<semaphore_mem>>)
      %dma_wait3A = arith.constant 0 : i32
      %dma_wait3A_119 = arith.constant 0 : i32
      %dma_wait3A_120 = tpu.memref_slice %arg12[%dma_wait3A, %dma_wait3A_119] : memref<100x16xf32, #tpu.memory_space<vmem>> -> memref<80x16xf32, #tpu.memory_space<vmem>>
      %dma_wait3A_121 = arith.constant 0 : i32
      %dma_wait3A_122 = tpu.memref_slice %arg6[%arg0, %multiple_of3A_70, %dma_wait3A_121] : memref<2x10240x16xf32, #tpu.memory_space<hbm>> -> memref<1x80x16xf32, #tpu.memory_space<hbm>>
      %dma_wait3A_123 = tpu.memref_squeeze %dma_wait3A_122 : memref<1x80x16xf32, #tpu.memory_space<hbm>> -> memref<80x16xf32, #tpu.memory_space<hbm>>
      %dma_wait3A_124 = arith.constant 0 : i32
      %dma_wait3A_125 = tpu.memref_slice %arg6[%arg0, %multiple_of3A_70, %dma_wait3A_124] : memref<2x10240x16xf32, #tpu.memory_space<hbm>> -> memref<1x80x16xf32, #tpu.memory_space<hbm>>
      %dma_wait3A_126 = tpu.memref_squeeze %dma_wait3A_125 : memref<1x80x16xf32, #tpu.memory_space<hbm>> -> memref<80x16xf32, #tpu.memory_space<hbm>>
      %dma_wait3A_127 = arith.constant 0 : i32
      %dma_wait3A_128 = arith.constant 0 : i32
      %dma_wait3A_129 = tpu.memref_slice %arg12[%dma_wait3A_127, %dma_wait3A_128] : memref<100x16xf32, #tpu.memory_space<vmem>> -> memref<80x16xf32, #tpu.memory_space<vmem>>
      tpu.wait_dma2 semaphore(%run_scoped3A_106 : memref<!tpu.dma_semaphore, #tpu.memory_space<semaphore_mem>>) src(%dma_wait3A_129 : memref<80x16xf32, #tpu.memory_space<vmem>>) dst(%dma_wait3A_126 : memref<80x16xf32, #tpu.memory_space<hbm>>)
      tpu.yield
    }) : () -> ()
    %mul3A_71 = arith.constant 640 : i32
    %mul3A_72 = arith.muli %arg1, %mul3A_71 : i32
    %add3A_73 = arith.constant 80 : i32
    %add3A_74 = arith.addi %mul3A_72, %add3A_73 : i32
    %multiple_of3A_75 = tpu.assume_multiple %add3A_74, 8 : i32
    "tpu.region"() ({
      %run_scoped3A_106 = tpu.sem_alloc : memref<!tpu.dma_semaphore, #tpu.memory_space<semaphore_mem>>
      %dma_start3A_107 = arith.constant 0 : i32
      %dma_start3A_108 = arith.constant 0 : i32
      %dma_start3A_109 = tpu.memref_slice %arg10[%dma_start3A_107, %dma_start3A_108] : memref<100x128xf32, #tpu.memory_space<vmem>> -> memref<80x128xf32, #tpu.memory_space<vmem>>
      %dma_start3A_110 = arith.constant 0 : i32
      %dma_start3A_111 = tpu.memref_slice %arg13[%multiple_of3A_75, %dma_start3A_110] : memref<10240x128xf32, #tpu.memory_space<vmem_shared>> -> memref<80x128xf32, #tpu.memory_space<vmem_shared>>
      %dma_start3A_112 = arith.constant 0 : i32
      %dma_start3A_113 = arith.constant 0 : i32
      %dma_start3A_114 = tpu.memref_slice %arg10[%dma_start3A_112, %dma_start3A_113] : memref<100x128xf32, #tpu.memory_space<vmem>> -> memref<80x128xf32, #tpu.memory_space<vmem>>
      %dma_start3A_115 = arith.constant 0 : i32
      %dma_start3A_116 = tpu.memref_slice %arg13[%multiple_of3A_75, %dma_start3A_115] : memref<10240x128xf32, #tpu.memory_space<vmem_shared>> -> memref<80x128xf32, #tpu.memory_space<vmem_shared>>
      tpu.enqueue_dma source(%dma_start3A_116 : memref<80x128xf32, #tpu.memory_space<vmem_shared>>) target(%dma_start3A_114 : memref<80x128xf32, #tpu.memory_space<vmem>>) target_semaphore(%run_scoped3A_106 : memref<!tpu.dma_semaphore, #tpu.memory_space<semaphore_mem>>)
      %dma_wait3A = arith.constant 0 : i32
      %dma_wait3A_117 = arith.constant 0 : i32
      %dma_wait3A_118 = tpu.memref_slice %arg10[%dma_wait3A, %dma_wait3A_117] : memref<100x128xf32, #tpu.memory_space<vmem>> -> memref<80x128xf32, #tpu.memory_space<vmem>>
      %dma_wait3A_119 = arith.constant 0 : i32
      %dma_wait3A_120 = tpu.memref_slice %arg13[%multiple_of3A_75, %dma_wait3A_119] : memref<10240x128xf32, #tpu.memory_space<vmem_shared>> -> memref<80x128xf32, #tpu.memory_space<vmem_shared>>
      %dma_wait3A_121 = arith.constant 0 : i32
      %dma_wait3A_122 = arith.constant 0 : i32
      %dma_wait3A_123 = tpu.memref_slice %arg10[%dma_wait3A_121, %dma_wait3A_122] : memref<100x128xf32, #tpu.memory_space<vmem>> -> memref<80x128xf32, #tpu.memory_space<vmem>>
      %dma_wait3A_124 = arith.constant 0 : i32
      %dma_wait3A_125 = tpu.memref_slice %arg13[%multiple_of3A_75, %dma_wait3A_124] : memref<10240x128xf32, #tpu.memory_space<vmem_shared>> -> memref<80x128xf32, #tpu.memory_space<vmem_shared>>
      tpu.wait_dma2 semaphore(%run_scoped3A_106 : memref<!tpu.dma_semaphore, #tpu.memory_space<semaphore_mem>>) src(%dma_wait3A_125 : memref<80x128xf32, #tpu.memory_space<vmem_shared>>) dst(%dma_wait3A_123 : memref<80x128xf32, #tpu.memory_space<vmem>>)
      tpu.yield
    }) : () -> ()
    "tpu.region"() ({
      %run_scoped3A_106 = tpu.sem_alloc : memref<!tpu.dma_semaphore, #tpu.memory_space<semaphore_mem>>
      %dma_start3A_107 = arith.constant 0 : i32
      %dma_start3A_108 = arith.constant 0 : i32
      %dma_start3A_109 = tpu.memref_slice %arg10[%dma_start3A_107, %dma_start3A_108] : memref<100x128xf32, #tpu.memory_space<vmem>> -> memref<80x128xf32, #tpu.memory_space<vmem>>
      %dma_start3A_110 = arith.constant 0 : i32
      %dma_start3A_111 = tpu.memref_slice %arg5[%arg0, %multiple_of3A_75, %dma_start3A_110] : memref<2x10240x128xf32, #tpu.memory_space<hbm>> -> memref<1x80x128xf32, #tpu.memory_space<hbm>>
      %dma_start3A_112 = tpu.memref_squeeze %dma_start3A_111 : memref<1x80x128xf32, #tpu.memory_space<hbm>> -> memref<80x128xf32, #tpu.memory_space<hbm>>
      %dma_start3A_113 = arith.constant 0 : i32
      %dma_start3A_114 = tpu.memref_slice %arg5[%arg0, %multiple_of3A_75, %dma_start3A_113] : memref<2x10240x128xf32, #tpu.memory_space<hbm>> -> memref<1x80x128xf32, #tpu.memory_space<hbm>>
      %dma_start3A_115 = tpu.memref_squeeze %dma_start3A_114 : memref<1x80x128xf32, #tpu.memory_space<hbm>> -> memref<80x128xf32, #tpu.memory_space<hbm>>
      %dma_start3A_116 = arith.constant 0 : i32
      %dma_start3A_117 = arith.constant 0 : i32
      %dma_start3A_118 = tpu.memref_slice %arg10[%dma_start3A_116, %dma_start3A_117] : memref<100x128xf32, #tpu.memory_space<vmem>> -> memref<80x128xf32, #tpu.memory_space<vmem>>
      tpu.enqueue_dma source(%dma_start3A_118 : memref<80x128xf32, #tpu.memory_space<vmem>>) target(%dma_start3A_115 : memref<80x128xf32, #tpu.memory_space<hbm>>) target_semaphore(%run_scoped3A_106 : memref<!tpu.dma_semaphore, #tpu.memory_space<semaphore_mem>>)
      %dma_wait3A = arith.constant 0 : i32
      %dma_wait3A_119 = arith.constant 0 : i32
      %dma_wait3A_120 = tpu.memref_slice %arg10[%dma_wait3A, %dma_wait3A_119] : memref<100x128xf32, #tpu.memory_space<vmem>> -> memref<80x128xf32, #tpu.memory_space<vmem>>
      %dma_wait3A_121 = arith.constant 0 : i32
      %dma_wait3A_122 = tpu.memref_slice %arg5[%arg0, %multiple_of3A_75, %dma_wait3A_121] : memref<2x10240x128xf32, #tpu.memory_space<hbm>> -> memref<1x80x128xf32, #tpu.memory_space<hbm>>
      %dma_wait3A_123 = tpu.memref_squeeze %dma_wait3A_122 : memref<1x80x128xf32, #tpu.memory_space<hbm>> -> memref<80x128xf32, #tpu.memory_space<hbm>>
      %dma_wait3A_124 = arith.constant 0 : i32
      %dma_wait3A_125 = tpu.memref_slice %arg5[%arg0, %multiple_of3A_75, %dma_wait3A_124] : memref<2x10240x128xf32, #tpu.memory_space<hbm>> -> memref<1x80x128xf32, #tpu.memory_space<hbm>>
      %dma_wait3A_126 = tpu.memref_squeeze %dma_wait3A_125 : memref<1x80x128xf32, #tpu.memory_space<hbm>> -> memref<80x128xf32, #tpu.memory_space<hbm>>
      %dma_wait3A_127 = arith.constant 0 : i32
      %dma_wait3A_128 = arith.constant 0 : i32
      %dma_wait3A_129 = tpu.memref_slice %arg10[%dma_wait3A_127, %dma_wait3A_128] : memref<100x128xf32, #tpu.memory_space<vmem>> -> memref<80x128xf32, #tpu.memory_space<vmem>>
      tpu.wait_dma2 semaphore(%run_scoped3A_106 : memref<!tpu.dma_semaphore, #tpu.memory_space<semaphore_mem>>) src(%dma_wait3A_129 : memref<80x128xf32, #tpu.memory_space<vmem>>) dst(%dma_wait3A_126 : memref<80x128xf32, #tpu.memory_space<hbm>>)
      tpu.yield
    }) : () -> ()
    "tpu.region"() ({
      %run_scoped3A_106 = tpu.sem_alloc : memref<!tpu.dma_semaphore, #tpu.memory_space<semaphore_mem>>
      %dma_start3A_107 = arith.constant 0 : i32
      %dma_start3A_108 = arith.constant 0 : i32
      %dma_start3A_109 = tpu.memref_slice %arg12[%dma_start3A_107, %dma_start3A_108] : memref<100x16xf32, #tpu.memory_space<vmem>> -> memref<80x16xf32, #tpu.memory_space<vmem>>
      %dma_start3A_110 = arith.constant 0 : i32
      %dma_start3A_111 = tpu.memref_slice %arg14[%multiple_of3A_75, %dma_start3A_110] : memref<10240x16xf32, #tpu.memory_space<vmem_shared>> -> memref<80x16xf32, #tpu.memory_space<vmem_shared>>
      %dma_start3A_112 = arith.constant 0 : i32
      %dma_start3A_113 = arith.constant 0 : i32
      %dma_start3A_114 = tpu.memref_slice %arg12[%dma_start3A_112, %dma_start3A_113] : memref<100x16xf32, #tpu.memory_space<vmem>> -> memref<80x16xf32, #tpu.memory_space<vmem>>
      %dma_start3A_115 = arith.constant 0 : i32
      %dma_start3A_116 = tpu.memref_slice %arg14[%multiple_of3A_75, %dma_start3A_115] : memref<10240x16xf32, #tpu.memory_space<vmem_shared>> -> memref<80x16xf32, #tpu.memory_space<vmem_shared>>
      tpu.enqueue_dma source(%dma_start3A_116 : memref<80x16xf32, #tpu.memory_space<vmem_shared>>) target(%dma_start3A_114 : memref<80x16xf32, #tpu.memory_space<vmem>>) target_semaphore(%run_scoped3A_106 : memref<!tpu.dma_semaphore, #tpu.memory_space<semaphore_mem>>)
      %dma_wait3A = arith.constant 0 : i32
      %dma_wait3A_117 = arith.constant 0 : i32
      %dma_wait3A_118 = tpu.memref_slice %arg12[%dma_wait3A, %dma_wait3A_117] : memref<100x16xf32, #tpu.memory_space<vmem>> -> memref<80x16xf32, #tpu.memory_space<vmem>>
      %dma_wait3A_119 = arith.constant 0 : i32
      %dma_wait3A_120 = tpu.memref_slice %arg14[%multiple_of3A_75, %dma_wait3A_119] : memref<10240x16xf32, #tpu.memory_space<vmem_shared>> -> memref<80x16xf32, #tpu.memory_space<vmem_shared>>
      %dma_wait3A_121 = arith.constant 0 : i32
      %dma_wait3A_122 = arith.constant 0 : i32
      %dma_wait3A_123 = tpu.memref_slice %arg12[%dma_wait3A_121, %dma_wait3A_122] : memref<100x16xf32, #tpu.memory_space<vmem>> -> memref<80x16xf32, #tpu.memory_space<vmem>>
      %dma_wait3A_124 = arith.constant 0 : i32
      %dma_wait3A_125 = tpu.memref_slice %arg14[%multiple_of3A_75, %dma_wait3A_124] : memref<10240x16xf32, #tpu.memory_space<vmem_shared>> -> memref<80x16xf32, #tpu.memory_space<vmem_shared>>
      tpu.wait_dma2 semaphore(%run_scoped3A_106 : memref<!tpu.dma_semaphore, #tpu.memory_space<semaphore_mem>>) src(%dma_wait3A_125 : memref<80x16xf32, #tpu.memory_space<vmem_shared>>) dst(%dma_wait3A_123 : memref<80x16xf32, #tpu.memory_space<vmem>>)
      tpu.yield
    }) : () -> ()
    "tpu.region"() ({
      %run_scoped3A_106 = tpu.sem_alloc : memref<!tpu.dma_semaphore, #tpu.memory_space<semaphore_mem>>
      %dma_start3A_107 = arith.constant 0 : i32
      %dma_start3A_108 = arith.constant 0 : i32
      %dma_start3A_109 = tpu.memref_slice %arg12[%dma_start3A_107, %dma_start3A_108] : memref<100x16xf32, #tpu.memory_space<vmem>> -> memref<80x16xf32, #tpu.memory_space<vmem>>
      %dma_start3A_110 = arith.constant 0 : i32
      %dma_start3A_111 = tpu.memref_slice %arg6[%arg0, %multiple_of3A_75, %dma_start3A_110] : memref<2x10240x16xf32, #tpu.memory_space<hbm>> -> memref<1x80x16xf32, #tpu.memory_space<hbm>>
      %dma_start3A_112 = tpu.memref_squeeze %dma_start3A_111 : memref<1x80x16xf32, #tpu.memory_space<hbm>> -> memref<80x16xf32, #tpu.memory_space<hbm>>
      %dma_start3A_113 = arith.constant 0 : i32
      %dma_start3A_114 = tpu.memref_slice %arg6[%arg0, %multiple_of3A_75, %dma_start3A_113] : memref<2x10240x16xf32, #tpu.memory_space<hbm>> -> memref<1x80x16xf32, #tpu.memory_space<hbm>>
      %dma_start3A_115 = tpu.memref_squeeze %dma_start3A_114 : memref<1x80x16xf32, #tpu.memory_space<hbm>> -> memref<80x16xf32, #tpu.memory_space<hbm>>
      %dma_start3A_116 = arith.constant 0 : i32
      %dma_start3A_117 = arith.constant 0 : i32
      %dma_start3A_118 = tpu.memref_slice %arg12[%dma_start3A_116, %dma_start3A_117] : memref<100x16xf32, #tpu.memory_space<vmem>> -> memref<80x16xf32, #tpu.memory_space<vmem>>
      tpu.enqueue_dma source(%dma_start3A_118 : memref<80x16xf32, #tpu.memory_space<vmem>>) target(%dma_start3A_115 : memref<80x16xf32, #tpu.memory_space<hbm>>) target_semaphore(%run_scoped3A_106 : memref<!tpu.dma_semaphore, #tpu.memory_space<semaphore_mem>>)
      %dma_wait3A = arith.constant 0 : i32
      %dma_wait3A_119 = arith.constant 0 : i32
      %dma_wait3A_120 = tpu.memref_slice %arg12[%dma_wait3A, %dma_wait3A_119] : memref<100x16xf32, #tpu.memory_space<vmem>> -> memref<80x16xf32, #tpu.memory_space<vmem>>
      %dma_wait3A_121 = arith.constant 0 : i32
      %dma_wait3A_122 = tpu.memref_slice %arg6[%arg0, %multiple_of3A_75, %dma_wait3A_121] : memref<2x10240x16xf32, #tpu.memory_space<hbm>> -> memref<1x80x16xf32, #tpu.memory_space<hbm>>
      %dma_wait3A_123 = tpu.memref_squeeze %dma_wait3A_122 : memref<1x80x16xf32, #tpu.memory_space<hbm>> -> memref<80x16xf32, #tpu.memory_space<hbm>>
      %dma_wait3A_124 = arith.constant 0 : i32
      %dma_wait3A_125 = tpu.memref_slice %arg6[%arg0, %multiple_of3A_75, %dma_wait3A_124] : memref<2x10240x16xf32, #tpu.memory_space<hbm>> -> memref<1x80x16xf32, #tpu.memory_space<hbm>>
      %dma_wait3A_126 = tpu.memref_squeeze %dma_wait3A_125 : memref<1x80x16xf32, #tpu.memory_space<hbm>> -> memref<80x16xf32, #tpu.memory_space<hbm>>
      %dma_wait3A_127 = arith.constant 0 : i32
      %dma_wait3A_128 = arith.constant 0 : i32
      %dma_wait3A_129 = tpu.memref_slice %arg12[%dma_wait3A_127, %dma_wait3A_128] : memref<100x16xf32, #tpu.memory_space<vmem>> -> memref<80x16xf32, #tpu.memory_space<vmem>>
      tpu.wait_dma2 semaphore(%run_scoped3A_106 : memref<!tpu.dma_semaphore, #tpu.memory_space<semaphore_mem>>) src(%dma_wait3A_129 : memref<80x16xf32, #tpu.memory_space<vmem>>) dst(%dma_wait3A_126 : memref<80x16xf32, #tpu.memory_space<hbm>>)
      tpu.yield
    }) : () -> ()
    %mul3A_76 = arith.constant 640 : i32
    %mul3A_77 = arith.muli %arg1, %mul3A_76 : i32
    %add3A_78 = arith.constant 160 : i32
    %add3A_79 = arith.addi %mul3A_77, %add3A_78 : i32
    %multiple_of3A_80 = tpu.assume_multiple %add3A_79, 8 : i32
    "tpu.region"() ({
      %run_scoped3A_106 = tpu.sem_alloc : memref<!tpu.dma_semaphore, #tpu.memory_space<semaphore_mem>>
      %dma_start3A_107 = arith.constant 0 : i32
      %dma_start3A_108 = arith.constant 0 : i32
      %dma_start3A_109 = tpu.memref_slice %arg10[%dma_start3A_107, %dma_start3A_108] : memref<100x128xf32, #tpu.memory_space<vmem>> -> memref<80x128xf32, #tpu.memory_space<vmem>>
      %dma_start3A_110 = arith.constant 0 : i32
      %dma_start3A_111 = tpu.memref_slice %arg13[%multiple_of3A_80, %dma_start3A_110] : memref<10240x128xf32, #tpu.memory_space<vmem_shared>> -> memref<80x128xf32, #tpu.memory_space<vmem_shared>>
      %dma_start3A_112 = arith.constant 0 : i32
      %dma_start3A_113 = arith.constant 0 : i32
      %dma_start3A_114 = tpu.memref_slice %arg10[%dma_start3A_112, %dma_start3A_113] : memref<100x128xf32, #tpu.memory_space<vmem>> -> memref<80x128xf32, #tpu.memory_space<vmem>>
      %dma_start3A_115 = arith.constant 0 : i32
      %dma_start3A_116 = tpu.memref_slice %arg13[%multiple_of3A_80, %dma_start3A_115] : memref<10240x128xf32, #tpu.memory_space<vmem_shared>> -> memref<80x128xf32, #tpu.memory_space<vmem_shared>>
      tpu.enqueue_dma source(%dma_start3A_116 : memref<80x128xf32, #tpu.memory_space<vmem_shared>>) target(%dma_start3A_114 : memref<80x128xf32, #tpu.memory_space<vmem>>) target_semaphore(%run_scoped3A_106 : memref<!tpu.dma_semaphore, #tpu.memory_space<semaphore_mem>>)
      %dma_wait3A = arith.constant 0 : i32
      %dma_wait3A_117 = arith.constant 0 : i32
      %dma_wait3A_118 = tpu.memref_slice %arg10[%dma_wait3A, %dma_wait3A_117] : memref<100x128xf32, #tpu.memory_space<vmem>> -> memref<80x128xf32, #tpu.memory_space<vmem>>
      %dma_wait3A_119 = arith.constant 0 : i32
      %dma_wait3A_120 = tpu.memref_slice %arg13[%multiple_of3A_80, %dma_wait3A_119] : memref<10240x128xf32, #tpu.memory_space<vmem_shared>> -> memref<80x128xf32, #tpu.memory_space<vmem_shared>>
      %dma_wait3A_121 = arith.constant 0 : i32
      %dma_wait3A_122 = arith.constant 0 : i32
      %dma_wait3A_123 = tpu.memref_slice %arg10[%dma_wait3A_121, %dma_wait3A_122] : memref<100x128xf32, #tpu.memory_space<vmem>> -> memref<80x128xf32, #tpu.memory_space<vmem>>
      %dma_wait3A_124 = arith.constant 0 : i32
      %dma_wait3A_125 = tpu.memref_slice %arg13[%multiple_of3A_80, %dma_wait3A_124] : memref<10240x128xf32, #tpu.memory_space<vmem_shared>> -> memref<80x128xf32, #tpu.memory_space<vmem_shared>>
      tpu.wait_dma2 semaphore(%run_scoped3A_106 : memref<!tpu.dma_semaphore, #tpu.memory_space<semaphore_mem>>) src(%dma_wait3A_125 : memref<80x128xf32, #tpu.memory_space<vmem_shared>>) dst(%dma_wait3A_123 : memref<80x128xf32, #tpu.memory_space<vmem>>)
      tpu.yield
    }) : () -> ()
    "tpu.region"() ({
      %run_scoped3A_106 = tpu.sem_alloc : memref<!tpu.dma_semaphore, #tpu.memory_space<semaphore_mem>>
      %dma_start3A_107 = arith.constant 0 : i32
      %dma_start3A_108 = arith.constant 0 : i32
      %dma_start3A_109 = tpu.memref_slice %arg10[%dma_start3A_107, %dma_start3A_108] : memref<100x128xf32, #tpu.memory_space<vmem>> -> memref<80x128xf32, #tpu.memory_space<vmem>>
      %dma_start3A_110 = arith.constant 0 : i32
      %dma_start3A_111 = tpu.memref_slice %arg5[%arg0, %multiple_of3A_80, %dma_start3A_110] : memref<2x10240x128xf32, #tpu.memory_space<hbm>> -> memref<1x80x128xf32, #tpu.memory_space<hbm>>
      %dma_start3A_112 = tpu.memref_squeeze %dma_start3A_111 : memref<1x80x128xf32, #tpu.memory_space<hbm>> -> memref<80x128xf32, #tpu.memory_space<hbm>>
      %dma_start3A_113 = arith.constant 0 : i32
      %dma_start3A_114 = tpu.memref_slice %arg5[%arg0, %multiple_of3A_80, %dma_start3A_113] : memref<2x10240x128xf32, #tpu.memory_space<hbm>> -> memref<1x80x128xf32, #tpu.memory_space<hbm>>
      %dma_start3A_115 = tpu.memref_squeeze %dma_start3A_114 : memref<1x80x128xf32, #tpu.memory_space<hbm>> -> memref<80x128xf32, #tpu.memory_space<hbm>>
      %dma_start3A_116 = arith.constant 0 : i32
      %dma_start3A_117 = arith.constant 0 : i32
      %dma_start3A_118 = tpu.memref_slice %arg10[%dma_start3A_116, %dma_start3A_117] : memref<100x128xf32, #tpu.memory_space<vmem>> -> memref<80x128xf32, #tpu.memory_space<vmem>>
      tpu.enqueue_dma source(%dma_start3A_118 : memref<80x128xf32, #tpu.memory_space<vmem>>) target(%dma_start3A_115 : memref<80x128xf32, #tpu.memory_space<hbm>>) target_semaphore(%run_scoped3A_106 : memref<!tpu.dma_semaphore, #tpu.memory_space<semaphore_mem>>)
      %dma_wait3A = arith.constant 0 : i32
      %dma_wait3A_119 = arith.constant 0 : i32
      %dma_wait3A_120 = tpu.memref_slice %arg10[%dma_wait3A, %dma_wait3A_119] : memref<100x128xf32, #tpu.memory_space<vmem>> -> memref<80x128xf32, #tpu.memory_space<vmem>>
      %dma_wait3A_121 = arith.constant 0 : i32
      %dma_wait3A_122 = tpu.memref_slice %arg5[%arg0, %multiple_of3A_80, %dma_wait3A_121] : memref<2x10240x128xf32, #tpu.memory_space<hbm>> -> memref<1x80x128xf32, #tpu.memory_space<hbm>>
      %dma_wait3A_123 = tpu.memref_squeeze %dma_wait3A_122 : memref<1x80x128xf32, #tpu.memory_space<hbm>> -> memref<80x128xf32, #tpu.memory_space<hbm>>
      %dma_wait3A_124 = arith.constant 0 : i32
      %dma_wait3A_125 = tpu.memref_slice %arg5[%arg0, %multiple_of3A_80, %dma_wait3A_124] : memref<2x10240x128xf32, #tpu.memory_space<hbm>> -> memref<1x80x128xf32, #tpu.memory_space<hbm>>
      %dma_wait3A_126 = tpu.memref_squeeze %dma_wait3A_125 : memref<1x80x128xf32, #tpu.memory_space<hbm>> -> memref<80x128xf32, #tpu.memory_space<hbm>>
      %dma_wait3A_127 = arith.constant 0 : i32
      %dma_wait3A_128 = arith.constant 0 : i32
      %dma_wait3A_129 = tpu.memref_slice %arg10[%dma_wait3A_127, %dma_wait3A_128] : memref<100x128xf32, #tpu.memory_space<vmem>> -> memref<80x128xf32, #tpu.memory_space<vmem>>
      tpu.wait_dma2 semaphore(%run_scoped3A_106 : memref<!tpu.dma_semaphore, #tpu.memory_space<semaphore_mem>>) src(%dma_wait3A_129 : memref<80x128xf32, #tpu.memory_space<vmem>>) dst(%dma_wait3A_126 : memref<80x128xf32, #tpu.memory_space<hbm>>)
      tpu.yield
    }) : () -> ()
    "tpu.region"() ({
      %run_scoped3A_106 = tpu.sem_alloc : memref<!tpu.dma_semaphore, #tpu.memory_space<semaphore_mem>>
      %dma_start3A_107 = arith.constant 0 : i32
      %dma_start3A_108 = arith.constant 0 : i32
      %dma_start3A_109 = tpu.memref_slice %arg12[%dma_start3A_107, %dma_start3A_108] : memref<100x16xf32, #tpu.memory_space<vmem>> -> memref<80x16xf32, #tpu.memory_space<vmem>>
      %dma_start3A_110 = arith.constant 0 : i32
      %dma_start3A_111 = tpu.memref_slice %arg14[%multiple_of3A_80, %dma_start3A_110] : memref<10240x16xf32, #tpu.memory_space<vmem_shared>> -> memref<80x16xf32, #tpu.memory_space<vmem_shared>>
      %dma_start3A_112 = arith.constant 0 : i32
      %dma_start3A_113 = arith.constant 0 : i32
      %dma_start3A_114 = tpu.memref_slice %arg12[%dma_start3A_112, %dma_start3A_113] : memref<100x16xf32, #tpu.memory_space<vmem>> -> memref<80x16xf32, #tpu.memory_space<vmem>>
      %dma_start3A_115 = arith.constant 0 : i32
      %dma_start3A_116 = tpu.memref_slice %arg14[%multiple_of3A_80, %dma_start3A_115] : memref<10240x16xf32, #tpu.memory_space<vmem_shared>> -> memref<80x16xf32, #tpu.memory_space<vmem_shared>>
      tpu.enqueue_dma source(%dma_start3A_116 : memref<80x16xf32, #tpu.memory_space<vmem_shared>>) target(%dma_start3A_114 : memref<80x16xf32, #tpu.memory_space<vmem>>) target_semaphore(%run_scoped3A_106 : memref<!tpu.dma_semaphore, #tpu.memory_space<semaphore_mem>>)
      %dma_wait3A = arith.constant 0 : i32
      %dma_wait3A_117 = arith.constant 0 : i32
      %dma_wait3A_118 = tpu.memref_slice %arg12[%dma_wait3A, %dma_wait3A_117] : memref<100x16xf32, #tpu.memory_space<vmem>> -> memref<80x16xf32, #tpu.memory_space<vmem>>
      %dma_wait3A_119 = arith.constant 0 : i32
      %dma_wait3A_120 = tpu.memref_slice %arg14[%multiple_of3A_80, %dma_wait3A_119] : memref<10240x16xf32, #tpu.memory_space<vmem_shared>> -> memref<80x16xf32, #tpu.memory_space<vmem_shared>>
      %dma_wait3A_121 = arith.constant 0 : i32
      %dma_wait3A_122 = arith.constant 0 : i32
      %dma_wait3A_123 = tpu.memref_slice %arg12[%dma_wait3A_121, %dma_wait3A_122] : memref<100x16xf32, #tpu.memory_space<vmem>> -> memref<80x16xf32, #tpu.memory_space<vmem>>
      %dma_wait3A_124 = arith.constant 0 : i32
      %dma_wait3A_125 = tpu.memref_slice %arg14[%multiple_of3A_80, %dma_wait3A_124] : memref<10240x16xf32, #tpu.memory_space<vmem_shared>> -> memref<80x16xf32, #tpu.memory_space<vmem_shared>>
      tpu.wait_dma2 semaphore(%run_scoped3A_106 : memref<!tpu.dma_semaphore, #tpu.memory_space<semaphore_mem>>) src(%dma_wait3A_125 : memref<80x16xf32, #tpu.memory_space<vmem_shared>>) dst(%dma_wait3A_123 : memref<80x16xf32, #tpu.memory_space<vmem>>)
      tpu.yield
    }) : () -> ()
    "tpu.region"() ({
      %run_scoped3A_106 = tpu.sem_alloc : memref<!tpu.dma_semaphore, #tpu.memory_space<semaphore_mem>>
      %dma_start3A_107 = arith.constant 0 : i32
      %dma_start3A_108 = arith.constant 0 : i32
      %dma_start3A_109 = tpu.memref_slice %arg12[%dma_start3A_107, %dma_start3A_108] : memref<100x16xf32, #tpu.memory_space<vmem>> -> memref<80x16xf32, #tpu.memory_space<vmem>>
      %dma_start3A_110 = arith.constant 0 : i32
      %dma_start3A_111 = tpu.memref_slice %arg6[%arg0, %multiple_of3A_80, %dma_start3A_110] : memref<2x10240x16xf32, #tpu.memory_space<hbm>> -> memref<1x80x16xf32, #tpu.memory_space<hbm>>
      %dma_start3A_112 = tpu.memref_squeeze %dma_start3A_111 : memref<1x80x16xf32, #tpu.memory_space<hbm>> -> memref<80x16xf32, #tpu.memory_space<hbm>>
      %dma_start3A_113 = arith.constant 0 : i32
      %dma_start3A_114 = tpu.memref_slice %arg6[%arg0, %multiple_of3A_80, %dma_start3A_113] : memref<2x10240x16xf32, #tpu.memory_space<hbm>> -> memref<1x80x16xf32, #tpu.memory_space<hbm>>
      %dma_start3A_115 = tpu.memref_squeeze %dma_start3A_114 : memref<1x80x16xf32, #tpu.memory_space<hbm>> -> memref<80x16xf32, #tpu.memory_space<hbm>>
      %dma_start3A_116 = arith.constant 0 : i32
      %dma_start3A_117 = arith.constant 0 : i32
      %dma_start3A_118 = tpu.memref_slice %arg12[%dma_start3A_116, %dma_start3A_117] : memref<100x16xf32, #tpu.memory_space<vmem>> -> memref<80x16xf32, #tpu.memory_space<vmem>>
      tpu.enqueue_dma source(%dma_start3A_118 : memref<80x16xf32, #tpu.memory_space<vmem>>) target(%dma_start3A_115 : memref<80x16xf32, #tpu.memory_space<hbm>>) target_semaphore(%run_scoped3A_106 : memref<!tpu.dma_semaphore, #tpu.memory_space<semaphore_mem>>)
      %dma_wait3A = arith.constant 0 : i32
      %dma_wait3A_119 = arith.constant 0 : i32
      %dma_wait3A_120 = tpu.memref_slice %arg12[%dma_wait3A, %dma_wait3A_119] : memref<100x16xf32, #tpu.memory_space<vmem>> -> memref<80x16xf32, #tpu.memory_space<vmem>>
      %dma_wait3A_121 = arith.constant 0 : i32
      %dma_wait3A_122 = tpu.memref_slice %arg6[%arg0, %multiple_of3A_80, %dma_wait3A_121] : memref<2x10240x16xf32, #tpu.memory_space<hbm>> -> memref<1x80x16xf32, #tpu.memory_space<hbm>>
      %dma_wait3A_123 = tpu.memref_squeeze %dma_wait3A_122 : memref<1x80x16xf32, #tpu.memory_space<hbm>> -> memref<80x16xf32, #tpu.memory_space<hbm>>
      %dma_wait3A_124 = arith.constant 0 : i32
      %dma_wait3A_125 = tpu.memref_slice %arg6[%arg0, %multiple_of3A_80, %dma_wait3A_124] : memref<2x10240x16xf32, #tpu.memory_space<hbm>> -> memref<1x80x16xf32, #tpu.memory_space<hbm>>
      %dma_wait3A_126 = tpu.memref_squeeze %dma_wait3A_125 : memref<1x80x16xf32, #tpu.memory_space<hbm>> -> memref<80x16xf32, #tpu.memory_space<hbm>>
      %dma_wait3A_127 = arith.constant 0 : i32
      %dma_wait3A_128 = arith.constant 0 : i32
      %dma_wait3A_129 = tpu.memref_slice %arg12[%dma_wait3A_127, %dma_wait3A_128] : memref<100x16xf32, #tpu.memory_space<vmem>> -> memref<80x16xf32, #tpu.memory_space<vmem>>
      tpu.wait_dma2 semaphore(%run_scoped3A_106 : memref<!tpu.dma_semaphore, #tpu.memory_space<semaphore_mem>>) src(%dma_wait3A_129 : memref<80x16xf32, #tpu.memory_space<vmem>>) dst(%dma_wait3A_126 : memref<80x16xf32, #tpu.memory_space<hbm>>)
      tpu.yield
    }) : () -> ()
    %mul3A_81 = arith.constant 640 : i32
    %mul3A_82 = arith.muli %arg1, %mul3A_81 : i32
    %add3A_83 = arith.constant 240 : i32
    %add3A_84 = arith.addi %mul3A_82, %add3A_83 : i32
    %multiple_of3A_85 = tpu.assume_multiple %add3A_84, 8 : i32
    "tpu.region"() ({
      %run_scoped3A_106 = tpu.sem_alloc : memref<!tpu.dma_semaphore, #tpu.memory_space<semaphore_mem>>
      %dma_start3A_107 = arith.constant 0 : i32
      %dma_start3A_108 = arith.constant 0 : i32
      %dma_start3A_109 = tpu.memref_slice %arg10[%dma_start3A_107, %dma_start3A_108] : memref<100x128xf32, #tpu.memory_space<vmem>> -> memref<80x128xf32, #tpu.memory_space<vmem>>
      %dma_start3A_110 = arith.constant 0 : i32
      %dma_start3A_111 = tpu.memref_slice %arg13[%multiple_of3A_85, %dma_start3A_110] : memref<10240x128xf32, #tpu.memory_space<vmem_shared>> -> memref<80x128xf32, #tpu.memory_space<vmem_shared>>
      %dma_start3A_112 = arith.constant 0 : i32
      %dma_start3A_113 = arith.constant 0 : i32
      %dma_start3A_114 = tpu.memref_slice %arg10[%dma_start3A_112, %dma_start3A_113] : memref<100x128xf32, #tpu.memory_space<vmem>> -> memref<80x128xf32, #tpu.memory_space<vmem>>
      %dma_start3A_115 = arith.constant 0 : i32
      %dma_start3A_116 = tpu.memref_slice %arg13[%multiple_of3A_85, %dma_start3A_115] : memref<10240x128xf32, #tpu.memory_space<vmem_shared>> -> memref<80x128xf32, #tpu.memory_space<vmem_shared>>
      tpu.enqueue_dma source(%dma_start3A_116 : memref<80x128xf32, #tpu.memory_space<vmem_shared>>) target(%dma_start3A_114 : memref<80x128xf32, #tpu.memory_space<vmem>>) target_semaphore(%run_scoped3A_106 : memref<!tpu.dma_semaphore, #tpu.memory_space<semaphore_mem>>)
      %dma_wait3A = arith.constant 0 : i32
      %dma_wait3A_117 = arith.constant 0 : i32
      %dma_wait3A_118 = tpu.memref_slice %arg10[%dma_wait3A, %dma_wait3A_117] : memref<100x128xf32, #tpu.memory_space<vmem>> -> memref<80x128xf32, #tpu.memory_space<vmem>>
      %dma_wait3A_119 = arith.constant 0 : i32
      %dma_wait3A_120 = tpu.memref_slice %arg13[%multiple_of3A_85, %dma_wait3A_119] : memref<10240x128xf32, #tpu.memory_space<vmem_shared>> -> memref<80x128xf32, #tpu.memory_space<vmem_shared>>
      %dma_wait3A_121 = arith.constant 0 : i32
      %dma_wait3A_122 = arith.constant 0 : i32
      %dma_wait3A_123 = tpu.memref_slice %arg10[%dma_wait3A_121, %dma_wait3A_122] : memref<100x128xf32, #tpu.memory_space<vmem>> -> memref<80x128xf32, #tpu.memory_space<vmem>>
      %dma_wait3A_124 = arith.constant 0 : i32
      %dma_wait3A_125 = tpu.memref_slice %arg13[%multiple_of3A_85, %dma_wait3A_124] : memref<10240x128xf32, #tpu.memory_space<vmem_shared>> -> memref<80x128xf32, #tpu.memory_space<vmem_shared>>
      tpu.wait_dma2 semaphore(%run_scoped3A_106 : memref<!tpu.dma_semaphore, #tpu.memory_space<semaphore_mem>>) src(%dma_wait3A_125 : memref<80x128xf32, #tpu.memory_space<vmem_shared>>) dst(%dma_wait3A_123 : memref<80x128xf32, #tpu.memory_space<vmem>>)
      tpu.yield
    }) : () -> ()
    "tpu.region"() ({
      %run_scoped3A_106 = tpu.sem_alloc : memref<!tpu.dma_semaphore, #tpu.memory_space<semaphore_mem>>
      %dma_start3A_107 = arith.constant 0 : i32
      %dma_start3A_108 = arith.constant 0 : i32
      %dma_start3A_109 = tpu.memref_slice %arg10[%dma_start3A_107, %dma_start3A_108] : memref<100x128xf32, #tpu.memory_space<vmem>> -> memref<80x128xf32, #tpu.memory_space<vmem>>
      %dma_start3A_110 = arith.constant 0 : i32
      %dma_start3A_111 = tpu.memref_slice %arg5[%arg0, %multiple_of3A_85, %dma_start3A_110] : memref<2x10240x128xf32, #tpu.memory_space<hbm>> -> memref<1x80x128xf32, #tpu.memory_space<hbm>>
      %dma_start3A_112 = tpu.memref_squeeze %dma_start3A_111 : memref<1x80x128xf32, #tpu.memory_space<hbm>> -> memref<80x128xf32, #tpu.memory_space<hbm>>
      %dma_start3A_113 = arith.constant 0 : i32
      %dma_start3A_114 = tpu.memref_slice %arg5[%arg0, %multiple_of3A_85, %dma_start3A_113] : memref<2x10240x128xf32, #tpu.memory_space<hbm>> -> memref<1x80x128xf32, #tpu.memory_space<hbm>>
      %dma_start3A_115 = tpu.memref_squeeze %dma_start3A_114 : memref<1x80x128xf32, #tpu.memory_space<hbm>> -> memref<80x128xf32, #tpu.memory_space<hbm>>
      %dma_start3A_116 = arith.constant 0 : i32
      %dma_start3A_117 = arith.constant 0 : i32
      %dma_start3A_118 = tpu.memref_slice %arg10[%dma_start3A_116, %dma_start3A_117] : memref<100x128xf32, #tpu.memory_space<vmem>> -> memref<80x128xf32, #tpu.memory_space<vmem>>
      tpu.enqueue_dma source(%dma_start3A_118 : memref<80x128xf32, #tpu.memory_space<vmem>>) target(%dma_start3A_115 : memref<80x128xf32, #tpu.memory_space<hbm>>) target_semaphore(%run_scoped3A_106 : memref<!tpu.dma_semaphore, #tpu.memory_space<semaphore_mem>>)
      %dma_wait3A = arith.constant 0 : i32
      %dma_wait3A_119 = arith.constant 0 : i32
      %dma_wait3A_120 = tpu.memref_slice %arg10[%dma_wait3A, %dma_wait3A_119] : memref<100x128xf32, #tpu.memory_space<vmem>> -> memref<80x128xf32, #tpu.memory_space<vmem>>
      %dma_wait3A_121 = arith.constant 0 : i32
      %dma_wait3A_122 = tpu.memref_slice %arg5[%arg0, %multiple_of3A_85, %dma_wait3A_121] : memref<2x10240x128xf32, #tpu.memory_space<hbm>> -> memref<1x80x128xf32, #tpu.memory_space<hbm>>
      %dma_wait3A_123 = tpu.memref_squeeze %dma_wait3A_122 : memref<1x80x128xf32, #tpu.memory_space<hbm>> -> memref<80x128xf32, #tpu.memory_space<hbm>>
      %dma_wait3A_124 = arith.constant 0 : i32
      %dma_wait3A_125 = tpu.memref_slice %arg5[%arg0, %multiple_of3A_85, %dma_wait3A_124] : memref<2x10240x128xf32, #tpu.memory_space<hbm>> -> memref<1x80x128xf32, #tpu.memory_space<hbm>>
      %dma_wait3A_126 = tpu.memref_squeeze %dma_wait3A_125 : memref<1x80x128xf32, #tpu.memory_space<hbm>> -> memref<80x128xf32, #tpu.memory_space<hbm>>
      %dma_wait3A_127 = arith.constant 0 : i32
      %dma_wait3A_128 = arith.constant 0 : i32
      %dma_wait3A_129 = tpu.memref_slice %arg10[%dma_wait3A_127, %dma_wait3A_128] : memref<100x128xf32, #tpu.memory_space<vmem>> -> memref<80x128xf32, #tpu.memory_space<vmem>>
      tpu.wait_dma2 semaphore(%run_scoped3A_106 : memref<!tpu.dma_semaphore, #tpu.memory_space<semaphore_mem>>) src(%dma_wait3A_129 : memref<80x128xf32, #tpu.memory_space<vmem>>) dst(%dma_wait3A_126 : memref<80x128xf32, #tpu.memory_space<hbm>>)
      tpu.yield
    }) : () -> ()
    "tpu.region"() ({
      %run_scoped3A_106 = tpu.sem_alloc : memref<!tpu.dma_semaphore, #tpu.memory_space<semaphore_mem>>
      %dma_start3A_107 = arith.constant 0 : i32
      %dma_start3A_108 = arith.constant 0 : i32
      %dma_start3A_109 = tpu.memref_slice %arg12[%dma_start3A_107, %dma_start3A_108] : memref<100x16xf32, #tpu.memory_space<vmem>> -> memref<80x16xf32, #tpu.memory_space<vmem>>
      %dma_start3A_110 = arith.constant 0 : i32
      %dma_start3A_111 = tpu.memref_slice %arg14[%multiple_of3A_85, %dma_start3A_110] : memref<10240x16xf32, #tpu.memory_space<vmem_shared>> -> memref<80x16xf32, #tpu.memory_space<vmem_shared>>
      %dma_start3A_112 = arith.constant 0 : i32
      %dma_start3A_113 = arith.constant 0 : i32
      %dma_start3A_114 = tpu.memref_slice %arg12[%dma_start3A_112, %dma_start3A_113] : memref<100x16xf32, #tpu.memory_space<vmem>> -> memref<80x16xf32, #tpu.memory_space<vmem>>
      %dma_start3A_115 = arith.constant 0 : i32
      %dma_start3A_116 = tpu.memref_slice %arg14[%multiple_of3A_85, %dma_start3A_115] : memref<10240x16xf32, #tpu.memory_space<vmem_shared>> -> memref<80x16xf32, #tpu.memory_space<vmem_shared>>
      tpu.enqueue_dma source(%dma_start3A_116 : memref<80x16xf32, #tpu.memory_space<vmem_shared>>) target(%dma_start3A_114 : memref<80x16xf32, #tpu.memory_space<vmem>>) target_semaphore(%run_scoped3A_106 : memref<!tpu.dma_semaphore, #tpu.memory_space<semaphore_mem>>)
      %dma_wait3A = arith.constant 0 : i32
      %dma_wait3A_117 = arith.constant 0 : i32
      %dma_wait3A_118 = tpu.memref_slice %arg12[%dma_wait3A, %dma_wait3A_117] : memref<100x16xf32, #tpu.memory_space<vmem>> -> memref<80x16xf32, #tpu.memory_space<vmem>>
      %dma_wait3A_119 = arith.constant 0 : i32
      %dma_wait3A_120 = tpu.memref_slice %arg14[%multiple_of3A_85, %dma_wait3A_119] : memref<10240x16xf32, #tpu.memory_space<vmem_shared>> -> memref<80x16xf32, #tpu.memory_space<vmem_shared>>
      %dma_wait3A_121 = arith.constant 0 : i32
      %dma_wait3A_122 = arith.constant 0 : i32
      %dma_wait3A_123 = tpu.memref_slice %arg12[%dma_wait3A_121, %dma_wait3A_122] : memref<100x16xf32, #tpu.memory_space<vmem>> -> memref<80x16xf32, #tpu.memory_space<vmem>>
      %dma_wait3A_124 = arith.constant 0 : i32
      %dma_wait3A_125 = tpu.memref_slice %arg14[%multiple_of3A_85, %dma_wait3A_124] : memref<10240x16xf32, #tpu.memory_space<vmem_shared>> -> memref<80x16xf32, #tpu.memory_space<vmem_shared>>
      tpu.wait_dma2 semaphore(%run_scoped3A_106 : memref<!tpu.dma_semaphore, #tpu.memory_space<semaphore_mem>>) src(%dma_wait3A_125 : memref<80x16xf32, #tpu.memory_space<vmem_shared>>) dst(%dma_wait3A_123 : memref<80x16xf32, #tpu.memory_space<vmem>>)
      tpu.yield
    }) : () -> ()
    "tpu.region"() ({
      %run_scoped3A_106 = tpu.sem_alloc : memref<!tpu.dma_semaphore, #tpu.memory_space<semaphore_mem>>
      %dma_start3A_107 = arith.constant 0 : i32
      %dma_start3A_108 = arith.constant 0 : i32
      %dma_start3A_109 = tpu.memref_slice %arg12[%dma_start3A_107, %dma_start3A_108] : memref<100x16xf32, #tpu.memory_space<vmem>> -> memref<80x16xf32, #tpu.memory_space<vmem>>
      %dma_start3A_110 = arith.constant 0 : i32
      %dma_start3A_111 = tpu.memref_slice %arg6[%arg0, %multiple_of3A_85, %dma_start3A_110] : memref<2x10240x16xf32, #tpu.memory_space<hbm>> -> memref<1x80x16xf32, #tpu.memory_space<hbm>>
      %dma_start3A_112 = tpu.memref_squeeze %dma_start3A_111 : memref<1x80x16xf32, #tpu.memory_space<hbm>> -> memref<80x16xf32, #tpu.memory_space<hbm>>
      %dma_start3A_113 = arith.constant 0 : i32
      %dma_start3A_114 = tpu.memref_slice %arg6[%arg0, %multiple_of3A_85, %dma_start3A_113] : memref<2x10240x16xf32, #tpu.memory_space<hbm>> -> memref<1x80x16xf32, #tpu.memory_space<hbm>>
      %dma_start3A_115 = tpu.memref_squeeze %dma_start3A_114 : memref<1x80x16xf32, #tpu.memory_space<hbm>> -> memref<80x16xf32, #tpu.memory_space<hbm>>
      %dma_start3A_116 = arith.constant 0 : i32
      %dma_start3A_117 = arith.constant 0 : i32
      %dma_start3A_118 = tpu.memref_slice %arg12[%dma_start3A_116, %dma_start3A_117] : memref<100x16xf32, #tpu.memory_space<vmem>> -> memref<80x16xf32, #tpu.memory_space<vmem>>
      tpu.enqueue_dma source(%dma_start3A_118 : memref<80x16xf32, #tpu.memory_space<vmem>>) target(%dma_start3A_115 : memref<80x16xf32, #tpu.memory_space<hbm>>) target_semaphore(%run_scoped3A_106 : memref<!tpu.dma_semaphore, #tpu.memory_space<semaphore_mem>>)
      %dma_wait3A = arith.constant 0 : i32
      %dma_wait3A_119 = arith.constant 0 : i32
      %dma_wait3A_120 = tpu.memref_slice %arg12[%dma_wait3A, %dma_wait3A_119] : memref<100x16xf32, #tpu.memory_space<vmem>> -> memref<80x16xf32, #tpu.memory_space<vmem>>
      %dma_wait3A_121 = arith.constant 0 : i32
      %dma_wait3A_122 = tpu.memref_slice %arg6[%arg0, %multiple_of3A_85, %dma_wait3A_121] : memref<2x10240x16xf32, #tpu.memory_space<hbm>> -> memref<1x80x16xf32, #tpu.memory_space<hbm>>
      %dma_wait3A_123 = tpu.memref_squeeze %dma_wait3A_122 : memref<1x80x16xf32, #tpu.memory_space<hbm>> -> memref<80x16xf32, #tpu.memory_space<hbm>>
      %dma_wait3A_124 = arith.constant 0 : i32
      %dma_wait3A_125 = tpu.memref_slice %arg6[%arg0, %multiple_of3A_85, %dma_wait3A_124] : memref<2x10240x16xf32, #tpu.memory_space<hbm>> -> memref<1x80x16xf32, #tpu.memory_space<hbm>>
      %dma_wait3A_126 = tpu.memref_squeeze %dma_wait3A_125 : memref<1x80x16xf32, #tpu.memory_space<hbm>> -> memref<80x16xf32, #tpu.memory_space<hbm>>
      %dma_wait3A_127 = arith.constant 0 : i32
      %dma_wait3A_128 = arith.constant 0 : i32
      %dma_wait3A_129 = tpu.memref_slice %arg12[%dma_wait3A_127, %dma_wait3A_128] : memref<100x16xf32, #tpu.memory_space<vmem>> -> memref<80x16xf32, #tpu.memory_space<vmem>>
      tpu.wait_dma2 semaphore(%run_scoped3A_106 : memref<!tpu.dma_semaphore, #tpu.memory_space<semaphore_mem>>) src(%dma_wait3A_129 : memref<80x16xf32, #tpu.memory_space<vmem>>) dst(%dma_wait3A_126 : memref<80x16xf32, #tpu.memory_space<hbm>>)
      tpu.yield
    }) : () -> ()
    %mul3A_86 = arith.constant 640 : i32
    %mul3A_87 = arith.muli %arg1, %mul3A_86 : i32
    %add3A_88 = arith.constant 320 : i32
    %add3A_89 = arith.addi %mul3A_87, %add3A_88 : i32
    %multiple_of3A_90 = tpu.assume_multiple %add3A_89, 8 : i32
    "tpu.region"() ({
      %run_scoped3A_106 = tpu.sem_alloc : memref<!tpu.dma_semaphore, #tpu.memory_space<semaphore_mem>>
      %dma_start3A_107 = arith.constant 0 : i32
      %dma_start3A_108 = arith.constant 0 : i32
      %dma_start3A_109 = tpu.memref_slice %arg10[%dma_start3A_107, %dma_start3A_108] : memref<100x128xf32, #tpu.memory_space<vmem>> -> memref<80x128xf32, #tpu.memory_space<vmem>>
      %dma_start3A_110 = arith.constant 0 : i32
      %dma_start3A_111 = tpu.memref_slice %arg13[%multiple_of3A_90, %dma_start3A_110] : memref<10240x128xf32, #tpu.memory_space<vmem_shared>> -> memref<80x128xf32, #tpu.memory_space<vmem_shared>>
      %dma_start3A_112 = arith.constant 0 : i32
      %dma_start3A_113 = arith.constant 0 : i32
      %dma_start3A_114 = tpu.memref_slice %arg10[%dma_start3A_112, %dma_start3A_113] : memref<100x128xf32, #tpu.memory_space<vmem>> -> memref<80x128xf32, #tpu.memory_space<vmem>>
      %dma_start3A_115 = arith.constant 0 : i32
      %dma_start3A_116 = tpu.memref_slice %arg13[%multiple_of3A_90, %dma_start3A_115] : memref<10240x128xf32, #tpu.memory_space<vmem_shared>> -> memref<80x128xf32, #tpu.memory_space<vmem_shared>>
      tpu.enqueue_dma source(%dma_start3A_116 : memref<80x128xf32, #tpu.memory_space<vmem_shared>>) target(%dma_start3A_114 : memref<80x128xf32, #tpu.memory_space<vmem>>) target_semaphore(%run_scoped3A_106 : memref<!tpu.dma_semaphore, #tpu.memory_space<semaphore_mem>>)
      %dma_wait3A = arith.constant 0 : i32
      %dma_wait3A_117 = arith.constant 0 : i32
      %dma_wait3A_118 = tpu.memref_slice %arg10[%dma_wait3A, %dma_wait3A_117] : memref<100x128xf32, #tpu.memory_space<vmem>> -> memref<80x128xf32, #tpu.memory_space<vmem>>
      %dma_wait3A_119 = arith.constant 0 : i32
      %dma_wait3A_120 = tpu.memref_slice %arg13[%multiple_of3A_90, %dma_wait3A_119] : memref<10240x128xf32, #tpu.memory_space<vmem_shared>> -> memref<80x128xf32, #tpu.memory_space<vmem_shared>>
      %dma_wait3A_121 = arith.constant 0 : i32
      %dma_wait3A_122 = arith.constant 0 : i32
      %dma_wait3A_123 = tpu.memref_slice %arg10[%dma_wait3A_121, %dma_wait3A_122] : memref<100x128xf32, #tpu.memory_space<vmem>> -> memref<80x128xf32, #tpu.memory_space<vmem>>
      %dma_wait3A_124 = arith.constant 0 : i32
      %dma_wait3A_125 = tpu.memref_slice %arg13[%multiple_of3A_90, %dma_wait3A_124] : memref<10240x128xf32, #tpu.memory_space<vmem_shared>> -> memref<80x128xf32, #tpu.memory_space<vmem_shared>>
      tpu.wait_dma2 semaphore(%run_scoped3A_106 : memref<!tpu.dma_semaphore, #tpu.memory_space<semaphore_mem>>) src(%dma_wait3A_125 : memref<80x128xf32, #tpu.memory_space<vmem_shared>>) dst(%dma_wait3A_123 : memref<80x128xf32, #tpu.memory_space<vmem>>)
      tpu.yield
    }) : () -> ()
    "tpu.region"() ({
      %run_scoped3A_106 = tpu.sem_alloc : memref<!tpu.dma_semaphore, #tpu.memory_space<semaphore_mem>>
      %dma_start3A_107 = arith.constant 0 : i32
      %dma_start3A_108 = arith.constant 0 : i32
      %dma_start3A_109 = tpu.memref_slice %arg10[%dma_start3A_107, %dma_start3A_108] : memref<100x128xf32, #tpu.memory_space<vmem>> -> memref<80x128xf32, #tpu.memory_space<vmem>>
      %dma_start3A_110 = arith.constant 0 : i32
      %dma_start3A_111 = tpu.memref_slice %arg5[%arg0, %multiple_of3A_90, %dma_start3A_110] : memref<2x10240x128xf32, #tpu.memory_space<hbm>> -> memref<1x80x128xf32, #tpu.memory_space<hbm>>
      %dma_start3A_112 = tpu.memref_squeeze %dma_start3A_111 : memref<1x80x128xf32, #tpu.memory_space<hbm>> -> memref<80x128xf32, #tpu.memory_space<hbm>>
      %dma_start3A_113 = arith.constant 0 : i32
      %dma_start3A_114 = tpu.memref_slice %arg5[%arg0, %multiple_of3A_90, %dma_start3A_113] : memref<2x10240x128xf32, #tpu.memory_space<hbm>> -> memref<1x80x128xf32, #tpu.memory_space<hbm>>
      %dma_start3A_115 = tpu.memref_squeeze %dma_start3A_114 : memref<1x80x128xf32, #tpu.memory_space<hbm>> -> memref<80x128xf32, #tpu.memory_space<hbm>>
      %dma_start3A_116 = arith.constant 0 : i32
      %dma_start3A_117 = arith.constant 0 : i32
      %dma_start3A_118 = tpu.memref_slice %arg10[%dma_start3A_116, %dma_start3A_117] : memref<100x128xf32, #tpu.memory_space<vmem>> -> memref<80x128xf32, #tpu.memory_space<vmem>>
      tpu.enqueue_dma source(%dma_start3A_118 : memref<80x128xf32, #tpu.memory_space<vmem>>) target(%dma_start3A_115 : memref<80x128xf32, #tpu.memory_space<hbm>>) target_semaphore(%run_scoped3A_106 : memref<!tpu.dma_semaphore, #tpu.memory_space<semaphore_mem>>)
      %dma_wait3A = arith.constant 0 : i32
      %dma_wait3A_119 = arith.constant 0 : i32
      %dma_wait3A_120 = tpu.memref_slice %arg10[%dma_wait3A, %dma_wait3A_119] : memref<100x128xf32, #tpu.memory_space<vmem>> -> memref<80x128xf32, #tpu.memory_space<vmem>>
      %dma_wait3A_121 = arith.constant 0 : i32
      %dma_wait3A_122 = tpu.memref_slice %arg5[%arg0, %multiple_of3A_90, %dma_wait3A_121] : memref<2x10240x128xf32, #tpu.memory_space<hbm>> -> memref<1x80x128xf32, #tpu.memory_space<hbm>>
      %dma_wait3A_123 = tpu.memref_squeeze %dma_wait3A_122 : memref<1x80x128xf32, #tpu.memory_space<hbm>> -> memref<80x128xf32, #tpu.memory_space<hbm>>
      %dma_wait3A_124 = arith.constant 0 : i32
      %dma_wait3A_125 = tpu.memref_slice %arg5[%arg0, %multiple_of3A_90, %dma_wait3A_124] : memref<2x10240x128xf32, #tpu.memory_space<hbm>> -> memref<1x80x128xf32, #tpu.memory_space<hbm>>
      %dma_wait3A_126 = tpu.memref_squeeze %dma_wait3A_125 : memref<1x80x128xf32, #tpu.memory_space<hbm>> -> memref<80x128xf32, #tpu.memory_space<hbm>>
      %dma_wait3A_127 = arith.constant 0 : i32
      %dma_wait3A_128 = arith.constant 0 : i32
      %dma_wait3A_129 = tpu.memref_slice %arg10[%dma_wait3A_127, %dma_wait3A_128] : memref<100x128xf32, #tpu.memory_space<vmem>> -> memref<80x128xf32, #tpu.memory_space<vmem>>
      tpu.wait_dma2 semaphore(%run_scoped3A_106 : memref<!tpu.dma_semaphore, #tpu.memory_space<semaphore_mem>>) src(%dma_wait3A_129 : memref<80x128xf32, #tpu.memory_space<vmem>>) dst(%dma_wait3A_126 : memref<80x128xf32, #tpu.memory_space<hbm>>)
      tpu.yield
    }) : () -> ()
    "tpu.region"() ({
      %run_scoped3A_106 = tpu.sem_alloc : memref<!tpu.dma_semaphore, #tpu.memory_space<semaphore_mem>>
      %dma_start3A_107 = arith.constant 0 : i32
      %dma_start3A_108 = arith.constant 0 : i32
      %dma_start3A_109 = tpu.memref_slice %arg12[%dma_start3A_107, %dma_start3A_108] : memref<100x16xf32, #tpu.memory_space<vmem>> -> memref<80x16xf32, #tpu.memory_space<vmem>>
      %dma_start3A_110 = arith.constant 0 : i32
      %dma_start3A_111 = tpu.memref_slice %arg14[%multiple_of3A_90, %dma_start3A_110] : memref<10240x16xf32, #tpu.memory_space<vmem_shared>> -> memref<80x16xf32, #tpu.memory_space<vmem_shared>>
      %dma_start3A_112 = arith.constant 0 : i32
      %dma_start3A_113 = arith.constant 0 : i32
      %dma_start3A_114 = tpu.memref_slice %arg12[%dma_start3A_112, %dma_start3A_113] : memref<100x16xf32, #tpu.memory_space<vmem>> -> memref<80x16xf32, #tpu.memory_space<vmem>>
      %dma_start3A_115 = arith.constant 0 : i32
      %dma_start3A_116 = tpu.memref_slice %arg14[%multiple_of3A_90, %dma_start3A_115] : memref<10240x16xf32, #tpu.memory_space<vmem_shared>> -> memref<80x16xf32, #tpu.memory_space<vmem_shared>>
      tpu.enqueue_dma source(%dma_start3A_116 : memref<80x16xf32, #tpu.memory_space<vmem_shared>>) target(%dma_start3A_114 : memref<80x16xf32, #tpu.memory_space<vmem>>) target_semaphore(%run_scoped3A_106 : memref<!tpu.dma_semaphore, #tpu.memory_space<semaphore_mem>>)
      %dma_wait3A = arith.constant 0 : i32
      %dma_wait3A_117 = arith.constant 0 : i32
      %dma_wait3A_118 = tpu.memref_slice %arg12[%dma_wait3A, %dma_wait3A_117] : memref<100x16xf32, #tpu.memory_space<vmem>> -> memref<80x16xf32, #tpu.memory_space<vmem>>
      %dma_wait3A_119 = arith.constant 0 : i32
      %dma_wait3A_120 = tpu.memref_slice %arg14[%multiple_of3A_90, %dma_wait3A_119] : memref<10240x16xf32, #tpu.memory_space<vmem_shared>> -> memref<80x16xf32, #tpu.memory_space<vmem_shared>>
      %dma_wait3A_121 = arith.constant 0 : i32
      %dma_wait3A_122 = arith.constant 0 : i32
      %dma_wait3A_123 = tpu.memref_slice %arg12[%dma_wait3A_121, %dma_wait3A_122] : memref<100x16xf32, #tpu.memory_space<vmem>> -> memref<80x16xf32, #tpu.memory_space<vmem>>
      %dma_wait3A_124 = arith.constant 0 : i32
      %dma_wait3A_125 = tpu.memref_slice %arg14[%multiple_of3A_90, %dma_wait3A_124] : memref<10240x16xf32, #tpu.memory_space<vmem_shared>> -> memref<80x16xf32, #tpu.memory_space<vmem_shared>>
      tpu.wait_dma2 semaphore(%run_scoped3A_106 : memref<!tpu.dma_semaphore, #tpu.memory_space<semaphore_mem>>) src(%dma_wait3A_125 : memref<80x16xf32, #tpu.memory_space<vmem_shared>>) dst(%dma_wait3A_123 : memref<80x16xf32, #tpu.memory_space<vmem>>)
      tpu.yield
    }) : () -> ()
    "tpu.region"() ({
      %run_scoped3A_106 = tpu.sem_alloc : memref<!tpu.dma_semaphore, #tpu.memory_space<semaphore_mem>>
      %dma_start3A_107 = arith.constant 0 : i32
      %dma_start3A_108 = arith.constant 0 : i32
      %dma_start3A_109 = tpu.memref_slice %arg12[%dma_start3A_107, %dma_start3A_108] : memref<100x16xf32, #tpu.memory_space<vmem>> -> memref<80x16xf32, #tpu.memory_space<vmem>>
      %dma_start3A_110 = arith.constant 0 : i32
      %dma_start3A_111 = tpu.memref_slice %arg6[%arg0, %multiple_of3A_90, %dma_start3A_110] : memref<2x10240x16xf32, #tpu.memory_space<hbm>> -> memref<1x80x16xf32, #tpu.memory_space<hbm>>
      %dma_start3A_112 = tpu.memref_squeeze %dma_start3A_111 : memref<1x80x16xf32, #tpu.memory_space<hbm>> -> memref<80x16xf32, #tpu.memory_space<hbm>>
      %dma_start3A_113 = arith.constant 0 : i32
      %dma_start3A_114 = tpu.memref_slice %arg6[%arg0, %multiple_of3A_90, %dma_start3A_113] : memref<2x10240x16xf32, #tpu.memory_space<hbm>> -> memref<1x80x16xf32, #tpu.memory_space<hbm>>
      %dma_start3A_115 = tpu.memref_squeeze %dma_start3A_114 : memref<1x80x16xf32, #tpu.memory_space<hbm>> -> memref<80x16xf32, #tpu.memory_space<hbm>>
      %dma_start3A_116 = arith.constant 0 : i32
      %dma_start3A_117 = arith.constant 0 : i32
      %dma_start3A_118 = tpu.memref_slice %arg12[%dma_start3A_116, %dma_start3A_117] : memref<100x16xf32, #tpu.memory_space<vmem>> -> memref<80x16xf32, #tpu.memory_space<vmem>>
      tpu.enqueue_dma source(%dma_start3A_118 : memref<80x16xf32, #tpu.memory_space<vmem>>) target(%dma_start3A_115 : memref<80x16xf32, #tpu.memory_space<hbm>>) target_semaphore(%run_scoped3A_106 : memref<!tpu.dma_semaphore, #tpu.memory_space<semaphore_mem>>)
      %dma_wait3A = arith.constant 0 : i32
      %dma_wait3A_119 = arith.constant 0 : i32
      %dma_wait3A_120 = tpu.memref_slice %arg12[%dma_wait3A, %dma_wait3A_119] : memref<100x16xf32, #tpu.memory_space<vmem>> -> memref<80x16xf32, #tpu.memory_space<vmem>>
      %dma_wait3A_121 = arith.constant 0 : i32
      %dma_wait3A_122 = tpu.memref_slice %arg6[%arg0, %multiple_of3A_90, %dma_wait3A_121] : memref<2x10240x16xf32, #tpu.memory_space<hbm>> -> memref<1x80x16xf32, #tpu.memory_space<hbm>>
      %dma_wait3A_123 = tpu.memref_squeeze %dma_wait3A_122 : memref<1x80x16xf32, #tpu.memory_space<hbm>> -> memref<80x16xf32, #tpu.memory_space<hbm>>
      %dma_wait3A_124 = arith.constant 0 : i32
      %dma_wait3A_125 = tpu.memref_slice %arg6[%arg0, %multiple_of3A_90, %dma_wait3A_124] : memref<2x10240x16xf32, #tpu.memory_space<hbm>> -> memref<1x80x16xf32, #tpu.memory_space<hbm>>
      %dma_wait3A_126 = tpu.memref_squeeze %dma_wait3A_125 : memref<1x80x16xf32, #tpu.memory_space<hbm>> -> memref<80x16xf32, #tpu.memory_space<hbm>>
      %dma_wait3A_127 = arith.constant 0 : i32
      %dma_wait3A_128 = arith.constant 0 : i32
      %dma_wait3A_129 = tpu.memref_slice %arg12[%dma_wait3A_127, %dma_wait3A_128] : memref<100x16xf32, #tpu.memory_space<vmem>> -> memref<80x16xf32, #tpu.memory_space<vmem>>
      tpu.wait_dma2 semaphore(%run_scoped3A_106 : memref<!tpu.dma_semaphore, #tpu.memory_space<semaphore_mem>>) src(%dma_wait3A_129 : memref<80x16xf32, #tpu.memory_space<vmem>>) dst(%dma_wait3A_126 : memref<80x16xf32, #tpu.memory_space<hbm>>)
      tpu.yield
    }) : () -> ()
    %mul3A_91 = arith.constant 640 : i32
    %mul3A_92 = arith.muli %arg1, %mul3A_91 : i32
    %add3A_93 = arith.constant 400 : i32
    %add3A_94 = arith.addi %mul3A_92, %add3A_93 : i32
    %multiple_of3A_95 = tpu.assume_multiple %add3A_94, 8 : i32
    "tpu.region"() ({
      %run_scoped3A_106 = tpu.sem_alloc : memref<!tpu.dma_semaphore, #tpu.memory_space<semaphore_mem>>
      %dma_start3A_107 = arith.constant 0 : i32
      %dma_start3A_108 = arith.constant 0 : i32
      %dma_start3A_109 = tpu.memref_slice %arg10[%dma_start3A_107, %dma_start3A_108] : memref<100x128xf32, #tpu.memory_space<vmem>> -> memref<80x128xf32, #tpu.memory_space<vmem>>
      %dma_start3A_110 = arith.constant 0 : i32
      %dma_start3A_111 = tpu.memref_slice %arg13[%multiple_of3A_95, %dma_start3A_110] : memref<10240x128xf32, #tpu.memory_space<vmem_shared>> -> memref<80x128xf32, #tpu.memory_space<vmem_shared>>
      %dma_start3A_112 = arith.constant 0 : i32
      %dma_start3A_113 = arith.constant 0 : i32
      %dma_start3A_114 = tpu.memref_slice %arg10[%dma_start3A_112, %dma_start3A_113] : memref<100x128xf32, #tpu.memory_space<vmem>> -> memref<80x128xf32, #tpu.memory_space<vmem>>
      %dma_start3A_115 = arith.constant 0 : i32
      %dma_start3A_116 = tpu.memref_slice %arg13[%multiple_of3A_95, %dma_start3A_115] : memref<10240x128xf32, #tpu.memory_space<vmem_shared>> -> memref<80x128xf32, #tpu.memory_space<vmem_shared>>
      tpu.enqueue_dma source(%dma_start3A_116 : memref<80x128xf32, #tpu.memory_space<vmem_shared>>) target(%dma_start3A_114 : memref<80x128xf32, #tpu.memory_space<vmem>>) target_semaphore(%run_scoped3A_106 : memref<!tpu.dma_semaphore, #tpu.memory_space<semaphore_mem>>)
      %dma_wait3A = arith.constant 0 : i32
      %dma_wait3A_117 = arith.constant 0 : i32
      %dma_wait3A_118 = tpu.memref_slice %arg10[%dma_wait3A, %dma_wait3A_117] : memref<100x128xf32, #tpu.memory_space<vmem>> -> memref<80x128xf32, #tpu.memory_space<vmem>>
      %dma_wait3A_119 = arith.constant 0 : i32
      %dma_wait3A_120 = tpu.memref_slice %arg13[%multiple_of3A_95, %dma_wait3A_119] : memref<10240x128xf32, #tpu.memory_space<vmem_shared>> -> memref<80x128xf32, #tpu.memory_space<vmem_shared>>
      %dma_wait3A_121 = arith.constant 0 : i32
      %dma_wait3A_122 = arith.constant 0 : i32
      %dma_wait3A_123 = tpu.memref_slice %arg10[%dma_wait3A_121, %dma_wait3A_122] : memref<100x128xf32, #tpu.memory_space<vmem>> -> memref<80x128xf32, #tpu.memory_space<vmem>>
      %dma_wait3A_124 = arith.constant 0 : i32
      %dma_wait3A_125 = tpu.memref_slice %arg13[%multiple_of3A_95, %dma_wait3A_124] : memref<10240x128xf32, #tpu.memory_space<vmem_shared>> -> memref<80x128xf32, #tpu.memory_space<vmem_shared>>
      tpu.wait_dma2 semaphore(%run_scoped3A_106 : memref<!tpu.dma_semaphore, #tpu.memory_space<semaphore_mem>>) src(%dma_wait3A_125 : memref<80x128xf32, #tpu.memory_space<vmem_shared>>) dst(%dma_wait3A_123 : memref<80x128xf32, #tpu.memory_space<vmem>>)
      tpu.yield
    }) : () -> ()
    "tpu.region"() ({
      %run_scoped3A_106 = tpu.sem_alloc : memref<!tpu.dma_semaphore, #tpu.memory_space<semaphore_mem>>
      %dma_start3A_107 = arith.constant 0 : i32
      %dma_start3A_108 = arith.constant 0 : i32
      %dma_start3A_109 = tpu.memref_slice %arg10[%dma_start3A_107, %dma_start3A_108] : memref<100x128xf32, #tpu.memory_space<vmem>> -> memref<80x128xf32, #tpu.memory_space<vmem>>
      %dma_start3A_110 = arith.constant 0 : i32
      %dma_start3A_111 = tpu.memref_slice %arg5[%arg0, %multiple_of3A_95, %dma_start3A_110] : memref<2x10240x128xf32, #tpu.memory_space<hbm>> -> memref<1x80x128xf32, #tpu.memory_space<hbm>>
      %dma_start3A_112 = tpu.memref_squeeze %dma_start3A_111 : memref<1x80x128xf32, #tpu.memory_space<hbm>> -> memref<80x128xf32, #tpu.memory_space<hbm>>
      %dma_start3A_113 = arith.constant 0 : i32
      %dma_start3A_114 = tpu.memref_slice %arg5[%arg0, %multiple_of3A_95, %dma_start3A_113] : memref<2x10240x128xf32, #tpu.memory_space<hbm>> -> memref<1x80x128xf32, #tpu.memory_space<hbm>>
      %dma_start3A_115 = tpu.memref_squeeze %dma_start3A_114 : memref<1x80x128xf32, #tpu.memory_space<hbm>> -> memref<80x128xf32, #tpu.memory_space<hbm>>
      %dma_start3A_116 = arith.constant 0 : i32
      %dma_start3A_117 = arith.constant 0 : i32
      %dma_start3A_118 = tpu.memref_slice %arg10[%dma_start3A_116, %dma_start3A_117] : memref<100x128xf32, #tpu.memory_space<vmem>> -> memref<80x128xf32, #tpu.memory_space<vmem>>
      tpu.enqueue_dma source(%dma_start3A_118 : memref<80x128xf32, #tpu.memory_space<vmem>>) target(%dma_start3A_115 : memref<80x128xf32, #tpu.memory_space<hbm>>) target_semaphore(%run_scoped3A_106 : memref<!tpu.dma_semaphore, #tpu.memory_space<semaphore_mem>>)
      %dma_wait3A = arith.constant 0 : i32
      %dma_wait3A_119 = arith.constant 0 : i32
      %dma_wait3A_120 = tpu.memref_slice %arg10[%dma_wait3A, %dma_wait3A_119] : memref<100x128xf32, #tpu.memory_space<vmem>> -> memref<80x128xf32, #tpu.memory_space<vmem>>
      %dma_wait3A_121 = arith.constant 0 : i32
      %dma_wait3A_122 = tpu.memref_slice %arg5[%arg0, %multiple_of3A_95, %dma_wait3A_121] : memref<2x10240x128xf32, #tpu.memory_space<hbm>> -> memref<1x80x128xf32, #tpu.memory_space<hbm>>
      %dma_wait3A_123 = tpu.memref_squeeze %dma_wait3A_122 : memref<1x80x128xf32, #tpu.memory_space<hbm>> -> memref<80x128xf32, #tpu.memory_space<hbm>>
      %dma_wait3A_124 = arith.constant 0 : i32
      %dma_wait3A_125 = tpu.memref_slice %arg5[%arg0, %multiple_of3A_95, %dma_wait3A_124] : memref<2x10240x128xf32, #tpu.memory_space<hbm>> -> memref<1x80x128xf32, #tpu.memory_space<hbm>>
      %dma_wait3A_126 = tpu.memref_squeeze %dma_wait3A_125 : memref<1x80x128xf32, #tpu.memory_space<hbm>> -> memref<80x128xf32, #tpu.memory_space<hbm>>
      %dma_wait3A_127 = arith.constant 0 : i32
      %dma_wait3A_128 = arith.constant 0 : i32
      %dma_wait3A_129 = tpu.memref_slice %arg10[%dma_wait3A_127, %dma_wait3A_128] : memref<100x128xf32, #tpu.memory_space<vmem>> -> memref<80x128xf32, #tpu.memory_space<vmem>>
      tpu.wait_dma2 semaphore(%run_scoped3A_106 : memref<!tpu.dma_semaphore, #tpu.memory_space<semaphore_mem>>) src(%dma_wait3A_129 : memref<80x128xf32, #tpu.memory_space<vmem>>) dst(%dma_wait3A_126 : memref<80x128xf32, #tpu.memory_space<hbm>>)
      tpu.yield
    }) : () -> ()
    "tpu.region"() ({
      %run_scoped3A_106 = tpu.sem_alloc : memref<!tpu.dma_semaphore, #tpu.memory_space<semaphore_mem>>
      %dma_start3A_107 = arith.constant 0 : i32
      %dma_start3A_108 = arith.constant 0 : i32
      %dma_start3A_109 = tpu.memref_slice %arg12[%dma_start3A_107, %dma_start3A_108] : memref<100x16xf32, #tpu.memory_space<vmem>> -> memref<80x16xf32, #tpu.memory_space<vmem>>
      %dma_start3A_110 = arith.constant 0 : i32
      %dma_start3A_111 = tpu.memref_slice %arg14[%multiple_of3A_95, %dma_start3A_110] : memref<10240x16xf32, #tpu.memory_space<vmem_shared>> -> memref<80x16xf32, #tpu.memory_space<vmem_shared>>
      %dma_start3A_112 = arith.constant 0 : i32
      %dma_start3A_113 = arith.constant 0 : i32
      %dma_start3A_114 = tpu.memref_slice %arg12[%dma_start3A_112, %dma_start3A_113] : memref<100x16xf32, #tpu.memory_space<vmem>> -> memref<80x16xf32, #tpu.memory_space<vmem>>
      %dma_start3A_115 = arith.constant 0 : i32
      %dma_start3A_116 = tpu.memref_slice %arg14[%multiple_of3A_95, %dma_start3A_115] : memref<10240x16xf32, #tpu.memory_space<vmem_shared>> -> memref<80x16xf32, #tpu.memory_space<vmem_shared>>
      tpu.enqueue_dma source(%dma_start3A_116 : memref<80x16xf32, #tpu.memory_space<vmem_shared>>) target(%dma_start3A_114 : memref<80x16xf32, #tpu.memory_space<vmem>>) target_semaphore(%run_scoped3A_106 : memref<!tpu.dma_semaphore, #tpu.memory_space<semaphore_mem>>)
      %dma_wait3A = arith.constant 0 : i32
      %dma_wait3A_117 = arith.constant 0 : i32
      %dma_wait3A_118 = tpu.memref_slice %arg12[%dma_wait3A, %dma_wait3A_117] : memref<100x16xf32, #tpu.memory_space<vmem>> -> memref<80x16xf32, #tpu.memory_space<vmem>>
      %dma_wait3A_119 = arith.constant 0 : i32
      %dma_wait3A_120 = tpu.memref_slice %arg14[%multiple_of3A_95, %dma_wait3A_119] : memref<10240x16xf32, #tpu.memory_space<vmem_shared>> -> memref<80x16xf32, #tpu.memory_space<vmem_shared>>
      %dma_wait3A_121 = arith.constant 0 : i32
      %dma_wait3A_122 = arith.constant 0 : i32
      %dma_wait3A_123 = tpu.memref_slice %arg12[%dma_wait3A_121, %dma_wait3A_122] : memref<100x16xf32, #tpu.memory_space<vmem>> -> memref<80x16xf32, #tpu.memory_space<vmem>>
      %dma_wait3A_124 = arith.constant 0 : i32
      %dma_wait3A_125 = tpu.memref_slice %arg14[%multiple_of3A_95, %dma_wait3A_124] : memref<10240x16xf32, #tpu.memory_space<vmem_shared>> -> memref<80x16xf32, #tpu.memory_space<vmem_shared>>
      tpu.wait_dma2 semaphore(%run_scoped3A_106 : memref<!tpu.dma_semaphore, #tpu.memory_space<semaphore_mem>>) src(%dma_wait3A_125 : memref<80x16xf32, #tpu.memory_space<vmem_shared>>) dst(%dma_wait3A_123 : memref<80x16xf32, #tpu.memory_space<vmem>>)
      tpu.yield
    }) : () -> ()
    "tpu.region"() ({
      %run_scoped3A_106 = tpu.sem_alloc : memref<!tpu.dma_semaphore, #tpu.memory_space<semaphore_mem>>
      %dma_start3A_107 = arith.constant 0 : i32
      %dma_start3A_108 = arith.constant 0 : i32
      %dma_start3A_109 = tpu.memref_slice %arg12[%dma_start3A_107, %dma_start3A_108] : memref<100x16xf32, #tpu.memory_space<vmem>> -> memref<80x16xf32, #tpu.memory_space<vmem>>
      %dma_start3A_110 = arith.constant 0 : i32
      %dma_start3A_111 = tpu.memref_slice %arg6[%arg0, %multiple_of3A_95, %dma_start3A_110] : memref<2x10240x16xf32, #tpu.memory_space<hbm>> -> memref<1x80x16xf32, #tpu.memory_space<hbm>>
      %dma_start3A_112 = tpu.memref_squeeze %dma_start3A_111 : memref<1x80x16xf32, #tpu.memory_space<hbm>> -> memref<80x16xf32, #tpu.memory_space<hbm>>
      %dma_start3A_113 = arith.constant 0 : i32
      %dma_start3A_114 = tpu.memref_slice %arg6[%arg0, %multiple_of3A_95, %dma_start3A_113] : memref<2x10240x16xf32, #tpu.memory_space<hbm>> -> memref<1x80x16xf32, #tpu.memory_space<hbm>>
      %dma_start3A_115 = tpu.memref_squeeze %dma_start3A_114 : memref<1x80x16xf32, #tpu.memory_space<hbm>> -> memref<80x16xf32, #tpu.memory_space<hbm>>
      %dma_start3A_116 = arith.constant 0 : i32
      %dma_start3A_117 = arith.constant 0 : i32
      %dma_start3A_118 = tpu.memref_slice %arg12[%dma_start3A_116, %dma_start3A_117] : memref<100x16xf32, #tpu.memory_space<vmem>> -> memref<80x16xf32, #tpu.memory_space<vmem>>
      tpu.enqueue_dma source(%dma_start3A_118 : memref<80x16xf32, #tpu.memory_space<vmem>>) target(%dma_start3A_115 : memref<80x16xf32, #tpu.memory_space<hbm>>) target_semaphore(%run_scoped3A_106 : memref<!tpu.dma_semaphore, #tpu.memory_space<semaphore_mem>>)
      %dma_wait3A = arith.constant 0 : i32
      %dma_wait3A_119 = arith.constant 0 : i32
      %dma_wait3A_120 = tpu.memref_slice %arg12[%dma_wait3A, %dma_wait3A_119] : memref<100x16xf32, #tpu.memory_space<vmem>> -> memref<80x16xf32, #tpu.memory_space<vmem>>
      %dma_wait3A_121 = arith.constant 0 : i32
      %dma_wait3A_122 = tpu.memref_slice %arg6[%arg0, %multiple_of3A_95, %dma_wait3A_121] : memref<2x10240x16xf32, #tpu.memory_space<hbm>> -> memref<1x80x16xf32, #tpu.memory_space<hbm>>
      %dma_wait3A_123 = tpu.memref_squeeze %dma_wait3A_122 : memref<1x80x16xf32, #tpu.memory_space<hbm>> -> memref<80x16xf32, #tpu.memory_space<hbm>>
      %dma_wait3A_124 = arith.constant 0 : i32
      %dma_wait3A_125 = tpu.memref_slice %arg6[%arg0, %multiple_of3A_95, %dma_wait3A_124] : memref<2x10240x16xf32, #tpu.memory_space<hbm>> -> memref<1x80x16xf32, #tpu.memory_space<hbm>>
      %dma_wait3A_126 = tpu.memref_squeeze %dma_wait3A_125 : memref<1x80x16xf32, #tpu.memory_space<hbm>> -> memref<80x16xf32, #tpu.memory_space<hbm>>
      %dma_wait3A_127 = arith.constant 0 : i32
      %dma_wait3A_128 = arith.constant 0 : i32
      %dma_wait3A_129 = tpu.memref_slice %arg12[%dma_wait3A_127, %dma_wait3A_128] : memref<100x16xf32, #tpu.memory_space<vmem>> -> memref<80x16xf32, #tpu.memory_space<vmem>>
      tpu.wait_dma2 semaphore(%run_scoped3A_106 : memref<!tpu.dma_semaphore, #tpu.memory_space<semaphore_mem>>) src(%dma_wait3A_129 : memref<80x16xf32, #tpu.memory_space<vmem>>) dst(%dma_wait3A_126 : memref<80x16xf32, #tpu.memory_space<hbm>>)
      tpu.yield
    }) : () -> ()
    %mul3A_96 = arith.constant 640 : i32
    %mul3A_97 = arith.muli %arg1, %mul3A_96 : i32
    %add3A_98 = arith.constant 480 : i32
    %add3A_99 = arith.addi %mul3A_97, %add3A_98 : i32
    %multiple_of3A_100 = tpu.assume_multiple %add3A_99, 8 : i32
    "tpu.region"() ({
      %run_scoped3A_106 = tpu.sem_alloc : memref<!tpu.dma_semaphore, #tpu.memory_space<semaphore_mem>>
      %dma_start3A_107 = arith.constant 0 : i32
      %dma_start3A_108 = arith.constant 0 : i32
      %dma_start3A_109 = tpu.memref_slice %arg10[%dma_start3A_107, %dma_start3A_108] : memref<100x128xf32, #tpu.memory_space<vmem>> -> memref<80x128xf32, #tpu.memory_space<vmem>>
      %dma_start3A_110 = arith.constant 0 : i32
      %dma_start3A_111 = tpu.memref_slice %arg13[%multiple_of3A_100, %dma_start3A_110] : memref<10240x128xf32, #tpu.memory_space<vmem_shared>> -> memref<80x128xf32, #tpu.memory_space<vmem_shared>>
      %dma_start3A_112 = arith.constant 0 : i32
      %dma_start3A_113 = arith.constant 0 : i32
      %dma_start3A_114 = tpu.memref_slice %arg10[%dma_start3A_112, %dma_start3A_113] : memref<100x128xf32, #tpu.memory_space<vmem>> -> memref<80x128xf32, #tpu.memory_space<vmem>>
      %dma_start3A_115 = arith.constant 0 : i32
      %dma_start3A_116 = tpu.memref_slice %arg13[%multiple_of3A_100, %dma_start3A_115] : memref<10240x128xf32, #tpu.memory_space<vmem_shared>> -> memref<80x128xf32, #tpu.memory_space<vmem_shared>>
      tpu.enqueue_dma source(%dma_start3A_116 : memref<80x128xf32, #tpu.memory_space<vmem_shared>>) target(%dma_start3A_114 : memref<80x128xf32, #tpu.memory_space<vmem>>) target_semaphore(%run_scoped3A_106 : memref<!tpu.dma_semaphore, #tpu.memory_space<semaphore_mem>>)
      %dma_wait3A = arith.constant 0 : i32
      %dma_wait3A_117 = arith.constant 0 : i32
      %dma_wait3A_118 = tpu.memref_slice %arg10[%dma_wait3A, %dma_wait3A_117] : memref<100x128xf32, #tpu.memory_space<vmem>> -> memref<80x128xf32, #tpu.memory_space<vmem>>
      %dma_wait3A_119 = arith.constant 0 : i32
      %dma_wait3A_120 = tpu.memref_slice %arg13[%multiple_of3A_100, %dma_wait3A_119] : memref<10240x128xf32, #tpu.memory_space<vmem_shared>> -> memref<80x128xf32, #tpu.memory_space<vmem_shared>>
      %dma_wait3A_121 = arith.constant 0 : i32
      %dma_wait3A_122 = arith.constant 0 : i32
      %dma_wait3A_123 = tpu.memref_slice %arg10[%dma_wait3A_121, %dma_wait3A_122] : memref<100x128xf32, #tpu.memory_space<vmem>> -> memref<80x128xf32, #tpu.memory_space<vmem>>
      %dma_wait3A_124 = arith.constant 0 : i32
      %dma_wait3A_125 = tpu.memref_slice %arg13[%multiple_of3A_100, %dma_wait3A_124] : memref<10240x128xf32, #tpu.memory_space<vmem_shared>> -> memref<80x128xf32, #tpu.memory_space<vmem_shared>>
      tpu.wait_dma2 semaphore(%run_scoped3A_106 : memref<!tpu.dma_semaphore, #tpu.memory_space<semaphore_mem>>) src(%dma_wait3A_125 : memref<80x128xf32, #tpu.memory_space<vmem_shared>>) dst(%dma_wait3A_123 : memref<80x128xf32, #tpu.memory_space<vmem>>)
      tpu.yield
    }) : () -> ()
    "tpu.region"() ({
      %run_scoped3A_106 = tpu.sem_alloc : memref<!tpu.dma_semaphore, #tpu.memory_space<semaphore_mem>>
      %dma_start3A_107 = arith.constant 0 : i32
      %dma_start3A_108 = arith.constant 0 : i32
      %dma_start3A_109 = tpu.memref_slice %arg10[%dma_start3A_107, %dma_start3A_108] : memref<100x128xf32, #tpu.memory_space<vmem>> -> memref<80x128xf32, #tpu.memory_space<vmem>>
      %dma_start3A_110 = arith.constant 0 : i32
      %dma_start3A_111 = tpu.memref_slice %arg5[%arg0, %multiple_of3A_100, %dma_start3A_110] : memref<2x10240x128xf32, #tpu.memory_space<hbm>> -> memref<1x80x128xf32, #tpu.memory_space<hbm>>
      %dma_start3A_112 = tpu.memref_squeeze %dma_start3A_111 : memref<1x80x128xf32, #tpu.memory_space<hbm>> -> memref<80x128xf32, #tpu.memory_space<hbm>>
      %dma_start3A_113 = arith.constant 0 : i32
      %dma_start3A_114 = tpu.memref_slice %arg5[%arg0, %multiple_of3A_100, %dma_start3A_113] : memref<2x10240x128xf32, #tpu.memory_space<hbm>> -> memref<1x80x128xf32, #tpu.memory_space<hbm>>
      %dma_start3A_115 = tpu.memref_squeeze %dma_start3A_114 : memref<1x80x128xf32, #tpu.memory_space<hbm>> -> memref<80x128xf32, #tpu.memory_space<hbm>>
      %dma_start3A_116 = arith.constant 0 : i32
      %dma_start3A_117 = arith.constant 0 : i32
      %dma_start3A_118 = tpu.memref_slice %arg10[%dma_start3A_116, %dma_start3A_117] : memref<100x128xf32, #tpu.memory_space<vmem>> -> memref<80x128xf32, #tpu.memory_space<vmem>>
      tpu.enqueue_dma source(%dma_start3A_118 : memref<80x128xf32, #tpu.memory_space<vmem>>) target(%dma_start3A_115 : memref<80x128xf32, #tpu.memory_space<hbm>>) target_semaphore(%run_scoped3A_106 : memref<!tpu.dma_semaphore, #tpu.memory_space<semaphore_mem>>)
      %dma_wait3A = arith.constant 0 : i32
      %dma_wait3A_119 = arith.constant 0 : i32
      %dma_wait3A_120 = tpu.memref_slice %arg10[%dma_wait3A, %dma_wait3A_119] : memref<100x128xf32, #tpu.memory_space<vmem>> -> memref<80x128xf32, #tpu.memory_space<vmem>>
      %dma_wait3A_121 = arith.constant 0 : i32
      %dma_wait3A_122 = tpu.memref_slice %arg5[%arg0, %multiple_of3A_100, %dma_wait3A_121] : memref<2x10240x128xf32, #tpu.memory_space<hbm>> -> memref<1x80x128xf32, #tpu.memory_space<hbm>>
      %dma_wait3A_123 = tpu.memref_squeeze %dma_wait3A_122 : memref<1x80x128xf32, #tpu.memory_space<hbm>> -> memref<80x128xf32, #tpu.memory_space<hbm>>
      %dma_wait3A_124 = arith.constant 0 : i32
      %dma_wait3A_125 = tpu.memref_slice %arg5[%arg0, %multiple_of3A_100, %dma_wait3A_124] : memref<2x10240x128xf32, #tpu.memory_space<hbm>> -> memref<1x80x128xf32, #tpu.memory_space<hbm>>
      %dma_wait3A_126 = tpu.memref_squeeze %dma_wait3A_125 : memref<1x80x128xf32, #tpu.memory_space<hbm>> -> memref<80x128xf32, #tpu.memory_space<hbm>>
      %dma_wait3A_127 = arith.constant 0 : i32
      %dma_wait3A_128 = arith.constant 0 : i32
      %dma_wait3A_129 = tpu.memref_slice %arg10[%dma_wait3A_127, %dma_wait3A_128] : memref<100x128xf32, #tpu.memory_space<vmem>> -> memref<80x128xf32, #tpu.memory_space<vmem>>
      tpu.wait_dma2 semaphore(%run_scoped3A_106 : memref<!tpu.dma_semaphore, #tpu.memory_space<semaphore_mem>>) src(%dma_wait3A_129 : memref<80x128xf32, #tpu.memory_space<vmem>>) dst(%dma_wait3A_126 : memref<80x128xf32, #tpu.memory_space<hbm>>)
      tpu.yield
    }) : () -> ()
    "tpu.region"() ({
      %run_scoped3A_106 = tpu.sem_alloc : memref<!tpu.dma_semaphore, #tpu.memory_space<semaphore_mem>>
      %dma_start3A_107 = arith.constant 0 : i32
      %dma_start3A_108 = arith.constant 0 : i32
      %dma_start3A_109 = tpu.memref_slice %arg12[%dma_start3A_107, %dma_start3A_108] : memref<100x16xf32, #tpu.memory_space<vmem>> -> memref<80x16xf32, #tpu.memory_space<vmem>>
      %dma_start3A_110 = arith.constant 0 : i32
      %dma_start3A_111 = tpu.memref_slice %arg14[%multiple_of3A_100, %dma_start3A_110] : memref<10240x16xf32, #tpu.memory_space<vmem_shared>> -> memref<80x16xf32, #tpu.memory_space<vmem_shared>>
      %dma_start3A_112 = arith.constant 0 : i32
      %dma_start3A_113 = arith.constant 0 : i32
      %dma_start3A_114 = tpu.memref_slice %arg12[%dma_start3A_112, %dma_start3A_113] : memref<100x16xf32, #tpu.memory_space<vmem>> -> memref<80x16xf32, #tpu.memory_space<vmem>>
      %dma_start3A_115 = arith.constant 0 : i32
      %dma_start3A_116 = tpu.memref_slice %arg14[%multiple_of3A_100, %dma_start3A_115] : memref<10240x16xf32, #tpu.memory_space<vmem_shared>> -> memref<80x16xf32, #tpu.memory_space<vmem_shared>>
      tpu.enqueue_dma source(%dma_start3A_116 : memref<80x16xf32, #tpu.memory_space<vmem_shared>>) target(%dma_start3A_114 : memref<80x16xf32, #tpu.memory_space<vmem>>) target_semaphore(%run_scoped3A_106 : memref<!tpu.dma_semaphore, #tpu.memory_space<semaphore_mem>>)
      %dma_wait3A = arith.constant 0 : i32
      %dma_wait3A_117 = arith.constant 0 : i32
      %dma_wait3A_118 = tpu.memref_slice %arg12[%dma_wait3A, %dma_wait3A_117] : memref<100x16xf32, #tpu.memory_space<vmem>> -> memref<80x16xf32, #tpu.memory_space<vmem>>
      %dma_wait3A_119 = arith.constant 0 : i32
      %dma_wait3A_120 = tpu.memref_slice %arg14[%multiple_of3A_100, %dma_wait3A_119] : memref<10240x16xf32, #tpu.memory_space<vmem_shared>> -> memref<80x16xf32, #tpu.memory_space<vmem_shared>>
      %dma_wait3A_121 = arith.constant 0 : i32
      %dma_wait3A_122 = arith.constant 0 : i32
      %dma_wait3A_123 = tpu.memref_slice %arg12[%dma_wait3A_121, %dma_wait3A_122] : memref<100x16xf32, #tpu.memory_space<vmem>> -> memref<80x16xf32, #tpu.memory_space<vmem>>
      %dma_wait3A_124 = arith.constant 0 : i32
      %dma_wait3A_125 = tpu.memref_slice %arg14[%multiple_of3A_100, %dma_wait3A_124] : memref<10240x16xf32, #tpu.memory_space<vmem_shared>> -> memref<80x16xf32, #tpu.memory_space<vmem_shared>>
      tpu.wait_dma2 semaphore(%run_scoped3A_106 : memref<!tpu.dma_semaphore, #tpu.memory_space<semaphore_mem>>) src(%dma_wait3A_125 : memref<80x16xf32, #tpu.memory_space<vmem_shared>>) dst(%dma_wait3A_123 : memref<80x16xf32, #tpu.memory_space<vmem>>)
      tpu.yield
    }) : () -> ()
    "tpu.region"() ({
      %run_scoped3A_106 = tpu.sem_alloc : memref<!tpu.dma_semaphore, #tpu.memory_space<semaphore_mem>>
      %dma_start3A_107 = arith.constant 0 : i32
      %dma_start3A_108 = arith.constant 0 : i32
      %dma_start3A_109 = tpu.memref_slice %arg12[%dma_start3A_107, %dma_start3A_108] : memref<100x16xf32, #tpu.memory_space<vmem>> -> memref<80x16xf32, #tpu.memory_space<vmem>>
      %dma_start3A_110 = arith.constant 0 : i32
      %dma_start3A_111 = tpu.memref_slice %arg6[%arg0, %multiple_of3A_100, %dma_start3A_110] : memref<2x10240x16xf32, #tpu.memory_space<hbm>> -> memref<1x80x16xf32, #tpu.memory_space<hbm>>
      %dma_start3A_112 = tpu.memref_squeeze %dma_start3A_111 : memref<1x80x16xf32, #tpu.memory_space<hbm>> -> memref<80x16xf32, #tpu.memory_space<hbm>>
      %dma_start3A_113 = arith.constant 0 : i32
      %dma_start3A_114 = tpu.memref_slice %arg6[%arg0, %multiple_of3A_100, %dma_start3A_113] : memref<2x10240x16xf32, #tpu.memory_space<hbm>> -> memref<1x80x16xf32, #tpu.memory_space<hbm>>
      %dma_start3A_115 = tpu.memref_squeeze %dma_start3A_114 : memref<1x80x16xf32, #tpu.memory_space<hbm>> -> memref<80x16xf32, #tpu.memory_space<hbm>>
      %dma_start3A_116 = arith.constant 0 : i32
      %dma_start3A_117 = arith.constant 0 : i32
      %dma_start3A_118 = tpu.memref_slice %arg12[%dma_start3A_116, %dma_start3A_117] : memref<100x16xf32, #tpu.memory_space<vmem>> -> memref<80x16xf32, #tpu.memory_space<vmem>>
      tpu.enqueue_dma source(%dma_start3A_118 : memref<80x16xf32, #tpu.memory_space<vmem>>) target(%dma_start3A_115 : memref<80x16xf32, #tpu.memory_space<hbm>>) target_semaphore(%run_scoped3A_106 : memref<!tpu.dma_semaphore, #tpu.memory_space<semaphore_mem>>)
      %dma_wait3A = arith.constant 0 : i32
      %dma_wait3A_119 = arith.constant 0 : i32
      %dma_wait3A_120 = tpu.memref_slice %arg12[%dma_wait3A, %dma_wait3A_119] : memref<100x16xf32, #tpu.memory_space<vmem>> -> memref<80x16xf32, #tpu.memory_space<vmem>>
      %dma_wait3A_121 = arith.constant 0 : i32
      %dma_wait3A_122 = tpu.memref_slice %arg6[%arg0, %multiple_of3A_100, %dma_wait3A_121] : memref<2x10240x16xf32, #tpu.memory_space<hbm>> -> memref<1x80x16xf32, #tpu.memory_space<hbm>>
      %dma_wait3A_123 = tpu.memref_squeeze %dma_wait3A_122 : memref<1x80x16xf32, #tpu.memory_space<hbm>> -> memref<80x16xf32, #tpu.memory_space<hbm>>
      %dma_wait3A_124 = arith.constant 0 : i32
      %dma_wait3A_125 = tpu.memref_slice %arg6[%arg0, %multiple_of3A_100, %dma_wait3A_124] : memref<2x10240x16xf32, #tpu.memory_space<hbm>> -> memref<1x80x16xf32, #tpu.memory_space<hbm>>
      %dma_wait3A_126 = tpu.memref_squeeze %dma_wait3A_125 : memref<1x80x16xf32, #tpu.memory_space<hbm>> -> memref<80x16xf32, #tpu.memory_space<hbm>>
      %dma_wait3A_127 = arith.constant 0 : i32
      %dma_wait3A_128 = arith.constant 0 : i32
      %dma_wait3A_129 = tpu.memref_slice %arg12[%dma_wait3A_127, %dma_wait3A_128] : memref<100x16xf32, #tpu.memory_space<vmem>> -> memref<80x16xf32, #tpu.memory_space<vmem>>
      tpu.wait_dma2 semaphore(%run_scoped3A_106 : memref<!tpu.dma_semaphore, #tpu.memory_space<semaphore_mem>>) src(%dma_wait3A_129 : memref<80x16xf32, #tpu.memory_space<vmem>>) dst(%dma_wait3A_126 : memref<80x16xf32, #tpu.memory_space<hbm>>)
      tpu.yield
    }) : () -> ()
    %mul3A_101 = arith.constant 640 : i32
    %mul3A_102 = arith.muli %arg1, %mul3A_101 : i32
    %add3A_103 = arith.constant 560 : i32
    %add3A_104 = arith.addi %mul3A_102, %add3A_103 : i32
    %multiple_of3A_105 = tpu.assume_multiple %add3A_104, 8 : i32
    "tpu.region"() ({
      %run_scoped3A_106 = tpu.sem_alloc : memref<!tpu.dma_semaphore, #tpu.memory_space<semaphore_mem>>
      %dma_start3A_107 = arith.constant 0 : i32
      %dma_start3A_108 = arith.constant 0 : i32
      %dma_start3A_109 = tpu.memref_slice %arg10[%dma_start3A_107, %dma_start3A_108] : memref<100x128xf32, #tpu.memory_space<vmem>> -> memref<80x128xf32, #tpu.memory_space<vmem>>
      %dma_start3A_110 = arith.constant 0 : i32
      %dma_start3A_111 = tpu.memref_slice %arg13[%multiple_of3A_105, %dma_start3A_110] : memref<10240x128xf32, #tpu.memory_space<vmem_shared>> -> memref<80x128xf32, #tpu.memory_space<vmem_shared>>
      %dma_start3A_112 = arith.constant 0 : i32
      %dma_start3A_113 = arith.constant 0 : i32
      %dma_start3A_114 = tpu.memref_slice %arg10[%dma_start3A_112, %dma_start3A_113] : memref<100x128xf32, #tpu.memory_space<vmem>> -> memref<80x128xf32, #tpu.memory_space<vmem>>
      %dma_start3A_115 = arith.constant 0 : i32
      %dma_start3A_116 = tpu.memref_slice %arg13[%multiple_of3A_105, %dma_start3A_115] : memref<10240x128xf32, #tpu.memory_space<vmem_shared>> -> memref<80x128xf32, #tpu.memory_space<vmem_shared>>
      tpu.enqueue_dma source(%dma_start3A_116 : memref<80x128xf32, #tpu.memory_space<vmem_shared>>) target(%dma_start3A_114 : memref<80x128xf32, #tpu.memory_space<vmem>>) target_semaphore(%run_scoped3A_106 : memref<!tpu.dma_semaphore, #tpu.memory_space<semaphore_mem>>)
      %dma_wait3A = arith.constant 0 : i32
      %dma_wait3A_117 = arith.constant 0 : i32
      %dma_wait3A_118 = tpu.memref_slice %arg10[%dma_wait3A, %dma_wait3A_117] : memref<100x128xf32, #tpu.memory_space<vmem>> -> memref<80x128xf32, #tpu.memory_space<vmem>>
      %dma_wait3A_119 = arith.constant 0 : i32
      %dma_wait3A_120 = tpu.memref_slice %arg13[%multiple_of3A_105, %dma_wait3A_119] : memref<10240x128xf32, #tpu.memory_space<vmem_shared>> -> memref<80x128xf32, #tpu.memory_space<vmem_shared>>
      %dma_wait3A_121 = arith.constant 0 : i32
      %dma_wait3A_122 = arith.constant 0 : i32
      %dma_wait3A_123 = tpu.memref_slice %arg10[%dma_wait3A_121, %dma_wait3A_122] : memref<100x128xf32, #tpu.memory_space<vmem>> -> memref<80x128xf32, #tpu.memory_space<vmem>>
      %dma_wait3A_124 = arith.constant 0 : i32
      %dma_wait3A_125 = tpu.memref_slice %arg13[%multiple_of3A_105, %dma_wait3A_124] : memref<10240x128xf32, #tpu.memory_space<vmem_shared>> -> memref<80x128xf32, #tpu.memory_space<vmem_shared>>
      tpu.wait_dma2 semaphore(%run_scoped3A_106 : memref<!tpu.dma_semaphore, #tpu.memory_space<semaphore_mem>>) src(%dma_wait3A_125 : memref<80x128xf32, #tpu.memory_space<vmem_shared>>) dst(%dma_wait3A_123 : memref<80x128xf32, #tpu.memory_space<vmem>>)
      tpu.yield
    }) : () -> ()
    "tpu.region"() ({
      %run_scoped3A_106 = tpu.sem_alloc : memref<!tpu.dma_semaphore, #tpu.memory_space<semaphore_mem>>
      %dma_start3A_107 = arith.constant 0 : i32
      %dma_start3A_108 = arith.constant 0 : i32
      %dma_start3A_109 = tpu.memref_slice %arg10[%dma_start3A_107, %dma_start3A_108] : memref<100x128xf32, #tpu.memory_space<vmem>> -> memref<80x128xf32, #tpu.memory_space<vmem>>
      %dma_start3A_110 = arith.constant 0 : i32
      %dma_start3A_111 = tpu.memref_slice %arg5[%arg0, %multiple_of3A_105, %dma_start3A_110] : memref<2x10240x128xf32, #tpu.memory_space<hbm>> -> memref<1x80x128xf32, #tpu.memory_space<hbm>>
      %dma_start3A_112 = tpu.memref_squeeze %dma_start3A_111 : memref<1x80x128xf32, #tpu.memory_space<hbm>> -> memref<80x128xf32, #tpu.memory_space<hbm>>
      %dma_start3A_113 = arith.constant 0 : i32
      %dma_start3A_114 = tpu.memref_slice %arg5[%arg0, %multiple_of3A_105, %dma_start3A_113] : memref<2x10240x128xf32, #tpu.memory_space<hbm>> -> memref<1x80x128xf32, #tpu.memory_space<hbm>>
      %dma_start3A_115 = tpu.memref_squeeze %dma_start3A_114 : memref<1x80x128xf32, #tpu.memory_space<hbm>> -> memref<80x128xf32, #tpu.memory_space<hbm>>
      %dma_start3A_116 = arith.constant 0 : i32
      %dma_start3A_117 = arith.constant 0 : i32
      %dma_start3A_118 = tpu.memref_slice %arg10[%dma_start3A_116, %dma_start3A_117] : memref<100x128xf32, #tpu.memory_space<vmem>> -> memref<80x128xf32, #tpu.memory_space<vmem>>
      tpu.enqueue_dma source(%dma_start3A_118 : memref<80x128xf32, #tpu.memory_space<vmem>>) target(%dma_start3A_115 : memref<80x128xf32, #tpu.memory_space<hbm>>) target_semaphore(%run_scoped3A_106 : memref<!tpu.dma_semaphore, #tpu.memory_space<semaphore_mem>>)
      %dma_wait3A = arith.constant 0 : i32
      %dma_wait3A_119 = arith.constant 0 : i32
      %dma_wait3A_120 = tpu.memref_slice %arg10[%dma_wait3A, %dma_wait3A_119] : memref<100x128xf32, #tpu.memory_space<vmem>> -> memref<80x128xf32, #tpu.memory_space<vmem>>
      %dma_wait3A_121 = arith.constant 0 : i32
      %dma_wait3A_122 = tpu.memref_slice %arg5[%arg0, %multiple_of3A_105, %dma_wait3A_121] : memref<2x10240x128xf32, #tpu.memory_space<hbm>> -> memref<1x80x128xf32, #tpu.memory_space<hbm>>
      %dma_wait3A_123 = tpu.memref_squeeze %dma_wait3A_122 : memref<1x80x128xf32, #tpu.memory_space<hbm>> -> memref<80x128xf32, #tpu.memory_space<hbm>>
      %dma_wait3A_124 = arith.constant 0 : i32
      %dma_wait3A_125 = tpu.memref_slice %arg5[%arg0, %multiple_of3A_105, %dma_wait3A_124] : memref<2x10240x128xf32, #tpu.memory_space<hbm>> -> memref<1x80x128xf32, #tpu.memory_space<hbm>>
      %dma_wait3A_126 = tpu.memref_squeeze %dma_wait3A_125 : memref<1x80x128xf32, #tpu.memory_space<hbm>> -> memref<80x128xf32, #tpu.memory_space<hbm>>
      %dma_wait3A_127 = arith.constant 0 : i32
      %dma_wait3A_128 = arith.constant 0 : i32
      %dma_wait3A_129 = tpu.memref_slice %arg10[%dma_wait3A_127, %dma_wait3A_128] : memref<100x128xf32, #tpu.memory_space<vmem>> -> memref<80x128xf32, #tpu.memory_space<vmem>>
      tpu.wait_dma2 semaphore(%run_scoped3A_106 : memref<!tpu.dma_semaphore, #tpu.memory_space<semaphore_mem>>) src(%dma_wait3A_129 : memref<80x128xf32, #tpu.memory_space<vmem>>) dst(%dma_wait3A_126 : memref<80x128xf32, #tpu.memory_space<hbm>>)
      tpu.yield
    }) : () -> ()
    "tpu.region"() ({
      %run_scoped3A_106 = tpu.sem_alloc : memref<!tpu.dma_semaphore, #tpu.memory_space<semaphore_mem>>
      %dma_start3A_107 = arith.constant 0 : i32
      %dma_start3A_108 = arith.constant 0 : i32
      %dma_start3A_109 = tpu.memref_slice %arg12[%dma_start3A_107, %dma_start3A_108] : memref<100x16xf32, #tpu.memory_space<vmem>> -> memref<80x16xf32, #tpu.memory_space<vmem>>
      %dma_start3A_110 = arith.constant 0 : i32
      %dma_start3A_111 = tpu.memref_slice %arg14[%multiple_of3A_105, %dma_start3A_110] : memref<10240x16xf32, #tpu.memory_space<vmem_shared>> -> memref<80x16xf32, #tpu.memory_space<vmem_shared>>
      %dma_start3A_112 = arith.constant 0 : i32
      %dma_start3A_113 = arith.constant 0 : i32
      %dma_start3A_114 = tpu.memref_slice %arg12[%dma_start3A_112, %dma_start3A_113] : memref<100x16xf32, #tpu.memory_space<vmem>> -> memref<80x16xf32, #tpu.memory_space<vmem>>
      %dma_start3A_115 = arith.constant 0 : i32
      %dma_start3A_116 = tpu.memref_slice %arg14[%multiple_of3A_105, %dma_start3A_115] : memref<10240x16xf32, #tpu.memory_space<vmem_shared>> -> memref<80x16xf32, #tpu.memory_space<vmem_shared>>
      tpu.enqueue_dma source(%dma_start3A_116 : memref<80x16xf32, #tpu.memory_space<vmem_shared>>) target(%dma_start3A_114 : memref<80x16xf32, #tpu.memory_space<vmem>>) target_semaphore(%run_scoped3A_106 : memref<!tpu.dma_semaphore, #tpu.memory_space<semaphore_mem>>)
      %dma_wait3A = arith.constant 0 : i32
      %dma_wait3A_117 = arith.constant 0 : i32
      %dma_wait3A_118 = tpu.memref_slice %arg12[%dma_wait3A, %dma_wait3A_117] : memref<100x16xf32, #tpu.memory_space<vmem>> -> memref<80x16xf32, #tpu.memory_space<vmem>>
      %dma_wait3A_119 = arith.constant 0 : i32
      %dma_wait3A_120 = tpu.memref_slice %arg14[%multiple_of3A_105, %dma_wait3A_119] : memref<10240x16xf32, #tpu.memory_space<vmem_shared>> -> memref<80x16xf32, #tpu.memory_space<vmem_shared>>
      %dma_wait3A_121 = arith.constant 0 : i32
      %dma_wait3A_122 = arith.constant 0 : i32
      %dma_wait3A_123 = tpu.memref_slice %arg12[%dma_wait3A_121, %dma_wait3A_122] : memref<100x16xf32, #tpu.memory_space<vmem>> -> memref<80x16xf32, #tpu.memory_space<vmem>>
      %dma_wait3A_124 = arith.constant 0 : i32
      %dma_wait3A_125 = tpu.memref_slice %arg14[%multiple_of3A_105, %dma_wait3A_124] : memref<10240x16xf32, #tpu.memory_space<vmem_shared>> -> memref<80x16xf32, #tpu.memory_space<vmem_shared>>
      tpu.wait_dma2 semaphore(%run_scoped3A_106 : memref<!tpu.dma_semaphore, #tpu.memory_space<semaphore_mem>>) src(%dma_wait3A_125 : memref<80x16xf32, #tpu.memory_space<vmem_shared>>) dst(%dma_wait3A_123 : memref<80x16xf32, #tpu.memory_space<vmem>>)
      tpu.yield
    }) : () -> ()
    "tpu.region"() ({
      %run_scoped3A_106 = tpu.sem_alloc : memref<!tpu.dma_semaphore, #tpu.memory_space<semaphore_mem>>
      %dma_start3A_107 = arith.constant 0 : i32
      %dma_start3A_108 = arith.constant 0 : i32
      %dma_start3A_109 = tpu.memref_slice %arg12[%dma_start3A_107, %dma_start3A_108] : memref<100x16xf32, #tpu.memory_space<vmem>> -> memref<80x16xf32, #tpu.memory_space<vmem>>
      %dma_start3A_110 = arith.constant 0 : i32
      %dma_start3A_111 = tpu.memref_slice %arg6[%arg0, %multiple_of3A_105, %dma_start3A_110] : memref<2x10240x16xf32, #tpu.memory_space<hbm>> -> memref<1x80x16xf32, #tpu.memory_space<hbm>>
      %dma_start3A_112 = tpu.memref_squeeze %dma_start3A_111 : memref<1x80x16xf32, #tpu.memory_space<hbm>> -> memref<80x16xf32, #tpu.memory_space<hbm>>
      %dma_start3A_113 = arith.constant 0 : i32
      %dma_start3A_114 = tpu.memref_slice %arg6[%arg0, %multiple_of3A_105, %dma_start3A_113] : memref<2x10240x16xf32, #tpu.memory_space<hbm>> -> memref<1x80x16xf32, #tpu.memory_space<hbm>>
      %dma_start3A_115 = tpu.memref_squeeze %dma_start3A_114 : memref<1x80x16xf32, #tpu.memory_space<hbm>> -> memref<80x16xf32, #tpu.memory_space<hbm>>
      %dma_start3A_116 = arith.constant 0 : i32
      %dma_start3A_117 = arith.constant 0 : i32
      %dma_start3A_118 = tpu.memref_slice %arg12[%dma_start3A_116, %dma_start3A_117] : memref<100x16xf32, #tpu.memory_space<vmem>> -> memref<80x16xf32, #tpu.memory_space<vmem>>
      tpu.enqueue_dma source(%dma_start3A_118 : memref<80x16xf32, #tpu.memory_space<vmem>>) target(%dma_start3A_115 : memref<80x16xf32, #tpu.memory_space<hbm>>) target_semaphore(%run_scoped3A_106 : memref<!tpu.dma_semaphore, #tpu.memory_space<semaphore_mem>>)
      %dma_wait3A = arith.constant 0 : i32
      %dma_wait3A_119 = arith.constant 0 : i32
      %dma_wait3A_120 = tpu.memref_slice %arg12[%dma_wait3A, %dma_wait3A_119] : memref<100x16xf32, #tpu.memory_space<vmem>> -> memref<80x16xf32, #tpu.memory_space<vmem>>
      %dma_wait3A_121 = arith.constant 0 : i32
      %dma_wait3A_122 = tpu.memref_slice %arg6[%arg0, %multiple_of3A_105, %dma_wait3A_121] : memref<2x10240x16xf32, #tpu.memory_space<hbm>> -> memref<1x80x16xf32, #tpu.memory_space<hbm>>
      %dma_wait3A_123 = tpu.memref_squeeze %dma_wait3A_122 : memref<1x80x16xf32, #tpu.memory_space<hbm>> -> memref<80x16xf32, #tpu.memory_space<hbm>>
      %dma_wait3A_124 = arith.constant 0 : i32
      %dma_wait3A_125 = tpu.memref_slice %arg6[%arg0, %multiple_of3A_105, %dma_wait3A_124] : memref<2x10240x16xf32, #tpu.memory_space<hbm>> -> memref<1x80x16xf32, #tpu.memory_space<hbm>>
      %dma_wait3A_126 = tpu.memref_squeeze %dma_wait3A_125 : memref<1x80x16xf32, #tpu.memory_space<hbm>> -> memref<80x16xf32, #tpu.memory_space<hbm>>
      %dma_wait3A_127 = arith.constant 0 : i32
      %dma_wait3A_128 = arith.constant 0 : i32
      %dma_wait3A_129 = tpu.memref_slice %arg12[%dma_wait3A_127, %dma_wait3A_128] : memref<100x16xf32, #tpu.memory_space<vmem>> -> memref<80x16xf32, #tpu.memory_space<vmem>>
      tpu.wait_dma2 semaphore(%run_scoped3A_106 : memref<!tpu.dma_semaphore, #tpu.memory_space<semaphore_mem>>) src(%dma_wait3A_129 : memref<80x16xf32, #tpu.memory_space<vmem>>) dst(%dma_wait3A_126 : memref<80x16xf32, #tpu.memory_space<hbm>>)
      tpu.yield
    }) : () -> ()
    return
  }
}

module attributes {stable_mosaic.version = 14 : i64} {
  func.func @_norm_body(%arg0: i32, %arg1: memref<1000x128xf32, #tpu.memory_space<vmem>>, %arg2: memref<1000x128xf32, #tpu.memory_space<vmem>>) attributes {dimension_semantics = [#tpu.dimension_semantics<arbitrary>], iteration_bounds = array<i64: 10>, scalar_prefetch = 0 : i64, scratch_operands = 0 : i64, tpu.core_type = #tpu.core_type<tc>, window_params = [{transform_indices = @transform_0, window_bounds = array<i64: 1000, 128>}, {transform_indices = @transform_1, window_bounds = array<i64: 1000, 128>}]} {
    %get3A = arith.constant 0 : index
    %get3A_0 = arith.constant 0 : index
    %get3A_1 = vector.load %arg1[%get3A, %get3A_0] : memref<1000x128xf32, #tpu.memory_space<vmem>>, vector<1000x128xf32>
    %mul3A = arith.mulf %get3A_1, %get3A_1 : vector<1000x128xf32>
    %reduce_sum3A = arith.constant dense<0.000000e+00> : vector<1000xf32>
    %reduce_sum3A_2 = vector.multi_reduction <add>, %mul3A, %reduce_sum3A [1] : vector<1000x128xf32> to vector<1000xf32>
    %broadcast_in_dim3A = vector.shape_cast %reduce_sum3A_2 : vector<1000xf32> to vector<1000x1xf32>
    %sqrt3A = math.sqrt %broadcast_in_dim3A : vector<1000x1xf32>
    %add3A = arith.constant 9.99999993E-9 : f32
    %add3A_3 = vector.broadcast %add3A : f32 to vector<1000x1xf32>
    %add3A_4 = arith.addf %sqrt3A, %add3A_3 : vector<1000x1xf32>
    %div3A = vector.broadcast %add3A_4 : vector<1000x1xf32> to vector<1000x128xf32>
    %div3A_5 = arith.divf %get3A_1, %div3A : vector<1000x128xf32>
    %swap3A = arith.constant 0 : index
    %swap3A_6 = arith.constant 0 : index
    %swap3A_7 = vector.load %arg2[%swap3A, %swap3A_6] : memref<1000x128xf32, #tpu.memory_space<vmem>>, vector<1000x128xf32>
    tpu.vector_store %arg2[%swap3A, %swap3A_6], %div3A_5 {strides = array<i32>} : memref<1000x128xf32, #tpu.memory_space<vmem>>, vector<1000x128xf32>,
    return
  }
  func.func @transform_0(%arg0: i32) -> (i32, i32) {
    %c0_i32 = arith.constant 0 : i32
    %c0_i32_0 = arith.constant 0 : i32
    return %arg0, %c0_i32 : i32, i32
  }
  func.func @transform_1(%arg0: i32) -> (i32, i32) {
    %c0_i32 = arith.constant 0 : i32
    %c0_i32_0 = arith.constant 0 : i32
    return %arg0, %c0_i32 : i32, i32
  }
}

module attributes {stable_mosaic.version = 14 : i64} {
  func.func @_fin_body(%arg0: i32, %arg1: memref<1xf32, #tpu.memory_space<smem>>, %arg2: memref<1000x128xf32, #tpu.memory_space<vmem>>, %arg3: memref<2x1000x128xf32, #tpu.memory_space<vmem>>, %arg4: memref<2x1000x16xf32, #tpu.memory_space<vmem>>, %arg5: memref<1000x128xf32, #tpu.memory_space<vmem>>) attributes {dimension_semantics = [#tpu.dimension_semantics<arbitrary>], iteration_bounds = array<i64: 10>, scalar_prefetch = 0 : i64, scratch_operands = 0 : i64, tpu.core_type = #tpu.core_type<tc>, window_params = [{transform_indices = @transform_0, window_bounds = array<i64: 1>}, {transform_indices = @transform_1, window_bounds = array<i64: 1000, 128>}, {transform_indices = @transform_2, window_bounds = array<i64: 2, 1000, 128>}, {transform_indices = @transform_3, window_bounds = array<i64: 2, 1000, 16>}, {transform_indices = @transform_4, window_bounds = array<i64: 1000, 128>}]} {
    %get3A = arith.constant 0 : index
    %get3A_0 = arith.constant 0 : index
    %get3A_1 = vector.load %arg2[%get3A, %get3A_0] : memref<1000x128xf32, #tpu.memory_space<vmem>>, vector<1000x128xf32>
    %get3A_2 = arith.constant 0 : index
    %get3A_3 = arith.constant 0 : index
    %get3A_4 = arith.constant 0 : index
    %get3A_5 = vector.load %arg3[%get3A_2, %get3A_3, %get3A_4] : memref<2x1000x128xf32, #tpu.memory_space<vmem>>, vector<1x1000x128xf32>
    %get3A_6 = vector.shape_cast %get3A_5 : vector<1x1000x128xf32> to vector<1000x128xf32>
    %get3A_7 = arith.constant 1 : index
    %get3A_8 = arith.constant 0 : index
    %get3A_9 = arith.constant 0 : index
    %get3A_10 = vector.load %arg3[%get3A_7, %get3A_8, %get3A_9] : memref<2x1000x128xf32, #tpu.memory_space<vmem>>, vector<1x1000x128xf32>
    %get3A_11 = vector.shape_cast %get3A_10 : vector<1x1000x128xf32> to vector<1000x128xf32>
    %add3A = arith.addf %get3A_6, %get3A_11 : vector<1000x128xf32>
    %get3A_12 = arith.constant 0 : index
    %get3A_13 = arith.constant 0 : index
    %get3A_14 = arith.constant 0 : index
    %get3A_15 = vector.load %arg4[%get3A_12, %get3A_13, %get3A_14] : memref<2x1000x16xf32, #tpu.memory_space<vmem>>, vector<1x1000x1xf32>
    %get3A_16 = vector.shape_cast %get3A_15 : vector<1x1000x1xf32> to vector<1000x1xf32>
    %get3A_17 = arith.constant 1 : index
    %get3A_18 = arith.constant 0 : index
    %get3A_19 = arith.constant 0 : index
    %get3A_20 = vector.load %arg4[%get3A_17, %get3A_18, %get3A_19] : memref<2x1000x16xf32, #tpu.memory_space<vmem>>, vector<1x1000x1xf32>
    %get3A_21 = vector.shape_cast %get3A_20 : vector<1x1000x1xf32> to vector<1000x1xf32>
    %add3A_22 = arith.addf %get3A_16, %get3A_21 : vector<1000x1xf32>
    %get3A_23 = arith.constant 0 : index
    %get3A_24 = memref.load %arg1[%get3A_23] : memref<1xf32, #tpu.memory_space<smem>>
    %jit3A = arith.constant 9.99999993E-9 : f32
    %jit3A_25 = arith.constant 1.000000e+00 : f32
    %max3A = arith.maximumf %jit3A, %get3A_24 : f32
    %min3A = arith.minimumf %jit3A_25, %max3A : f32
    %mul3A = arith.mulf %get3A_1, %add3A : vector<1000x128xf32>
    %reduce_sum3A = arith.constant dense<0.000000e+00> : vector<1000xf32>
    %reduce_sum3A_26 = vector.multi_reduction <add>, %mul3A, %reduce_sum3A [1] : vector<1000x128xf32> to vector<1000xf32>
    %broadcast_in_dim3A = vector.shape_cast %reduce_sum3A_26 : vector<1000xf32> to vector<1000x1xf32>
    %mul3A_27 = vector.broadcast %broadcast_in_dim3A : vector<1000x1xf32> to vector<1000x128xf32>
    %mul3A_28 = arith.mulf %mul3A_27, %get3A_1 : vector<1000x128xf32>
    %sub3A = arith.subf %add3A, %mul3A_28 : vector<1000x128xf32>
    %max3A_29 = arith.constant 1.000000e+00 : f32
    %max3A_30 = vector.broadcast %max3A_29 : f32 to vector<1000x1xf32>
    %max3A_31 = arith.maximumf %add3A_22, %max3A_30 : vector<1000x1xf32>
    %div3A = vector.broadcast %min3A : f32 to vector<1000x1xf32>
    %div3A_32 = arith.divf %div3A, %max3A_31 : vector<1000x1xf32>
    %mul3A_33 = vector.broadcast %div3A_32 : vector<1000x1xf32> to vector<1000x128xf32>
    %mul3A_34 = arith.mulf %sub3A, %mul3A_33 : vector<1000x128xf32>
    %mul3A_35 = arith.mulf %mul3A_34, %mul3A_34 : vector<1000x128xf32>
    %reduce_sum3A_36 = arith.constant dense<0.000000e+00> : vector<1000xf32>
    %reduce_sum3A_37 = vector.multi_reduction <add>, %mul3A_35, %reduce_sum3A_36 [1] : vector<1000x128xf32> to vector<1000xf32>
    %broadcast_in_dim3A_38 = vector.shape_cast %reduce_sum3A_37 : vector<1000xf32> to vector<1000x1xf32>
    %sqrt3A = math.sqrt %broadcast_in_dim3A_38 : vector<1000x1xf32>
    %add3A_39 = arith.constant 9.99999993E-9 : f32
    %add3A_40 = vector.broadcast %add3A_39 : f32 to vector<1000x1xf32>
    %add3A_41 = arith.addf %sqrt3A, %add3A_40 : vector<1000x1xf32>
    %div3A_42 = vector.broadcast %add3A_41 : vector<1000x1xf32> to vector<1000x128xf32>
    %div3A_43 = arith.divf %mul3A_34, %div3A_42 : vector<1000x128xf32>
    %swap3A = arith.constant 0 : index
    %swap3A_44 = arith.constant 0 : index
    %swap3A_45 = vector.load %arg5[%swap3A, %swap3A_44] : memref<1000x128xf32, #tpu.memory_space<vmem>>, vector<1000x128xf32>
    tpu.vector_store %arg5[%swap3A, %swap3A_44], %div3A_43 {strides = array<i32>} : memref<1000x128xf32, #tpu.memory_space<vmem>>, vector<1000x128xf32>,
    return
  }
  func.func @transform_0(%arg0: i32) -> i32 {
    %c0_i32 = arith.constant 0 : i32
    %c0_i32_0 = arith.constant 0 : i32
    return %c0_i32 : i32
  }
  func.func @transform_1(%arg0: i32) -> (i32, i32) {
    %c0_i32 = arith.constant 0 : i32
    %c0_i32_0 = arith.constant 0 : i32
    return %arg0, %c0_i32 : i32, i32
  }
  func.func @transform_2(%arg0: i32) -> (i32, i32, i32) {
    %c0_i32 = arith.constant 0 : i32
    %c0_i32_0 = arith.constant 0 : i32
    %c0_i32_1 = arith.constant 0 : i32
    return %c0_i32, %arg0, %c0_i32_0 : i32, i32, i32
  }
  func.func @transform_3(%arg0: i32) -> (i32, i32, i32) {
    %c0_i32 = arith.constant 0 : i32
    %c0_i32_0 = arith.constant 0 : i32
    %c0_i32_1 = arith.constant 0 : i32
    return %c0_i32, %arg0, %c0_i32_0 : i32, i32, i32
  }
  func.func @transform_4(%arg0: i32) -> (i32, i32) {
    %c0_i32 = arith.constant 0 : i32
    %c0_i32_0 = arith.constant 0 : i32
    return %arg0, %c0_i32 : i32, i32
  }
}

</mosaic_0001>

<sc_bundles>
// kernel: kernel.5.cloned.1.call-start
scs
__scs_entry_jumppad:
0x0: {  	(pc) =	sbr.rel $0x88, $3  }
0x1: {  	(tag) =	ssettag $0x0;
	lr =	simm.s32 $0x1  }
0x2: {  	[smem:$0x3F9E] =	sst lr;
	_ =	strace $0xD0000000  }
0x3: {  	_ = 	snop  }
0x4: {  	_ = 	snop  }
0x5: {  	_ = 	snop  }
0x6: {  	_ = 	snop  }
0x7: {  	_ = 	snop  }
__scs_overlays_trampoline_lowered:
0x8: {  	[smem:$0x3FAD] =	sst s0  }
0x9: {  	[smem:$0x3FAE] =	sst s1  }
0xa: {  	[smem:$0x3FAF] =	sst s2  }
0xb: {  	[smem:$0x3FB0] =	sst s3  }
0xc: {  	[smem:$0x3FB1] =	sst s4  }
0xd: {  	[smem:$0x3FB2] =	sst s5  }
0xe: {  	[smem:$0x3FB3] =	sst s6  }
0xf: {  	[smem:$0x3FB4] =	sst s7  }
0x10: {  	[smem:$0x3FB5] =	sst s8  }
0x11: {  	[smem:$0x3FB6] =	sst s9;
	s0 =	simm.s32 @!p0 $0x0  }
0x12: {  	s1 =	sld [smem:$0x3F9C];
	s0 =	simm.s32 @p0 $0x1  }
0x13: {  	[smem:$0x3FB7] =	sst s0;
	s0 =	simm.s32 @!p1 $0x0  }
0x14: {  	s2 =	sld [smem:$0x3F9B];
	s0 =	simm.s32 @p1 $0x1  }
0x15: {  	[smem:$0x3FB8] =	sst s0;
	s0 =	simm.s32 @!p2 $0x0  }
0x16: {  	s3 =	sld [smem:$0x3FDB];
	s0 =	simm.s32 @p2 $0x1  }
0x17: {  	s4 =	simm.s32 $0x1BF5;
	[smem:$0x3FBA] =	sst s0  }
0x18: {  	s0 =	sld [smem:$0x3F9D];
	_ =	swait.ge [sflag:s4], $0x0  }
0x19: {  	s7 =	sld [smem:$0x3F9E]  }
0x1a: {  	s8 =	sadd.s32 $0xFFFFE003, lr  }
0x1b: {  	s9 =	sadd.s32 $0xFFFFFEF7, lr;
	s5 =	simm.s32 $0xFFFFFFFF;
	p2 =	slt.u32 s8, $0xFFFFF086  }
0x1c: {  	p1 =	slt.u32 s9, $0xF7A;
	s5 =	simm.s32 @!p2 $0x0  }
0x1d: {  	s5 =	simm.s32 @p1 $0x1;
	p0 =	seq.s32 s7, s2  }
0x1e: {  	s7 =	smul.u32 @!p0 $0xF7A, s2;
	p2 =	seq.s32 @!p0 s5, $0x0  }
0x1f: {  	s9 =	smul.u32 $0xF7A, s1;
	s8 =	simm.s32 @!p0 $0x1BF5;
	p2 =	por !p2, p0  }
0x20: {  	[sflag:s8] =	ssyncset.s32 @!p0 $0xFFFFF086;
	s6 =	sadd.s32 @!p0 s3, s7;
	s7 =	simm.s32 @!p0 $0x108  }
0x21: {  	s3 =	sadd.s32 s3, s9;
	s6 =	sadd.s32 @!p0 $0x88, s6;
	s7 =	simm.s32 @p2 $0x1082  }
0x22: {  	[simem:s7], [sflag:s8] =	dma.local @!p0 [hbm:s6], $0xF7A  }
0x23: {  	s9 =	sor.u32 $0xD0000000, s2;
	s6 =	simm.s32 $0x108;
	_ =	swait.ge @!p0 [sflag:s8], $0x0  }
0x24: {  	s3 =	sadd.s32 $0x88, s3;
	s6 =	simm.s32 @!p1 $0x1082;
	[sflag:s4] =	ssyncset.s32 $0xFFFFF086  }
0x25: {  	[simem:s6], [sflag:s4] =	dma.local [hbm:s3], $0xF7A  }
0x26: {  	[smem:$0x3F9E] =	sst s1;
	(tag) =	ssettag s2;
	_ =	strace s9  }
0x27: {  	s1 =	sld [smem:$0x3FAE]  }
0x28: {  	s2 =	sld [smem:$0x3FAF]  }
0x29: {  	s4 =	sld [smem:$0x3FB1]  }
0x2a: {  	p0 =	seq.s32 s5, $0x0;
	s5 =	sld [smem:$0x3FB2]  }
0x2b: {  	s6 =	sld [smem:$0x3FB3]  }
0x2c: {  	s7 =	sld [smem:$0x3FB4]  }
0x2d: {  	s3 =	simm.s32 $0x108;
	s8 =	sld [smem:$0x3FB5]  }
0x2e: {  	s3 =	simm.s32 @!p0 $0x1082;
	s9 =	sld [smem:$0x3FB6]  }
0x2f: {  	lr =	sadd.s32 s0, s3;
	s0 =	sld [smem:$0x3FAD]  }
0x30: {  	s3 =	sld [smem:$0x3FB0]  }
0x31: {  	[smem:$0x3FB9] =	sst s10  }
0x32: {  	s10 =	sld [smem:$0x3FB7];
	_ =	sdelay $0x3  }
0x33: {  	p0 =	seq.s32 s10, $0x1;
	s10 =	sld [smem:$0x3FB9];
	_ =	sdelay $0x3  }
0x34: {  	[smem:$0x3FB9] =	sst s10  }
0x35: {  	s10 =	sld [smem:$0x3FB8];
	_ =	sdelay $0x3  }
0x36: {  	p1 =	seq.s32 s10, $0x1;
	s10 =	sld [smem:$0x3FB9];
	_ =	sdelay $0x3  }
0x37: {  	[smem:$0x3FB9] =	sst s10  }
0x38: {  	s10 =	sld [smem:$0x3FBA]  }
0x39: {  	_ = 	snop;
	(pc) =	sbr.ind lr, $3  }
0x3a: {  	_ = 	snop  }
0x3b: {  	_ = 	snop  }
0x3c: {  	p2 =	seq.s32 s10, $0x1;
	s10 =	sld [smem:$0x3FB9]  }
0x3d: {  	_ =	shalt  }
0x3e: {  	_ =	shalt  }
0x3f: {  	_ =	shalt  }
0x40: {  	_ =	shalt  }
0x41: {  	_ =	shalt  }
0x42: {  	_ =	shalt  }
0x43: {  	_ =	shalt  }
0x44: {  	_ =	shalt  }
0x45: {  	_ =	shalt  }
0x46: {  	_ =	shalt  }
0x47: {  	_ =	shalt  }
0x48: {  	_ =	shalt  }
0x49: {  	_ =	shalt  }
0x4a: {  	_ =	shalt  }
0x4b: {  	_ =	shalt  }
0x4c: {  	_ =	shalt  }
0x4d: {  	_ =	shalt  }
0x4e: {  	_ =	shalt  }
0x4f: {  	_ =	shalt  }
0x50: {  	_ =	shalt  }
0x51: {  	_ =	shalt  }
0x52: {  	_ =	shalt  }
0x53: {  	_ =	shalt  }
0x54: {  	_ =	shalt  }
0x55: {  	_ =	shalt  }
0x56: {  	_ =	shalt  }
0x57: {  	_ =	shalt  }
0x58: {  	_ =	shalt  }
0x59: {  	_ =	shalt  }
0x5a: {  	_ =	shalt  }
0x5b: {  	_ =	shalt  }
0x5c: {  	_ =	shalt  }
0x5d: {  	_ =	shalt  }
0x5e: {  	_ =	shalt  }
0x5f: {  	_ =	shalt  }
0x60: {  	_ =	shalt  }
0x61: {  	_ =	shalt  }
0x62: {  	_ =	shalt  }
0x63: {  	_ =	shalt  }
0x64: {  	_ =	shalt  }
0x65: {  	_ =	shalt  }
0x66: {  	_ =	shalt  }
0x67: {  	_ =	shalt  }
0x68: {  	_ =	shalt  }
0x69: {  	_ =	shalt  }
0x6a: {  	_ =	shalt  }
0x6b: {  	_ =	shalt  }
0x6c: {  	_ =	shalt  }
0x6d: {  	_ =	shalt  }
0x6e: {  	_ =	shalt  }
0x6f: {  	_ =	shalt  }
0x70: {  	_ =	shalt  }
0x71: {  	_ =	shalt  }
0x72: {  	_ =	shalt  }
0x73: {  	_ =	shalt  }
0x74: {  	_ =	shalt  }
0x75: {  	_ =	shalt  }
0x76: {  	_ =	shalt  }
0x77: {  	_ =	shalt  }
0x78: {  	_ =	shalt  }
0x79: {  	_ =	shalt  }
0x7a: {  	_ =	shalt  }
0x7b: {  	_ =	shalt  }
0x7c: {  	_ =	shalt  }
0x7d: {  	_ =	shalt  }
0x7e: {  	_ =	shalt  }
0x7f: {  	_ =	shalt  }
0x80: {  	_ =	shalt  }
0x81: {  	_ =	shalt  }
0x82: {  	_ =	shalt  }
0x83: {  	_ =	shalt  }
0x84: {  	_ =	shalt  }
0x85: {  	_ =	shalt  }
0x86: {  	_ =	shalt  }
0x87: {  	_ =	shalt  }
.Lfunc_end0:
.L_simem_size_0:
called_computation_lowered:
.L_overlay_start_0:
0x88: {  	s2 =	sld [smem:$0x3FD9]  }
0x89: {  	s3 =	sld [smem:$0x3FFE];
	_ =	sdelay $0x1  }
0x8a: {  	s1 =	srdreg.scid  }
0x8b: {  	s0 =	sand.u32 $0x1, s1  }
0x8c: {  	s17 =	sshll.u32 s0, $0xA;
	s2 =	sadd.s32 s3, s2  }
0x8d: {  	s2 =	sadd.s32 s2, s17  }
0x8e: {  	[smem:$0x3FC5] =	sst s2  }
0x8f: {  	_ = 	snop  }
0x90: {  	s2 =	sld [smem:$0x3FD0];
	(tm) =	ssettm $0x1  }
0x91: {  	s18 =	sld [smem:$0x3FFB];
	_ =	sdelay $0x3  }
0x92: {  	_ =	strace s18  }
0x93: {  	s3 =	sld [smem:$0x3FFC];
	_ =	sdelay $0x3  }
0x94: {  	_ =	strace s3  }
0x95: {  	s3 =	sld [smem:$0x3FFD];
	_ =	sdelay $0x3  }
0x96: {  	_ =	strace s3  }
0x97: {  	_ =	strace $0x8FFFFFFF  }
0x98: {  	s19 =	sld [smem:$0x3FDB];
	_ =	sdelay $0x1  }
0x99: {  	s4 =	simm.s32 $_scs_section_size  }
0x9a: {  	s5 =	simm.s32 $_size__tile_overlayer_lowered;
	s6 =	simm.s32 $_tile_overlayer_lowered  }
0x9b: {  	s22 =	simm.s32 $0x1BFF;
	s21 =	sshll.u32 s6, $0x1;
	s3 =	sadd.s32 s4, s19  }
0x9c: {  	s7 =	simm.s32 $0x0;
	s20 =	sshll.u32 s5, $0x1;
	s5 =	sadd.s32 s21, s3  }
0x9d: {  	[timem:s7], [sflag:s22] =	dma.local [hbm:s5], s20  }
0x9e: {  	_ =	swait.ge [sflag:s22], s20  }
0x9f: {  	s4 =	ssub.s32 $0x0, s20;
	[sflag:s22] =	ssyncset.done $0x0  }
0xa0: {  	[sflag:s22] =	ssyncadd.s32 s4;
	_ =	sdelay $0x1  }
0xa1: {  	s23 =	simm.s32 $0x1B8B  }
0xa2: {  	_ =	swait.ge [sflag:s23], $0x1  }
0xa3: {  	[sflag:s23] =	ssyncset.done $0x0  }
0xa4: {  	s25 =	simm.s32 $0x1B8E;
	s24 =	sld [smem:$0x3FFE];
	[sflag:s23] =	ssyncadd.s32 $0xFFFFFFFF  }
0xa5: {  	s26 =	simm.s32 $execute0_lowered;
	[smem:$0x3FD2] =	sst s25  }
0xa6: {  	s5 =	sshll.u32 s26, $0x1;
	_ =	strace $0x80000046;
	[dreg:$0x1] =	wrdreg $0xFFFFFFFF  }
0xa7: {  	s28 =	simm.s32 $_size_execute0_lowered;
	s3 =	sadd.s32 s3, s5;
	[dreg:$0x0] =	wrdreg $0x0  }
0xa8: {  	s5 =	sshll.u32 s28, $0x1;
	[dreg:$0x2] =	wrdreg s3  }
0xa9: {  	[dreg:$0x3] =	wrdreg s5  }
0xaa: {  	[dreg:$0x4] =	wrdreg $0xC0  }
0xab: {  	_ =	task [dreg:s7], $0x5FFFF  }
0xac: {  	[dreg:$0x1] =	wrdreg $0xFFFFFFFF  }
0xad: {  	[dreg:$0x0] =	wrdreg $0x60  }
0xae: {  	[dreg:$0x2] =	wrdreg s2  }
0xaf: {  	[dreg:$0x3] =	wrdreg s24  }
0xb0: {  	[dreg:$0x4] =	wrdreg $0x93B00  }
0xb1: {  	[dreg:$0x5] =	wrdreg $0x1D3B00  }
0xb2: {  	[dreg:$0x6] =	wrdreg $0x9  }
0xb3: {  	_ =	task.clear_ibuf [dreg:s7], $0x7FFFF;
	_ =	strace $0x90000046  }
0xb4: {  	s29 =	simm.s32 $0x9;
	_ =	strace $0x80000048  }
0xb5: {  	_ =	swait.ge [sflag:s29], $0x1  }
0xb6: {  	[sflag:s29] =	ssyncadd.s32 $0xFFFFFFFF  }
0xb7: {  	_ =	strace $0x90000048  }
0xb8: {  	_ =	sfence  }
0xb9: {  	s30 =	sld [smem:$0x0];
	_ =	sdelay $0x2  }
0xba: {  	s31 =	sshll.u32 s1, $0xD;
	s1 =	sshrl.u32 s1, $0x2  }
0xbb: {  	s3 =	sand.u32 $0x4000, s31;
	s1 =	sadd.s32 s1, s30  }
0xbc: {  	s0 =	sor.u32 s3, s0;
	s1 =	sshll.u32 s1, $0x11  }
0xbd: {  	s0 =	sor.u32 s1, s0  }
0xbe: {  	s0 =	sadd.s32 $0x8F2B, s0  }
0xbf: {  	[sflag:s0] =	ssyncadd.remote.s32 $0x1  }
0xc0: {  	_ =	sfence.sel $0xFFFF  }
0xc1: {  	[dreg:$0x0] =	wrdreg $0xFFFFFFFF;
	(pc) =	sbr.abs _section_cstart, $3  }
0xc2: {  	[dreg:$0x1] =	wrdreg $0xFFFFFFFF  }
0xc3: {  	_ =	task.clear_ibuf [dreg:s7], $0x2FFFF;
	_ =	strace $0x9FFFFFFF  }
0xc4: {  	(tm) =	ssettm $0x7FFFFFFF  }
0xc5: {  	_ =	shalt  }
tec
execute0_lowered:
.L_overlay_start_1:
0x0: {  	(tag) =	ssettag $0x1  }
0x1: {  	s2 =	rddreg [dreg:$0x1];
	s1 =	simm.s32 $0x0;
	s0 =	srdreg.scid  }
0x2: {  	s28 =	stileid.u32;
	s30 =	simm.s32 $0x3;
	s31 =	simm.s32 $0x4  }
0x3: {  	[smem:$0x7FF] =	sst s1;
	s15 =	sand.u32 $0x1, s0;
	s9 =	smul.u32 $0x280, s28  }
0x4: {  	s16 =	sadd.s32 $0x1FC00, s2;
	s7 =	smul.u32 $0x14000, s28;
	s0 =	sshll.u32 s15, $0x4  }
0x5: {  	s3 =	ssub.s32 $0x2, s15;
	s10 =	smul.u32 $0x140000, s15;
	s14 =	sor.u32 s28, s0  }
0x6: {  	s23 =	sshrl.u32 s3, $0x1;
	s17 =	sor.u32 $0x50, s9;
	s18 =	sadd.s32 $0xA0, s9  }
0x7: {  	s19 =	sadd.s32 $0xF0, s9;
	s20 =	sadd.s32 $0x140, s9;
	s21 =	sadd.s32 $0x190, s9  }
0x8: {  	s22 =	sadd.s32 $0x1E0, s9;
	s0 =	ssub.s32 s3, s23;
	s4 =	sshll.u32 s17, $0x7  }
0x9: {  	s3 =	sshll.u32 s18, $0x7;
	s8 =	sshll.u32 s19, $0x7;
	s5 =	sshll.u32 s20, $0x7  }
0xa: {  	s6 =	sshll.u32 s21, $0x7;
	s12 =	sadd.s32 s7, s10;
	s11 =	sshll.u32 s22, $0x7  }
0xb: {  	s23 =	sadd.s32 $0x230, s9;
	s17 =	sshll.u32 s17, $0x4;
	s18 =	sshll.u32 s18, $0x4  }
0xc: {  	s19 =	sshll.u32 s19, $0x4;
	s21 =	sshll.u32 s21, $0x4;
	s22 =	sshll.u32 s22, $0x4  }
0xd: {  	s24 =	sshrl.u32 s12, $0x3;
	s25 =	sadd.s32 s10, s4;
	s26 =	sadd.s32 s10, s3  }
0xe: {  	s13 =	sadd.s32 s10, s8;
	s0 =	smax.u32 s0, $0x1;
	s9 =	sadd.s32 s16, s24  }
0xf: {  	s12 =	sshrl.u32 s26, $0x3;
	s13 =	sshrl.u32 s13, $0x3;
	s24 =	sadd.s32 s10, s5  }
0x10: {  	[dreg:$0x6] =	wrdreg s9;
	s9 =	sshrl.u32 s25, $0x3;
	s12 =	sadd.s32 s16, s12  }
0x11: {  	s25 =	sadd.s32 s10, s6;
	s9 =	sadd.s32 s16, s9;
	[dreg:$0x8] =	wrdreg s12  }
0x12: {  	s12 =	sshrl.u32 s25, $0x3;
	[dreg:$0x7] =	wrdreg s9;
	s9 =	sadd.s32 s16, s13  }
0x13: {  	s26 =	sadd.s32 s10, s11;
	s12 =	sadd.s32 s16, s12;
	[dreg:$0x9] =	wrdreg s9  }
0x14: {  	s13 =	sshll.u32 s23, $0x7;
	s23 =	sshll.u32 s23, $0x4;
	[dreg:$0xb] =	wrdreg s12  }
0x15: {  	s9 =	sshrl.u32 s24, $0x3;
	s25 =	sadd.s32 s10, s13;
	s10 =	rddreg [dreg:$0x2]  }
0x16: {  	s24 =	sshrl.u32 s26, $0x3;
	s12 =	rddreg [dreg:$0x3];
	s9 =	sadd.s32 s16, s9  }
0x17: {  	s26 =	smul.u32 $0x28A0, s28;
	[dreg:$0xa] =	wrdreg s9;
	s9 =	sadd.s32 s16, s24  }
0x18: {  	s25 =	sshrl.u32 s25, $0x3;
	s7 =	sadd.s32 s7, s10;
	[dreg:$0xc] =	wrdreg s9  }
0x19: {  	s4 =	sadd.s32 s4, s10;
	s16 =	sadd.s32 s16, s25;
	s9 =	rddreg [dreg:$0x0]  }
0x1a: {  	s3 =	sadd.s32 s3, s10;
	s5 =	sadd.s32 s5, s10;
	[dreg:$0xd] =	wrdreg s16  }
0x1b: {  	s24 =	smul.u32 $0x28A00, s15;
	_ =	strace $0x80000047;
	[dreg:$0x17] =	wrdreg s4  }
0x1c: {  	s6 =	sadd.s32 s6, s10;
	s15 =	smul.u32 $0x28000, s15;
	[dreg:$0x19] =	wrdreg s3  }
0x1d: {  	s25 =	sshll.u32 s20, $0x4;
	s16 =	smul.u32 $0x28A0, s14;
	[smem:$0x7FB] =	sst s0  }
0x1e: {  	s14 =	sadd.s32 s26, s24;
	s24 =	smul.u32 $0x2800, s28;
	[dreg:$0x1d] =	wrdreg s5  }
0x1f: {  	s28 =	sadd.s32 s15, s17;
	s17 =	sadd.s32 s17, s12;
	[dreg:$0x1f] =	wrdreg s6  }
0x20: {  	s4 =	sadd.s32 s25, s12;
	s0 =	simm.s32 $0x0;
	[dreg:$0x18] =	wrdreg s17  }
0x21: {  	[dreg:$0x1e] =	wrdreg s4;
	s17 =	sadd.s32 s11, s10;
	s26 =	sadd.s32 s24, s15  }
0x22: {  	s24 =	sadd.s32 s24, s12;
	[smem:$0x7F5] =	sst s17;
	s20 =	sshrl.u32 s26, $0x3  }
0x23: {  	s26 =	sadd.s32 $0x15C00, s2;
	[dreg:$0x16] =	wrdreg s24;
	s24 =	sadd.s32 s8, s10  }
0x24: {  	s11 =	simm.s32 $0x5;
	s20 =	sadd.s32 s26, s20;
	[dreg:$0x1b] =	wrdreg s24  }
0x25: {  	s8 =	sadd.s32 s21, s12;
	[dreg:$0xe] =	wrdreg s20;
	s20 =	sshrl.u32 s28, $0x3  }
0x26: {  	[smem:$0x7F4] =	sst s8;
	s28 =	sadd.s32 s15, s18;
	s20 =	sadd.s32 s26, s20  }
0x27: {  	s18 =	sadd.s32 s18, s12;
	[dreg:$0xf] =	wrdreg s20;
	s20 =	sshrl.u32 s28, $0x3  }
0x28: {  	[dreg:$0x1a] =	wrdreg s18;
	s28 =	sadd.s32 s15, s19;
	s20 =	sadd.s32 s26, s20  }
0x29: {  	s18 =	sadd.s32 s22, s12;
	[dreg:$0x10] =	wrdreg s20;
	s20 =	sshrl.u32 s28, $0x3  }
0x2a: {  	s17 =	simm.s32 $0x2970;
	[smem:$0x7F6] =	sst s18;
	s20 =	sadd.s32 s26, s20  }
0x2b: {  	s8 =	simm.s32 $0x34;
	s28 =	sadd.s32 s15, s25;
	[dreg:$0x11] =	wrdreg s20  }
0x2c: {  	s20 =	sshrl.u32 s28, $0x3;
	s28 =	sadd.s32 s15, s21;
	s21 =	sadd.s32 s23, s12  }
0x2d: {  	s18 =	simm.s32 $0x6;
	s20 =	sadd.s32 s26, s20;
	[smem:$0x7F8] =	sst s21  }
0x2e: {  	s21 =	simm.s32 $0x28A0;
	[dreg:$0x12] =	wrdreg s20;
	s20 =	sshrl.u32 s28, $0x3  }
0x2f: {  	s28 =	sadd.s32 s15, s22;
	s15 =	sadd.s32 s15, s23;
	s22 =	sadd.s32 $0x2838, s16  }
0x30: {  	s20 =	sadd.s32 s26, s20;
	s28 =	sshrl.u32 s28, $0x3;
	s15 =	sshrl.u32 s15, $0x3  }
0x31: {  	s24 =	sshrl.u32 s22, $0x3;
	s22 =	simm.s32 $0x30;
	[dreg:$0x13] =	wrdreg s20  }
0x32: {  	s20 =	sadd.s32 $0x68, s14;
	s28 =	sadd.s32 s26, s28;
	s15 =	sadd.s32 s26, s15  }
0x33: {  	s26 =	sadd.s32 s19, s12;
	s19 =	sadd.s32 s13, s10;
	[dreg:$0x14] =	wrdreg s28  }
0x34: {  	s13 =	simm.s32 $0x28D0;
	s29 =	sshrl.u32 s20, $0x3;
	[dreg:$0x15] =	wrdreg s15  }
0x35: {  	s20 =	sadd.s32 $0x1400, s2;
	s15 =	sshrl.u32 s16, $0x3;
	[dreg:$0x1c] =	wrdreg s26  }
0x36: {  	[smem:$0x7F7] =	sst s19;
	s26 =	sadd.s32 $0xD0, s14;
	s19 =	simm.s32 $0x8D70  }
0x37: {  	s14 =	simm.s32 $0x4170;
	s28 =	sadd.s32 s29, s20;
	s2 =	sadd.s32 s15, s2  }
0x38: {  	s23 =	sadd.s32 s20, s15;
	s25 =	sadd.s32 s20, s24;
	[smem:$0x7FD] =	sst s26  }
0x39: {  	s15 =	simm.s32 $0x2908;
	s24 =	simm.s32 $0x2938;
	[dreg:$0x5] =	wrdreg s28  }
0x3a: {  	s26 =	simm.s32 $0x1;
	s29 =	simm.s32 $0x64;
	[smem:$0x7FA] =	sst s23  }
0x3b: {  	s2 =	sadd.s32 $0xB800, s2;
	[smem:$0x7FC] =	sst s25;
	s23 =	simm.s32 $0x5B70  }
0x3c: {  	v0 =	vimm.f32 $0.0e+00;
	v1 =	vimm.f32 $1.000000000e+00;
	s25 =	simm.s32 $0x7370;
	s28 =	simm.s32 $0x2;
	[smem:$0x7F9] =	sst s2  }
.LBB2_1:
0x3d: {  	s2 =	simm.s32 $0x29B0  }
0x3e: {  	[tilespmem:s2+$0xFFFFFFD0] =	vst v0  }
0x3f: {  	[tilespmem:s2+$0xFFFFFFE0] =	vst v0  }
0x40: {  	[tilespmem:s2+$0xFFFFFFF0] =	vst v0  }
0x41: {  	[tilespmem:s2+$0x0] =	vst v0  }
0x42: {  	[tilespmem:s2+$0x10] =	vst v0  }
0x43: {  	[tilespmem:s2+$0x20] =	vst v0  }
0x44: {  	[tilespmem:s2+$0x30] =	vst v0  }
0x45: {  	s4 =	simm.s32 $0x0;
	s3 =	simm.s32 $0x40;
	[tilespmem:s2+$0xFFFFFFC0] =	vst v0  }
.LBB2_2:
0x46: {  	p0 =	sne.s32 s3, $0x18C0;
	[tilespmem:s4+$0x8D70] =	vst v0;
	s2 =	sadd.s32 $0x80, s2  }
0x47: {  	[tilespmem:s2+$0xFFFFFFD0] =	vst v0  }
0x48: {  	[tilespmem:s2+$0xFFFFFFE0] =	vst v0  }
0x49: {  	[tilespmem:s2+$0xFFFFFFF0] =	vst v0  }
.Ltmp0:
0x4a: {  	[tilespmem:s2+$0x0] =	vst v0;
	(pc) =	sbr.rel @p0 .LBB2_2-.Ltmp0, $4  }
0x4b: {  	[tilespmem:s2+$0x10] =	vst v0  }
0x4c: {  	[tilespmem:s2+$0x20] =	vst v0  }
0x4d: {  	[tilespmem:s2+$0x30] =	vst v0  }
0x4e: {  	s4 =	sshra.s32 s3, $0x2;
	s3 =	sadd.s32 $0x40, s3;
	[tilespmem:s2+$0xFFFFFFC0] =	vst v0  }
0x4f: {  	[tilespmem:s4+$0x8D70] =	vst v0  }
0x50: {  	[spmem:s7] =	stream.linear.scatter [tilespmem:s17], [sflag:$0x6], $0x2800, $0x38;
	[tilespmem:$0x1FBB0] =	vst v63  }
0x51: {  	_ =	swait.ge [sflag:s18], $0x2800  }
0x52: {  	[sflag:s18] =	ssyncset.done $0x0  }
0x53: {  	s2 =	rddreg [dreg:$0x16];
	[sflag:s18] =	ssyncadd.s32 $0xFFFFD800  }
0x54: {  	[spmem:s2] =	stream.linear.scatter [tilespmem:s19], [sflag:$0x6], $0x500, $0x38;
	[tilespmem:$0x1FBB0] =	vst v63  }
0x55: {  	_ =	swait.ge [sflag:s18], $0x500  }
0x56: {  	[sflag:s18] =	ssyncset.done $0x0  }
0x57: {  	s16 =	smov.u32 s7;
	s7 =	rddreg [dreg:$0x17];
	[sflag:s18] =	ssyncadd.s32 $0xFFFFFB00  }
0x58: {  	[spmem:s7] =	stream.linear.scatter [tilespmem:s17], [sflag:$0x6], $0x2800, $0x38;
	[tilespmem:$0x1FBB0] =	vst v63  }
0x59: {  	_ =	swait.ge [sflag:s18], $0x2800  }
0x5a: {  	[sflag:s18] =	ssyncset.done $0x0  }
0x5b: {  	s3 =	rddreg [dreg:$0x18];
	[sflag:s18] =	ssyncadd.s32 $0xFFFFD800  }
0x5c: {  	[spmem:s3] =	stream.linear.scatter [tilespmem:s19], [sflag:$0x6], $0x500, $0x38;
	[tilespmem:$0x1FBB0] =	vst v63  }
0x5d: {  	_ =	swait.ge [sflag:s18], $0x500  }
0x5e: {  	[sflag:s18] =	ssyncset.done $0x0  }
0x5f: {  	s4 =	rddreg [dreg:$0x19];
	[sflag:s18] =	ssyncadd.s32 $0xFFFFFB00  }
0x60: {  	[spmem:s4] =	stream.linear.scatter [tilespmem:s17], [sflag:$0x6], $0x2800, $0x38;
	[tilespmem:$0x1FBB0] =	vst v63  }
0x61: {  	_ =	swait.ge [sflag:s18], $0x2800  }
0x62: {  	[sflag:s18] =	ssyncset.done $0x0  }
0x63: {  	s7 =	rddreg [dreg:$0x1a];
	[sflag:s18] =	ssyncadd.s32 $0xFFFFD800  }
0x64: {  	[spmem:s7] =	stream.linear.scatter [tilespmem:s19], [sflag:$0x6], $0x500, $0x38;
	[tilespmem:$0x1FBB0] =	vst v63  }
0x65: {  	_ =	swait.ge [sflag:s18], $0x500  }
0x66: {  	[sflag:s18] =	ssyncset.done $0x0  }
0x67: {  	s3 =	rddreg [dreg:$0x1b];
	[sflag:s18] =	ssyncadd.s32 $0xFFFFFB00  }
0x68: {  	[spmem:s3] =	stream.linear.scatter [tilespmem:s17], [sflag:$0x6], $0x2800, $0x38;
	[tilespmem:$0x1FBB0] =	vst v63  }
0x69: {  	_ =	swait.ge [sflag:s18], $0x2800  }
0x6a: {  	[sflag:s18] =	ssyncset.done $0x0  }
0x6b: {  	s4 =	rddreg [dreg:$0x1c];
	[sflag:s18] =	ssyncadd.s32 $0xFFFFD800  }
0x6c: {  	[spmem:s4] =	stream.linear.scatter [tilespmem:s19], [sflag:$0x6], $0x500, $0x38;
	[tilespmem:$0x1FBB0] =	vst v63  }
0x6d: {  	_ =	swait.ge [sflag:s18], $0x500  }
0x6e: {  	[sflag:s18] =	ssyncset.done $0x0  }
0x6f: {  	[sflag:s18] =	ssyncadd.s32 $0xFFFFFB00  }
0x70: {  	[spmem:s5] =	stream.linear.scatter [tilespmem:s17], [sflag:$0x6], $0x2800, $0x38;
	[tilespmem:$0x1FBB0] =	vst v63  }
0x71: {  	_ =	swait.ge [sflag:s18], $0x2800  }
0x72: {  	[sflag:s18] =	ssyncset.done $0x0  }
0x73: {  	s7 =	rddreg [dreg:$0x1e];
	[sflag:s18] =	ssyncadd.s32 $0xFFFFD800  }
0x74: {  	[spmem:s7] =	stream.linear.scatter [tilespmem:s19], [sflag:$0x6], $0x500, $0x38;
	[tilespmem:$0x1FBB0] =	vst v63  }
0x75: {  	_ =	swait.ge [sflag:s18], $0x500  }
0x76: {  	[sflag:s18] =	ssyncset.done $0x0  }
0x77: {  	[sflag:s18] =	ssyncadd.s32 $0xFFFFFB00  }
0x78: {  	[spmem:s6] =	stream.linear.scatter [tilespmem:s17], [sflag:$0x6], $0x2800, $0x38;
	[tilespmem:$0x1FBB0] =	vst v63  }
0x79: {  	_ =	swait.ge [sflag:s18], $0x2800  }
0x7a: {  	s3 =	sld [smem:$0x7F4]  }
0x7b: {  	[sflag:s18] =	ssyncset.done $0x0  }
0x7c: {  	[sflag:s18] =	ssyncadd.s32 $0xFFFFD800  }
0x7d: {  	[spmem:s3] =	stream.linear.scatter [tilespmem:s19], [sflag:$0x6], $0x500, $0x38;
	[tilespmem:$0x1FBB0] =	vst v63  }
0x7e: {  	_ =	swait.ge [sflag:s18], $0x500  }
0x7f: {  	s4 =	sld [smem:$0x7F5]  }
0x80: {  	[sflag:s18] =	ssyncset.done $0x0  }
0x81: {  	[sflag:s18] =	ssyncadd.s32 $0xFFFFFB00  }
0x82: {  	[spmem:s4] =	stream.linear.scatter [tilespmem:s17], [sflag:$0x6], $0x2800, $0x38;
	[tilespmem:$0x1FBB0] =	vst v63  }
0x83: {  	_ =	swait.ge [sflag:s18], $0x2800  }
0x84: {  	s5 =	sld [smem:$0x7F6]  }
0x85: {  	[sflag:s18] =	ssyncset.done $0x0  }
0x86: {  	[sflag:s18] =	ssyncadd.s32 $0xFFFFD800  }
0x87: {  	[spmem:s5] =	stream.linear.scatter [tilespmem:s19], [sflag:$0x6], $0x500, $0x38;
	[tilespmem:$0x1FBB0] =	vst v63  }
0x88: {  	_ =	swait.ge [sflag:s18], $0x500  }
0x89: {  	s6 =	sld [smem:$0x7F7]  }
0x8a: {  	[sflag:s18] =	ssyncset.done $0x0  }
0x8b: {  	[sflag:s18] =	ssyncadd.s32 $0xFFFFFB00  }
0x8c: {  	[spmem:s6] =	stream.linear.scatter [tilespmem:s17], [sflag:$0x6], $0x2800, $0x38;
	[tilespmem:$0x1FBB0] =	vst v63  }
0x8d: {  	_ =	swait.ge [sflag:s18], $0x2800  }
0x8e: {  	s7 =	sld [smem:$0x7F8]  }
0x8f: {  	[sflag:s18] =	ssyncset.done $0x0  }
0x90: {  	[sflag:s18] =	ssyncadd.s32 $0xFFFFD800  }
0x91: {  	[spmem:s7] =	stream.linear.scatter [tilespmem:s19], [sflag:$0x6], $0x500, $0x38;
	[tilespmem:$0x1FBB0] =	vst v63  }
0x92: {  	_ =	swait.ge [sflag:s18], $0x500  }
0x93: {  	[sflag:s18] =	ssyncset.done $0x0  }
0x94: {  	s2 =	simm.s32 $0x40;
	s3 =	simm.s32 $0x0;
	[sflag:s18] =	ssyncadd.s32 $0xFFFFFB00  }
.LBB2_4:
0x95: {  	p0 =	sne.s32 s2, $0x18C0;
	[tilespmem:s3+$0x8D70] =	vst v1;
	s3 =	smov.u32 s2;
	s2 =	sadd.s32 $0x40, s2  }
.Ltmp1:
0x96: {  	(pc) =	sbr.rel @p0 .LBB2_4-.Ltmp1, $2  }
0x97: {  	_ =	sdelay $0x2  }
0x98: {  	s3 =	sshra.s32 s3, $0x2  }
0x99: {  	s6 =	sld [smem:$0x7F9];
	_ =	sdelay $0x1  }
0x9a: {  	[tilespmem:s3+$0x8D70] =	vst v1;
	s2 =	simm.s32 $0x0  }
0x9b: {  	[tilespmem:s2], [sflag:$0x6] =	stream.linear.gather [hbm4b:s6+s2], $0x28A0, $0x38;
	[tilespmem:$0x1FBB0] =	vst v63  }
0x9c: {  	_ =	swait.ge [sflag:s18], $0x28A0  }
0x9d: {  	s7 =	sld [smem:$0x7FA]  }
0x9e: {  	[sflag:s18] =	ssyncset.done $0x0  }
0x9f: {  	[sflag:s18] =	ssyncadd.s32 $0xFFFFD760  }
0xa0: {  	[tilespmem:s21], [sflag:$0x6] =	stream.linear.gather [hbm4b:s7+s2], $0x68, $0x38;
	[tilespmem:$0x1FBB0] =	vst v63  }
0xa1: {  	_ =	swait.ge [sflag:s18], $0x68  }
0xa2: {  	[sflag:s18] =	ssyncset.done $0x0  }
0xa3: {  	[sflag:s18] =	ssyncadd.s32 $0xFFFFFF98  }
0xa4: {  	[bflag:$0x0] =	sbarrier.arrive $0xFFFF  }
0xa5: {  	[tilespmem:s17], [sflag:$0x1] =	stream.indirect.gather [hbm4b:s9+s22], $0x80, s21, s22, $0xb8;
	[tilespmem:$0x1FBB0] =	vst v63  }
0xa6: {  	s4 =	rddreg [dreg:$0x5]  }
0xa7: {  	[tilespmem:s14], [sflag:$0x2] =	stream.indirect.gather [hbm4b:s9+s8], $0x80, s13, s8, $0xb8;
	[tilespmem:$0x1FBB0] =	vst v63  }
0xa8: {  	s3 =	sadd.s32 $0x0, s4  }
0xa9: {  	[tilespmem:s15], [sflag:$0x6] =	stream.linear.gather [hbm4b:s3+s1], $0x68, $0x38;
	[tilespmem:$0x1FBB0] =	vst v63  }
0xaa: {  	_ =	swait.ge [sflag:s18], $0x68  }
0xab: {  	[sflag:s18] =	ssyncset.done $0x0  }
0xac: {  	[sflag:s18] =	ssyncadd.s32 $0xFFFFFF98  }
0xad: {  	[tilespmem:s23], [sflag:$0x3] =	stream.indirect.gather [hbm4b:s9+s22], $0x80, s15, s22, $0xb8;
	[tilespmem:$0x1FBB0] =	vst v63  }
0xae: {  	_ = 	snop  }
0xaf: {  	[tilespmem:s25], [sflag:$0x4] =	stream.indirect.gather [hbm4b:s9+s8], $0x80, s24, s8, $0xb8;
	[tilespmem:$0x1FBB0] =	vst v63  }
0xb0: {  	_ =	swait.ge [sflag:s26], $0x1800  }
0xb1: {  	[sflag:s26] =	ssyncset.done $0x0  }
0xb2: {  	[sflag:s26] =	ssyncadd.s32 $0xFFFFE800  }
0xb3: {  	_ =	swait.ge [sflag:s28], $0x1A00  }
0xb4: {  	[sflag:s28] =	ssyncset.done $0x0  }
0xb5: {  	[sflag:s28] =	ssyncadd.s32 $0xFFFFE600  }
0xb6: {  	[spmem:s12] =	stream.indirect.scatter.add.f32 [tilespmem:s19], [sflag:$0x5], $0x10, s2, s29, $0xb8;
	[tilespmem:$0x1FBB0] =	vst v63  }
0xb7: {  	_ = 	snop  }
0xb8: {  	[spmem:s10] =	stream.indirect.scatter.add.f32 [tilespmem:s17], [sflag:$0x6], $0x80, s2, s29, $0xb8;
	[tilespmem:$0x1FBB0] =	vst v63  }
0xb9: {  	_ =	swait.ge [sflag:s18], $0x3200  }
0xba: {  	s6 =	sld [smem:$0x7FD];
	_ =	sdelay $0x2  }
0xbb: {  	[sflag:s18] =	ssyncset.done $0x0;
	s5 =	sshrl.u32 s6, $0x3  }
0xbc: {  	[sflag:s18] =	ssyncadd.s32 $0xFFFFCE00;
	s3 =	sadd.s32 s20, s5  }
0xbd: {  	[tilespmem:s21], [sflag:$0x6] =	stream.linear.gather [hbm4b:s3+s1], $0x68, $0x38;
	[tilespmem:$0x1FBB0] =	vst v63  }
0xbe: {  	_ =	swait.ge [sflag:s18], $0x68  }
0xbf: {  	[sflag:s18] =	ssyncset.done $0x0  }
0xc0: {  	[sflag:s18] =	ssyncadd.s32 $0xFFFFFF98  }
0xc1: {  	[tilespmem:s17], [sflag:$0x1] =	stream.indirect.gather [hbm4b:s9+s22], $0x80, s21, s22, $0xb8;
	[tilespmem:$0x1FBB0] =	vst v63  }
0xc2: {  	_ = 	snop  }
0xc3: {  	[tilespmem:s14], [sflag:$0x2] =	stream.indirect.gather [hbm4b:s9+s8], $0x80, s13, s8, $0xb8;
	[tilespmem:$0x1FBB0] =	vst v63  }
0xc4: {  	_ =	swait.ge [sflag:s30], $0x1800  }
0xc5: {  	[sflag:s30] =	ssyncset.done $0x0  }
0xc6: {  	[sflag:s30] =	ssyncadd.s32 $0xFFFFE800  }
0xc7: {  	_ =	swait.ge [sflag:s31], $0x1A00  }
0xc8: {  	[sflag:s31] =	ssyncset.done $0x0  }
0xc9: {  	s7 =	simm.s32 $0x68;
	[sflag:s31] =	ssyncadd.s32 $0xFFFFE600  }
0xca: {  	[spmem:s12] =	stream.indirect.scatter.add.f32 [tilespmem:s19], [sflag:$0x5], $0x10, s7, s29, $0xb8;
	[tilespmem:$0x1FBB0] =	vst v63  }
0xcb: {  	_ = 	snop  }
0xcc: {  	[spmem:s10] =	stream.indirect.scatter.add.f32 [tilespmem:s23], [sflag:$0x6], $0x80, s7, s29, $0xb8;
	[tilespmem:$0x1FBB0] =	vst v63  }
0xcd: {  	s4 =	simm.s32 $0x1A;
	_ =	swait.ge [sflag:s18], $0x3200  }
0xce: {  	s5 =	simm.s32 $0x34;
	s3 =	sadd.s32 $0xD0, s6;
	[sflag:s18] =	ssyncset.done $0x0  }
.LBB2_6:
0xcf: {  	s6 =	rddreg [dreg:$0x5]  }
0xd0: {  	[sflag:s18] =	ssyncadd.s32 $0xFFFFCE00;
	s6 =	sadd.s32 s4, s6  }
0xd1: {  	[tilespmem:s15], [sflag:$0x6] =	stream.linear.gather [hbm4b:s6+s1], $0x68, $0x38;
	[tilespmem:$0x1FBB0] =	vst v63  }
0xd2: {  	_ =	swait.ge [sflag:s18], $0x68  }
0xd3: {  	[sflag:s18] =	ssyncset.done $0x0  }
0xd4: {  	[sflag:s18] =	ssyncadd.s32 $0xFFFFFF98  }
0xd5: {  	[tilespmem:s23], [sflag:$0x3] =	stream.indirect.gather [hbm4b:s9+s22], $0x80, s15, s22, $0xb8;
	[tilespmem:$0x1FBB0] =	vst v63  }
0xd6: {  	_ = 	snop  }
0xd7: {  	[tilespmem:s25], [sflag:$0x4] =	stream.indirect.gather [hbm4b:s9+s8], $0x80, s24, s8, $0xb8;
	[tilespmem:$0x1FBB0] =	vst v63  }
0xd8: {  	_ =	swait.ge [sflag:s26], $0x1800  }
0xd9: {  	[sflag:s26] =	ssyncset.done $0x0  }
0xda: {  	[sflag:s26] =	ssyncadd.s32 $0xFFFFE800  }
0xdb: {  	_ =	swait.ge [sflag:s28], $0x1A00  }
0xdc: {  	[sflag:s28] =	ssyncset.done $0x0  }
0xdd: {  	s2 =	sadd.s32 $0xD0, s2;
	[sflag:s28] =	ssyncadd.s32 $0xFFFFE600  }
0xde: {  	[spmem:s12] =	stream.indirect.scatter.add.f32 [tilespmem:s19], [sflag:$0x5], $0x10, s2, s29, $0xb8;
	[tilespmem:$0x1FBB0] =	vst v63  }
0xdf: {  	_ = 	snop  }
0xe0: {  	[spmem:s10] =	stream.indirect.scatter.add.f32 [tilespmem:s17], [sflag:$0x6], $0x80, s2, s29, $0xb8;
	[tilespmem:$0x1FBB0] =	vst v63  }
0xe1: {  	s7 =	smov.u32 s5;
	_ =	swait.ge [sflag:s18], $0x3200  }
0xe2: {  	s4 =	smov.u32 s7;
	s7 =	sshrl.u32 s3, $0x3;
	[sflag:s18] =	ssyncset.done $0x0  }
0xe3: {  	s6 =	sadd.s32 s20, s7;
	[sflag:s18] =	ssyncadd.s32 $0xFFFFCE00  }
0xe4: {  	[tilespmem:s21], [sflag:$0x6] =	stream.linear.gather [hbm4b:s6+s1], $0x68, $0x38;
	[tilespmem:$0x1FBB0] =	vst v63  }
0xe5: {  	_ =	swait.ge [sflag:s18], $0x68  }
0xe6: {  	[sflag:s18] =	ssyncset.done $0x0  }
0xe7: {  	[sflag:s18] =	ssyncadd.s32 $0xFFFFFF98  }
0xe8: {  	[tilespmem:s17], [sflag:$0x1] =	stream.indirect.gather [hbm4b:s9+s22], $0x80, s21, s22, $0xb8;
	[tilespmem:$0x1FBB0] =	vst v63  }
0xe9: {  	_ = 	snop  }
0xea: {  	[tilespmem:s14], [sflag:$0x2] =	stream.indirect.gather [hbm4b:s9+s8], $0x80, s13, s8, $0xb8;
	[tilespmem:$0x1FBB0] =	vst v63  }
0xeb: {  	_ =	swait.ge [sflag:s30], $0x1800  }
0xec: {  	[sflag:s30] =	ssyncset.done $0x0  }
0xed: {  	[sflag:s30] =	ssyncadd.s32 $0xFFFFE800  }
0xee: {  	_ =	swait.ge [sflag:s31], $0x1A00  }
0xef: {  	[sflag:s31] =	ssyncset.done $0x0  }
0xf0: {  	p0 =	sne.s32 s5, $0x4E0;
	s7 =	sadd.s32 $0x68, s2;
	[sflag:s31] =	ssyncadd.s32 $0xFFFFE600  }
0xf1: {  	[spmem:s12] =	stream.indirect.scatter.add.f32 [tilespmem:s19], [sflag:$0x5], $0x10, s7, s29, $0xb8;
	[tilespmem:$0x1FBB0] =	vst v63  }
.Ltmp2:
0xf2: {  	_ = 	snop;
	(pc) =	sbr.rel @p0 .LBB2_6-.Ltmp2, $4  }
0xf3: {  	_ = 	snop  }
0xf4: {  	[spmem:s10] =	stream.indirect.scatter.add.f32 [tilespmem:s23], [sflag:$0x6], $0x80, s7, s29, $0xb8;
	[tilespmem:$0x1FBB0] =	vst v63  }
0xf5: {  	_ =	swait.ge [sflag:s18], $0x3200  }
0xf6: {  	s5 =	sadd.s32 $0x1A, s5;
	s3 =	sadd.s32 $0xD0, s3;
	[sflag:s18] =	ssyncset.done $0x0  }
0xf7: {  	s5 =	rddreg [dreg:$0x5]  }
0xf8: {  	[sflag:s18] =	ssyncadd.s32 $0xFFFFCE00;
	s4 =	sadd.s32 s4, s5  }
0xf9: {  	[tilespmem:s15], [sflag:$0x6] =	stream.linear.gather [hbm4b:s4+s1], $0x68, $0x38;
	[tilespmem:$0x1FBB0] =	vst v63  }
0xfa: {  	_ =	swait.ge [sflag:s18], $0x68  }
0xfb: {  	[sflag:s18] =	ssyncset.done $0x0  }
0xfc: {  	[sflag:s18] =	ssyncadd.s32 $0xFFFFFF98  }
0xfd: {  	[tilespmem:s23], [sflag:$0x3] =	stream.indirect.gather [hbm4b:s9+s22], $0x80, s15, s22, $0xb8;
	[tilespmem:$0x1FBB0] =	vst v63  }
0xfe: {  	_ = 	snop  }
0xff: {  	[tilespmem:s25], [sflag:$0x4] =	stream.indirect.gather [hbm4b:s9+s8], $0x80, s24, s8, $0xb8;
	[tilespmem:$0x1FBB0] =	vst v63  }
0x100: {  	_ =	swait.ge [sflag:s26], $0x1800  }
0x101: {  	[sflag:s26] =	ssyncset.done $0x0  }
0x102: {  	[sflag:s26] =	ssyncadd.s32 $0xFFFFE800  }
0x103: {  	_ =	swait.ge [sflag:s28], $0x1A00  }
0x104: {  	[sflag:s28] =	ssyncset.done $0x0  }
0x105: {  	s2 =	sadd.s32 $0xD0, s2;
	[sflag:s28] =	ssyncadd.s32 $0xFFFFE600  }
0x106: {  	[spmem:s12] =	stream.indirect.scatter.add.f32 [tilespmem:s19], [sflag:$0x5], $0x10, s2, s29, $0xb8;
	[tilespmem:$0x1FBB0] =	vst v63  }
0x107: {  	_ = 	snop  }
0x108: {  	[spmem:s10] =	stream.indirect.scatter.add.f32 [tilespmem:s17], [sflag:$0x6], $0x80, s2, s29, $0xb8;
	[tilespmem:$0x1FBB0] =	vst v63  }
0x109: {  	_ =	swait.ge [sflag:s18], $0x3200  }
0x10a: {  	s3 =	sshrl.u32 s3, $0x3;
	[sflag:s18] =	ssyncset.done $0x0  }
0x10b: {  	s3 =	sadd.s32 s20, s3;
	[sflag:s18] =	ssyncadd.s32 $0xFFFFCE00  }
0x10c: {  	[tilespmem:s21], [sflag:$0x6] =	stream.linear.gather [hbm4b:s3+s1], $0x68, $0x38;
	[tilespmem:$0x1FBB0] =	vst v63  }
0x10d: {  	_ =	swait.ge [sflag:s18], $0x68  }
0x10e: {  	[sflag:s18] =	ssyncset.done $0x0  }
0x10f: {  	[sflag:s18] =	ssyncadd.s32 $0xFFFFFF98  }
0x110: {  	[tilespmem:s17], [sflag:$0x1] =	stream.indirect.gather [hbm4b:s9+s22], $0x80, s21, s22, $0xb8;
	[tilespmem:$0x1FBB0] =	vst v63  }
0x111: {  	_ = 	snop  }
0x112: {  	[tilespmem:s14], [sflag:$0x2] =	stream.indirect.gather [hbm4b:s9+s8], $0x80, s13, s8, $0xb8;
	[tilespmem:$0x1FBB0] =	vst v63  }
0x113: {  	_ =	swait.ge [sflag:s30], $0x1800  }
0x114: {  	[sflag:s30] =	ssyncset.done $0x0  }
0x115: {  	[sflag:s30] =	ssyncadd.s32 $0xFFFFE800  }
0x116: {  	_ =	swait.ge [sflag:s31], $0x1A00  }
0x117: {  	[sflag:s31] =	ssyncset.done $0x0  }
0x118: {  	s2 =	sadd.s32 $0x68, s2;
	[sflag:s31] =	ssyncadd.s32 $0xFFFFE600  }
0x119: {  	[spmem:s12] =	stream.indirect.scatter.add.f32 [tilespmem:s19], [sflag:$0x5], $0x10, s2, s29, $0xb8;
	[tilespmem:$0x1FBB0] =	vst v63  }
0x11a: {  	_ = 	snop  }
0x11b: {  	[spmem:s10] =	stream.indirect.scatter.add.f32 [tilespmem:s23], [sflag:$0x6], $0x80, s2, s29, $0xb8;
	[tilespmem:$0x1FBB0] =	vst v63  }
0x11c: {  	_ =	swait.ge [sflag:s18], $0x3200  }
0x11d: {  	s4 =	sld [smem:$0x7FC]  }
0x11e: {  	[sflag:s18] =	ssyncset.done $0x0  }
0x11f: {  	[sflag:s18] =	ssyncadd.s32 $0xFFFFCE00  }
0x120: {  	[tilespmem:s15], [sflag:$0x6] =	stream.linear.gather [hbm4b:s4+s1], $0x68, $0x38;
	[tilespmem:$0x1FBB0] =	vst v63  }
0x121: {  	_ =	swait.ge [sflag:s18], $0x68  }
0x122: {  	[sflag:s18] =	ssyncset.done $0x0  }
0x123: {  	[sflag:s18] =	ssyncadd.s32 $0xFFFFFF98  }
0x124: {  	[tilespmem:s23], [sflag:$0x3] =	stream.indirect.gather [hbm4b:s9+s22], $0x80, s15, s22, $0xb8;
	[tilespmem:$0x1FBB0] =	vst v63  }
0x125: {  	_ = 	snop  }
0x126: {  	[tilespmem:s25], [sflag:$0x4] =	stream.indirect.gather [hbm4b:s9+s8], $0x80, s24, s8, $0xb8;
	[tilespmem:$0x1FBB0] =	vst v63  }
0x127: {  	_ =	swait.ge [sflag:s26], $0x1800  }
0x128: {  	[sflag:s26] =	ssyncset.done $0x0  }
0x129: {  	[sflag:s26] =	ssyncadd.s32 $0xFFFFE800  }
0x12a: {  	_ =	swait.ge [sflag:s28], $0x1A00  }
0x12b: {  	[sflag:s28] =	ssyncset.done $0x0  }
0x12c: {  	s6 =	simm.s32 $0x27D0;
	s5 =	simm.s32 $0x64;
	[sflag:s28] =	ssyncadd.s32 $0xFFFFE600  }
0x12d: {  	[spmem:s12] =	stream.indirect.scatter.add.f32 [tilespmem:s19], [sflag:$0x5], $0x10, s6, s5, $0xb8;
	[tilespmem:$0x1FBB0] =	vst v63  }
0x12e: {  	_ = 	snop  }
0x12f: {  	[spmem:s10] =	stream.indirect.scatter.add.f32 [tilespmem:s17], [sflag:$0x6], $0x80, s6, s5, $0xb8;
	[tilespmem:$0x1FBB0] =	vst v63  }
0x130: {  	_ =	swait.ge [sflag:s18], $0x3200  }
0x131: {  	[sflag:s18] =	ssyncset.done $0x0  }
0x132: {  	[sflag:s18] =	ssyncadd.s32 $0xFFFFCE00  }
0x133: {  	_ =	swait.ge [sflag:s30], $0x1800  }
0x134: {  	[sflag:s30] =	ssyncset.done $0x0  }
0x135: {  	[sflag:s30] =	ssyncadd.s32 $0xFFFFE800  }
0x136: {  	_ =	swait.ge [sflag:s31], $0x1A00  }
0x137: {  	[sflag:s31] =	ssyncset.done $0x0  }
0x138: {  	s7 =	simm.s32 $0x2838;
	[sflag:s31] =	ssyncadd.s32 $0xFFFFE600  }
0x139: {  	[spmem:s12] =	stream.indirect.scatter.add.f32 [tilespmem:s19], [sflag:$0x5], $0x10, s7, s5, $0xb8;
	[tilespmem:$0x1FBB0] =	vst v63  }
0x13a: {  	_ = 	snop  }
0x13b: {  	[spmem:s10] =	stream.indirect.scatter.add.f32 [tilespmem:s23], [sflag:$0x6], $0x80, s7, s5, $0xb8;
	[tilespmem:$0x1FBB0] =	vst v63  }
0x13c: {  	_ =	swait.ge [sflag:s18], $0x3200  }
0x13d: {  	[sflag:s18] =	ssyncset.done $0x0  }
0x13e: {  	[sflag:s18] =	ssyncadd.s32 $0xFFFFCE00  }
0x13f: {  	_ =	swait.ge [sflag:s11], $0x640  }
0x140: {  	s2 =	simm.s32 $0x63;
	[sflag:s11] =	ssyncset.done $0x0  }
.LBB2_8:
0x141: {  	p0 =	sne.s32 s2, $0x1;
	s2 =	sadd.s32 $0xFFFFFFFF, s2;
	[sflag:s11] =	ssyncadd.s32 $0xFFFFF9C0  }
.Ltmp3:
0x142: {  	(pc) =	sbr.rel @p0 .LBB2_8-.Ltmp3, $3  }
0x143: {  	_ =	sdelay $0x1  }
0x144: {  	_ =	swait.ge [sflag:s11], $0x640  }
0x145: {  	[sflag:s11] =	ssyncset.done $0x0  }
0x146: {  	[sflag:s11] =	ssyncadd.s32 $0xFFFFF9C0  }
0x147: {  	[bflag:$0x0] =	sbarrier.arrive $0xFFFF  }
0x148: {  	[tilespmem:s17], [sflag:$0x6] =	stream.linear.gather [spmem:s16], $0x2800, $0x38;
	[tilespmem:$0x1FBB0] =	vst v63  }
0x149: {  	_ =	swait.ge [sflag:s18], $0x2800  }
0x14a: {  	[sflag:s18] =	ssyncset.done $0x0  }
0x14b: {  	s2 =	rddreg [dreg:$0x6];
	[sflag:s18] =	ssyncadd.s32 $0xFFFFD800  }
0x14c: {  	[hbm4b:s2+s1] =	stream.linear.scatter [tilespmem:s17], [sflag:$0x6], $0x2800, $0x38;
	[tilespmem:$0x1FBB0] =	vst v63  }
0x14d: {  	_ =	swait.ge [sflag:s18], $0x2800  }
0x14e: {  	[sflag:s18] =	ssyncset.done $0x0  }
0x14f: {  	s5 =	rddreg [dreg:$0x16];
	[sflag:s18] =	ssyncadd.s32 $0xFFFFD800  }
0x150: {  	[tilespmem:s19], [sflag:$0x6] =	stream.linear.gather [spmem:s5], $0x500, $0x38;
	[tilespmem:$0x1FBB0] =	vst v63  }
0x151: {  	_ =	swait.ge [sflag:s18], $0x500  }
0x152: {  	[sflag:s18] =	ssyncset.done $0x0  }
0x153: {  	s6 =	rddreg [dreg:$0xe];
	[sflag:s18] =	ssyncadd.s32 $0xFFFFFB00  }
0x154: {  	[hbm4b:s6+s1] =	stream.linear.scatter [tilespmem:s19], [sflag:$0x6], $0x500, $0x38;
	[tilespmem:$0x1FBB0] =	vst v63  }
0x155: {  	_ =	swait.ge [sflag:s18], $0x500  }
0x156: {  	[sflag:s18] =	ssyncset.done $0x0  }
0x157: {  	s7 =	smov.u32 s16;
	s16 =	rddreg [dreg:$0x17];
	[sflag:s18] =	ssyncadd.s32 $0xFFFFFB00  }
0x158: {  	[tilespmem:s17], [sflag:$0x6] =	stream.linear.gather [spmem:s16], $0x2800, $0x38;
	[tilespmem:$0x1FBB0] =	vst v63  }
0x159: {  	_ =	swait.ge [sflag:s18], $0x2800  }
0x15a: {  	[sflag:s18] =	ssyncset.done $0x0  }
0x15b: {  	s3 =	rddreg [dreg:$0x7];
	[sflag:s18] =	ssyncadd.s32 $0xFFFFD800  }
0x15c: {  	[hbm4b:s3+s1] =	stream.linear.scatter [tilespmem:s17], [sflag:$0x6], $0x2800, $0x38;
	[tilespmem:$0x1FBB0] =	vst v63  }
0x15d: {  	_ =	swait.ge [sflag:s18], $0x2800  }
0x15e: {  	[sflag:s18] =	ssyncset.done $0x0  }
0x15f: {  	s4 =	rddreg [dreg:$0x18];
	[sflag:s18] =	ssyncadd.s32 $0xFFFFD800  }
0x160: {  	[tilespmem:s19], [sflag:$0x6] =	stream.linear.gather [spmem:s4], $0x500, $0x38;
	[tilespmem:$0x1FBB0] =	vst v63  }
0x161: {  	_ =	swait.ge [sflag:s18], $0x500  }
0x162: {  	[sflag:s18] =	ssyncset.done $0x0  }
0x163: {  	s5 =	rddreg [dreg:$0xf];
	[sflag:s18] =	ssyncadd.s32 $0xFFFFFB00  }
0x164: {  	[hbm4b:s5+s1] =	stream.linear.scatter [tilespmem:s19], [sflag:$0x6], $0x500, $0x38;
	[tilespmem:$0x1FBB0] =	vst v63  }
0x165: {  	_ =	swait.ge [sflag:s18], $0x500  }
0x166: {  	[sflag:s18] =	ssyncset.done $0x0  }
0x167: {  	s6 =	rddreg [dreg:$0x19];
	[sflag:s18] =	ssyncadd.s32 $0xFFFFFB00  }
0x168: {  	[tilespmem:s17], [sflag:$0x6] =	stream.linear.gather [spmem:s6], $0x2800, $0x38;
	[tilespmem:$0x1FBB0] =	vst v63  }
0x169: {  	_ =	swait.ge [sflag:s18], $0x2800  }
0x16a: {  	[sflag:s18] =	ssyncset.done $0x0  }
0x16b: {  	s16 =	rddreg [dreg:$0x8];
	[sflag:s18] =	ssyncadd.s32 $0xFFFFD800  }
0x16c: {  	[hbm4b:s16+s1] =	stream.linear.scatter [tilespmem:s17], [sflag:$0x6], $0x2800, $0x38;
	[tilespmem:$0x1FBB0] =	vst v63  }
0x16d: {  	_ =	swait.ge [sflag:s18], $0x2800  }
0x16e: {  	[sflag:s18] =	ssyncset.done $0x0  }
0x16f: {  	s3 =	rddreg [dreg:$0x1a];
	[sflag:s18] =	ssyncadd.s32 $0xFFFFD800  }
0x170: {  	[tilespmem:s19], [sflag:$0x6] =	stream.linear.gather [spmem:s3], $0x500, $0x38;
	[tilespmem:$0x1FBB0] =	vst v63  }
0x171: {  	_ =	swait.ge [sflag:s18], $0x500  }
0x172: {  	[sflag:s18] =	ssyncset.done $0x0  }
0x173: {  	s4 =	rddreg [dreg:$0x10];
	[sflag:s18] =	ssyncadd.s32 $0xFFFFFB00  }
0x174: {  	[hbm4b:s4+s1] =	stream.linear.scatter [tilespmem:s19], [sflag:$0x6], $0x500, $0x38;
	[tilespmem:$0x1FBB0] =	vst v63  }
0x175: {  	_ =	swait.ge [sflag:s18], $0x500  }
0x176: {  	[sflag:s18] =	ssyncset.done $0x0  }
0x177: {  	s5 =	rddreg [dreg:$0x1b];
	[sflag:s18] =	ssyncadd.s32 $0xFFFFFB00  }
0x178: {  	[tilespmem:s17], [sflag:$0x6] =	stream.linear.gather [spmem:s5], $0x2800, $0x38;
	[tilespmem:$0x1FBB0] =	vst v63  }
0x179: {  	_ =	swait.ge [sflag:s18], $0x2800  }
0x17a: {  	[sflag:s18] =	ssyncset.done $0x0  }
0x17b: {  	s6 =	rddreg [dreg:$0x9];
	[sflag:s18] =	ssyncadd.s32 $0xFFFFD800  }
0x17c: {  	[hbm4b:s6+s1] =	stream.linear.scatter [tilespmem:s17], [sflag:$0x6], $0x2800, $0x38;
	[tilespmem:$0x1FBB0] =	vst v63  }
0x17d: {  	_ =	swait.ge [sflag:s18], $0x2800  }
0x17e: {  	[sflag:s18] =	ssyncset.done $0x0  }
0x17f: {  	s16 =	rddreg [dreg:$0x1c];
	[sflag:s18] =	ssyncadd.s32 $0xFFFFD800  }
0x180: {  	[tilespmem:s19], [sflag:$0x6] =	stream.linear.gather [spmem:s16], $0x500, $0x38;
	[tilespmem:$0x1FBB0] =	vst v63  }
0x181: {  	_ =	swait.ge [sflag:s18], $0x500  }
0x182: {  	[sflag:s18] =	ssyncset.done $0x0  }
0x183: {  	s3 =	rddreg [dreg:$0x11];
	[sflag:s18] =	ssyncadd.s32 $0xFFFFFB00  }
0x184: {  	[hbm4b:s3+s1] =	stream.linear.scatter [tilespmem:s19], [sflag:$0x6], $0x500, $0x38;
	[tilespmem:$0x1FBB0] =	vst v63  }
0x185: {  	_ =	swait.ge [sflag:s18], $0x500  }
0x186: {  	[sflag:s18] =	ssyncset.done $0x0  }
0x187: {  	s5 =	rddreg [dreg:$0x1d];
	[sflag:s18] =	ssyncadd.s32 $0xFFFFFB00  }
0x188: {  	[tilespmem:s17], [sflag:$0x6] =	stream.linear.gather [spmem:s5], $0x2800, $0x38;
	[tilespmem:$0x1FBB0] =	vst v63  }
0x189: {  	_ =	swait.ge [sflag:s18], $0x2800  }
0x18a: {  	[sflag:s18] =	ssyncset.done $0x0  }
0x18b: {  	s4 =	rddreg [dreg:$0xa];
	[sflag:s18] =	ssyncadd.s32 $0xFFFFD800  }
0x18c: {  	[hbm4b:s4+s1] =	stream.linear.scatter [tilespmem:s17], [sflag:$0x6], $0x2800, $0x38;
	[tilespmem:$0x1FBB0] =	vst v63  }
0x18d: {  	_ =	swait.ge [sflag:s18], $0x2800  }
0x18e: {  	[sflag:s18] =	ssyncset.done $0x0  }
0x18f: {  	s6 =	rddreg [dreg:$0x1e];
	[sflag:s18] =	ssyncadd.s32 $0xFFFFD800  }
0x190: {  	[tilespmem:s19], [sflag:$0x6] =	stream.linear.gather [spmem:s6], $0x500, $0x38;
	[tilespmem:$0x1FBB0] =	vst v63  }
0x191: {  	_ =	swait.ge [sflag:s18], $0x500  }
0x192: {  	[sflag:s18] =	ssyncset.done $0x0  }
0x193: {  	s16 =	rddreg [dreg:$0x12];
	[sflag:s18] =	ssyncadd.s32 $0xFFFFFB00  }
0x194: {  	[hbm4b:s16+s1] =	stream.linear.scatter [tilespmem:s19], [sflag:$0x6], $0x500, $0x38;
	[tilespmem:$0x1FBB0] =	vst v63  }
0x195: {  	_ =	swait.ge [sflag:s18], $0x500  }
0x196: {  	[sflag:s18] =	ssyncset.done $0x0  }
0x197: {  	s6 =	rddreg [dreg:$0x1f];
	[sflag:s18] =	ssyncadd.s32 $0xFFFFFB00  }
0x198: {  	[tilespmem:s17], [sflag:$0x6] =	stream.linear.gather [spmem:s6], $0x2800, $0x38;
	[tilespmem:$0x1FBB0] =	vst v63  }
0x199: {  	_ =	swait.ge [sflag:s18], $0x2800  }
0x19a: {  	[sflag:s18] =	ssyncset.done $0x0  }
0x19b: {  	s3 =	rddreg [dreg:$0xb];
	[sflag:s18] =	ssyncadd.s32 $0xFFFFD800  }
0x19c: {  	[hbm4b:s3+s1] =	stream.linear.scatter [tilespmem:s17], [sflag:$0x6], $0x2800, $0x38;
	[tilespmem:$0x1FBB0] =	vst v63  }
0x19d: {  	_ =	swait.ge [sflag:s18], $0x2800  }
0x19e: {  	s4 =	sld [smem:$0x7F4]  }
0x19f: {  	[sflag:s18] =	ssyncset.done $0x0  }
0x1a0: {  	[sflag:s18] =	ssyncadd.s32 $0xFFFFD800  }
0x1a1: {  	[tilespmem:s19], [sflag:$0x6] =	stream.linear.gather [spmem:s4], $0x500, $0x38;
	[tilespmem:$0x1FBB0] =	vst v63  }
0x1a2: {  	_ =	swait.ge [sflag:s18], $0x500  }
0x1a3: {  	[sflag:s18] =	ssyncset.done $0x0  }
0x1a4: {  	s16 =	rddreg [dreg:$0x13];
	[sflag:s18] =	ssyncadd.s32 $0xFFFFFB00  }
0x1a5: {  	[hbm4b:s16+s1] =	stream.linear.scatter [tilespmem:s19], [sflag:$0x6], $0x500, $0x38;
	[tilespmem:$0x1FBB0] =	vst v63  }
0x1a6: {  	_ =	swait.ge [sflag:s18], $0x500  }
0x1a7: {  	s3 =	sld [smem:$0x7F5]  }
0x1a8: {  	[sflag:s18] =	ssyncset.done $0x0  }
0x1a9: {  	[sflag:s18] =	ssyncadd.s32 $0xFFFFFB00  }
0x1aa: {  	[tilespmem:s17], [sflag:$0x6] =	stream.linear.gather [spmem:s3], $0x2800, $0x38;
	[tilespmem:$0x1FBB0] =	vst v63  }
0x1ab: {  	_ =	swait.ge [sflag:s18], $0x2800  }
0x1ac: {  	[sflag:s18] =	ssyncset.done $0x0  }
0x1ad: {  	s4 =	rddreg [dreg:$0xc];
	[sflag:s18] =	ssyncadd.s32 $0xFFFFD800  }
0x1ae: {  	[hbm4b:s4+s1] =	stream.linear.scatter [tilespmem:s17], [sflag:$0x6], $0x2800, $0x38;
	[tilespmem:$0x1FBB0] =	vst v63  }
0x1af: {  	_ =	swait.ge [sflag:s18], $0x2800  }
0x1b0: {  	s16 =	sld [smem:$0x7F6]  }
0x1b1: {  	[sflag:s18] =	ssyncset.done $0x0  }
0x1b2: {  	[sflag:s18] =	ssyncadd.s32 $0xFFFFD800  }
0x1b3: {  	[tilespmem:s19], [sflag:$0x6] =	stream.linear.gather [spmem:s16], $0x500, $0x38;
	[tilespmem:$0x1FBB0] =	vst v63  }
0x1b4: {  	_ =	swait.ge [sflag:s18], $0x500  }
0x1b5: {  	[sflag:s18] =	ssyncset.done $0x0  }
0x1b6: {  	s3 =	rddreg [dreg:$0x14];
	[sflag:s18] =	ssyncadd.s32 $0xFFFFFB00  }
0x1b7: {  	[hbm4b:s3+s1] =	stream.linear.scatter [tilespmem:s19], [sflag:$0x6], $0x500, $0x38;
	[tilespmem:$0x1FBB0] =	vst v63  }
0x1b8: {  	_ =	swait.ge [sflag:s18], $0x500  }
0x1b9: {  	s4 =	sld [smem:$0x7F7]  }
0x1ba: {  	[sflag:s18] =	ssyncset.done $0x0  }
0x1bb: {  	[sflag:s18] =	ssyncadd.s32 $0xFFFFFB00  }
0x1bc: {  	[tilespmem:s17], [sflag:$0x6] =	stream.linear.gather [spmem:s4], $0x2800, $0x38;
	[tilespmem:$0x1FBB0] =	vst v63  }
0x1bd: {  	_ =	swait.ge [sflag:s18], $0x2800  }
0x1be: {  	[sflag:s18] =	ssyncset.done $0x0  }
0x1bf: {  	s16 =	rddreg [dreg:$0xd];
	[sflag:s18] =	ssyncadd.s32 $0xFFFFD800  }
0x1c0: {  	[hbm4b:s16+s1] =	stream.linear.scatter [tilespmem:s17], [sflag:$0x6], $0x2800, $0x38;
	[tilespmem:$0x1FBB0] =	vst v63  }
0x1c1: {  	_ =	swait.ge [sflag:s18], $0x2800  }
0x1c2: {  	s3 =	sld [smem:$0x7F8]  }
0x1c3: {  	[sflag:s18] =	ssyncset.done $0x0  }
0x1c4: {  	[sflag:s18] =	ssyncadd.s32 $0xFFFFD800  }
0x1c5: {  	[tilespmem:s19], [sflag:$0x6] =	stream.linear.gather [spmem:s3], $0x500, $0x38;
	[tilespmem:$0x1FBB0] =	vst v63  }
0x1c6: {  	_ =	swait.ge [sflag:s18], $0x500  }
0x1c7: {  	[sflag:s18] =	ssyncset.done $0x0  }
0x1c8: {  	s4 =	rddreg [dreg:$0x15];
	[sflag:s18] =	ssyncadd.s32 $0xFFFFFB00  }
0x1c9: {  	[hbm4b:s4+s1] =	stream.linear.scatter [tilespmem:s19], [sflag:$0x6], $0x500, $0x38;
	[tilespmem:$0x1FBB0] =	vst v63  }
0x1ca: {  	_ =	swait.ge [sflag:s18], $0x500  }
0x1cb: {  	s16 =	sld [smem:$0x7FB];
	_ =	sdelay $0x1  }
0x1cc: {  	s0 =	sadd.s32 $0x1, s0  }
0x1cd: {  	p0 =	sne.s32 s0, s16  }
.Ltmp4:
0x1ce: {  	_ = 	snop;
	(pc) =	sbr.rel @p0 .LBB2_1-.Ltmp4, $3  }
0x1cf: {  	_ =	sdelay $0x1  }
0x1d0: {  	[sflag:s18] =	ssyncset.done $0x0  }
0x1d1: {  	[sflag:s18] =	ssyncadd.s32 $0xFFFFFB00  }
0x1d2: {  	_ =	sfence.sel $0x180000  }
0x1d3: {  	[bflag:$0x0] =	sbarrier.arrive $0xFFFF  }
0x1d4: {  	_ =	strace $0x90000047  }
0x1d5: {  	s0 =	stileid.u32;
	[bflag:$0x2] =	sbarrier.arrive $0xFFFF  }
0x1d6: {  	p0 =	sne.s32 s0, $0x0;
	s0 =	rddreg [dreg:$0x4]  }
0x1d7: {  	s0 =	sadd.s32 @!p0 $0x100000, s0  }
0x1d8: {  	[sflag:s0] =	ssyncadd.tile.s32 @!p0 $0x1;
	_ =	shalt  }
.Lfunc_end2:
_tile_overlayer_lowered:
.L_overlay_start_2:
0x1d9: {  	(tag) =	ssettag $0x2  }
0x1da: {  	s0 =	rddreg [dreg:$0x0];
	s2 =	stileid.u32  }
0x1db: {  	s1 =	rddreg [dreg:$0x1];
	p0 =	sne.s32 s2, $0x0  }
0x1dc: {  	s3 =	rddreg [dreg:$0x2];
	[bflag:$0x3] =	sbarrier.arrive $0xFFFF;
	s2 =	simm.s32 @!p0 $0x1C06  }
0x1dd: {  	[timem:s3], [sflag:s2] =	dma.local @!p0 [hbm:s0], s1  }
0x1de: {  	s0 =	simm.s32 @!p0 $0x6  }
0x1df: {  	_ =	swait.ge @!p0 [sflag:s0], s1  }
0x1e0: {  	s1 =	ssub.s32 @!p0 $0x0, s1;
	[sflag:s0] =	ssyncset.done @!p0 $0x0  }
0x1e1: {  	[sflag:s0] =	ssyncadd.s32 @!p0 s1  }
0x1e2: {  	[bflag:$0x3] =	sbarrier.arrive $0xFFFF  }
0x1e3: {  	_ =	shalt  }

</sc_bundles>
